<compile_context>
chip_gen: v7x
topology: tpu7x:2x2x1
jax: 0.10.2.dev20260603
libtpu: 0.0.44.dev20260713+nightly
codegen_flags: <defaults>
</compile_context>

<pallas_src>
import functools
import math

import jax
import jax.numpy as jnp
from jax import lax
from jax.experimental import pallas as pl
from jax.experimental.pallas import tpu as pltpu
from jax.experimental.pallas import tpu_sc as plsc

_T = 2048
_H = 12
_BINS = 32
_HALF = _BINS // 2
_L = 16
_NW = 32
_ROWS_PER_W = _T // _NW
_CHUNKS = _T // _L
_PI = math.pi
_TWO_PI = 2.0 * math.pi
_SPHI = _HALF / math.pi


def _rpe_sc_call(eta, phi, table):
    mesh = plsc.VectorSubcoreMesh(core_axis_name="c", subcore_axis_name="s")

    @functools.partial(
        pl.kernel,
        out_type=jax.ShapeDtypeStruct((1, _H, _T, _T), jnp.float32),
        mesh=mesh,
        scratch_types=[
            pltpu.VMEM((_T + _L,), jnp.float32),
            pltpu.VMEM((_T + _L,), jnp.float32),
            pltpu.VMEM((_T + _L,), jnp.float32),
            pltpu.VMEM((_BINS * 2, _H), jnp.float32),
            pltpu.VMEM(((_H // 2) * 1024,), jnp.int32),
            pltpu.VMEM((2, _H, 2, _T), jnp.float32),
            pltpu.SemaphoreType.DMA,
            pltpu.SemaphoreType.DMA,
        ],
        compiler_params=pltpu.CompilerParams(needs_layout_passes=False),
    )
    def k(eta_hbm, phi_hbm, tab_hbm, out_hbm,
          eta_v, phi_v, pa_v, tab_v, tfp_v, buf_v, sem0, sem1):
        wid = lax.axis_index("s") * 2 + lax.axis_index("c")
        base = wid * _ROWS_PER_W

        pltpu.sync_copy(eta_hbm, eta_v.at[pl.ds(0, _T)])
        pltpu.sync_copy(phi_hbm, phi_v.at[pl.ds(0, _T)])
        pltpu.sync_copy(tab_hbm, tab_v)

        def red_body(c, carry):
            mx, mn = carry
            v = eta_v[pl.ds(c * _L, _L)]
            return jnp.maximum(mx, v), jnp.minimum(mn, v)

        v0 = eta_v[pl.ds(0, _L)]
        mx, mn = lax.fori_loop(1, _CHUNKS, red_body, (v0, v0))
        rng = jnp.maximum(
            jnp.broadcast_to(jnp.max(mx) - jnp.min(mn), (_L,)),
            jnp.float32(1e-6))
        se = jnp.float32(_HALF) / rng

        def scale_body(c, _):
            sl = pl.ds(c * _L, _L)
            eta_v[sl] = eta_v[sl] * se
            ph = phi_v[sl]
            pa_v[sl] = jnp.mod(ph + _PI, _TWO_PI) * _SPHI
            phi_v[sl] = jnp.mod(ph, _TWO_PI) * _SPHI
            return 0

        lax.fori_loop(0, _CHUNKS, scale_body, 0)

        def tf_body(n, _):
            v = n * _L + lax.iota(jnp.int32, _L)
            hp = v >> 10
            e = (v & 1023) >> 5
            p = (v & 31) + _BINS
            h0 = hp << 1
            h1 = h0 + 1
            s0 = plsc.load_gather(tab_v, [e, h0]) + plsc.load_gather(
                tab_v, [p, h0])
            s1 = plsc.load_gather(tab_v, [e, h1]) + plsc.load_gather(
                tab_v, [p, h1])
            b0 = plsc.bitcast(s0, jnp.int32)
            b1 = plsc.bitcast(s1, jnp.int32)
            b0 = b0 + 0x7FFF + ((b0 >> 16) & 1)
            b1 = b1 + 0x7FFF + ((b1 >> 16) & 1)
            tfp_v[pl.ds(n * _L, _L)] = ((b0 >> 16) & 0xFFFF) | (
                b1 & jnp.int32(-65536))
            return 0

        lax.fori_loop(0, ((_H // 2) * 1024) // _L, tf_body, 0)

        def compute_pair(i0, slot):
            a_e0 = eta_v[pl.ds(i0, _L)][0]
            p_i0 = pa_v[pl.ds(i0, _L)][0]
            a_e1 = eta_v[pl.ds(i0 + 1, _L)][0]
            p_i1 = pa_v[pl.ds(i0 + 1, _L)][0]

            @plsc.parallel_loop(0, _T, step=_L, unroll=1)
            def _(off):
                ej = eta_v[pl.ds(off, _L)]
                pj = phi_v[pl.ds(off, _L)]
                for s, a_e, p_i in ((0, a_e0, p_i0), (1, a_e1, p_i1)):
                    eb = (a_e - ej).astype(jnp.int32)
                    eb = jnp.minimum(eb, _HALF - 1)
                    x = p_i - pj
                    x = jnp.where(x < 0.0, x + jnp.float32(_BINS), x)
                    pb = (x - jnp.float32(_HALF)).astype(jnp.int32)
                    pb = jnp.minimum(pb, _HALF - 1)
                    ci = (eb << 5) + pb
                    for hp in range(_H // 2):
                        g = plsc.load_gather(tfp_v, [ci + (hp * 1024 + 528)])
                        buf_v[slot, 2 * hp, s, pl.ds(off, _L)] = plsc.bitcast(
                            g << 16, jnp.float32)
                        buf_v[slot, 2 * hp + 1, s, pl.ds(off, _L)] = (
                            plsc.bitcast(g & jnp.int32(-65536), jnp.float32))

        def emit_pair(i0, slot, sem):
            pltpu.async_copy(
                buf_v.at[slot], out_hbm.at[0, :, pl.ds(i0, 2), :], sem)

        def drain_pair(i0, slot, sem):
            pltpu.make_async_copy(
                buf_v.at[slot], out_hbm.at[0, :, pl.ds(i0, 2), :],
                sem).wait()

        def quad_body(t, _):
            i0 = base + 4 * t

            @pl.when(t > 0)
            def _():
                drain_pair(i0 - 4, 0, sem0)

            compute_pair(i0, 0)
            emit_pair(i0, 0, sem0)

            @pl.when(t > 0)
            def _():
                drain_pair(i0 - 2, 1, sem1)

            compute_pair(i0 + 2, 1)
            emit_pair(i0 + 2, 1, sem1)
            return 0

        lax.fori_loop(0, _ROWS_PER_W // 4, quad_body, 0)
        drain_pair(base + _ROWS_PER_W - 4, 0, sem0)
        drain_pair(base + _ROWS_PER_W - 2, 1, sem1)

    return k(eta, phi, table)


def kernel(coords, rpe_table):
    eta = coords[0, :, 0]
    phi = coords[0, :, 1]
    return _rpe_sc_call(eta, phi, rpe_table)

# --- scband reference (transcript-rebuilt; emitter-appended) ---
"""Pipeline reference for scband-quantized-rpe-58815282151821 (READ-ONLY COPY).

The authoritative reference and input builder live on the scoring server;
editing this copy changes nothing except your own understanding.
"""

import jax, jax.numpy as jnp
import numpy as np
import math

NUM_HEADS = 12
BINS = 32

def setup_inputs(seed: int = 0) -> dict:
    key = jax.random.key(seed)
    k1, k2 = jax.random.split(key)
    coords = jax.random.normal(k1, (1, 2048, 2), dtype=jnp.float32)
    rpe_table = jax.random.truncated_normal(k2, -2.0, 2.0, (2 * BINS, NUM_HEADS), dtype=jnp.float32) * 0.02
    return {"coords": coords, "rpe_table": rpe_table}

def reference(coords, rpe_table):
    bins = BINS
    eta = coords[..., 0]
    phi = coords[..., 1]
    rel_eta = eta[:, :, None] - eta[:, None, :]
    rel_phi = phi[:, :, None] - phi[:, None, :]
    pi = jnp.asarray(math.pi, dtype=phi.dtype)
    rel_phi = jnp.mod(rel_phi + pi, 2.0 * pi) - pi
    eta_range = jnp.max(jnp.abs(rel_eta))
    eta_range = jnp.maximum(eta_range, jnp.asarray(1e-06, eta.dtype))
    phi_range = pi
    eta_bins = (rel_eta / eta_range * (bins // 2)).astype(jnp.int32)
    phi_bins = (rel_phi / phi_range * (bins // 2)).astype(jnp.int32)
    eta_bins = jnp.clip(eta_bins, -bins // 2, bins // 2 - 1)
    phi_bins = jnp.clip(phi_bins, -bins // 2, bins // 2 - 1)
    eta_idx = eta_bins + bins // 2
    phi_idx = phi_bins + bins // 2 + bins
    eta_bias = jnp.take(rpe_table, eta_idx, axis=0)
    phi_bias = jnp.take(rpe_table, phi_idx, axis=0)
    bias = eta_bias + phi_bias
    bias = jnp.transpose(bias, (0, 3, 1, 2))
    return bias

if __name__ == "__main__":
    import jax
    _d = setup_inputs()
    print(jax.jit(kernel)(*tuple(_d.values())))

</pallas_src>

<mosaic_0001>
#map = affine_map<(d0, d1) -> (0)>
#map1 = affine_map<(d0, d1) -> (0, 0)>
#map2 = affine_map<(d0, d1) -> (0, 0, 0, 0)>
module attributes {stable_mosaic.version = 14 : i64} {
  func.func @k(%arg0: i32, %arg1: i32, %arg2: memref<2048xf32, #tpu.memory_space<hbm>>, %arg3: memref<2048xf32, #tpu.memory_space<hbm>>, %arg4: memref<64x12xf32, #tpu.memory_space<hbm>>, %arg5: memref<1x12x2048x2048xf32, #tpu.memory_space<hbm>>, %arg6: memref<2064xf32, #tpu.memory_space<vmem>>, %arg7: memref<2064xf32, #tpu.memory_space<vmem>>, %arg8: memref<2064xf32, #tpu.memory_space<vmem>>, %arg9: memref<64x12xf32, #tpu.memory_space<vmem>>, %arg10: memref<6144xi32, #tpu.memory_space<vmem>>, %arg11: memref<2x12x2x2048xf32, #tpu.memory_space<vmem>>, %arg12: memref<!tpu.dma_semaphore, #tpu.memory_space<semaphore_mem>>, %arg13: memref<!tpu.dma_semaphore, #tpu.memory_space<semaphore_mem>>) attributes {dimension_semantics = [#tpu.dimension_semantics<core_parallel>, #tpu.dimension_semantics<subcore_parallel>], iteration_bounds = array<i64: 2, 16>, scalar_prefetch = 0 : i64, scratch_operands = 8 : i64, tpu.core_type = #tpu.core_type<sc_vector_subcore>, window_params = [{transform_indices = #map}, {transform_indices = #map}, {transform_indices = #map1}, {transform_indices = #map2}]} {
    %mul3A = arith.constant 2 : i32
    %mul3A_0 = arith.muli %arg1, %mul3A : i32
    %add3A = arith.addi %mul3A_0, %arg0 : i32
    %mul3A_1 = arith.constant 64 : i32
    %mul3A_2 = arith.muli %add3A, %mul3A_1 : i32
    "tpu.region"() ({
      %run_scoped3A = tpu.sem_alloc : memref<!tpu.dma_semaphore, #tpu.memory_space<semaphore_mem>>
      %dma_start3A = arith.constant 0 : i32
      %dma_start3A_87 = tpu.memref_slice %arg6[%dma_start3A] : memref<2064xf32, #tpu.memory_space<vmem>> -> memref<2048xf32, #tpu.memory_space<vmem>>
      %dma_start3A_88 = arith.constant 0 : i32
      %dma_start3A_89 = tpu.memref_slice %arg6[%dma_start3A_88] : memref<2064xf32, #tpu.memory_space<vmem>> -> memref<2048xf32, #tpu.memory_space<vmem>>
      tpu.enqueue_dma source(%arg2 : memref<2048xf32, #tpu.memory_space<hbm>>) target(%dma_start3A_89 : memref<2048xf32, #tpu.memory_space<vmem>>) target_semaphore(%run_scoped3A : memref<!tpu.dma_semaphore, #tpu.memory_space<semaphore_mem>>)
      %dma_wait3A_90 = arith.constant 0 : i32
      %dma_wait3A_91 = tpu.memref_slice %arg6[%dma_wait3A_90] : memref<2064xf32, #tpu.memory_space<vmem>> -> memref<2048xf32, #tpu.memory_space<vmem>>
      %dma_wait3A_92 = arith.constant 0 : i32
      %dma_wait3A_93 = tpu.memref_slice %arg6[%dma_wait3A_92] : memref<2064xf32, #tpu.memory_space<vmem>> -> memref<2048xf32, #tpu.memory_space<vmem>>
      tpu.wait_dma2 semaphore(%run_scoped3A : memref<!tpu.dma_semaphore, #tpu.memory_space<semaphore_mem>>) src(%arg2 : memref<2048xf32, #tpu.memory_space<hbm>>) dst(%dma_wait3A_93 : memref<2048xf32, #tpu.memory_space<vmem>>)
      tpu.yield
    }) : () -> ()
    "tpu.region"() ({
      %run_scoped3A = tpu.sem_alloc : memref<!tpu.dma_semaphore, #tpu.memory_space<semaphore_mem>>
      %dma_start3A = arith.constant 0 : i32
      %dma_start3A_87 = tpu.memref_slice %arg7[%dma_start3A] : memref<2064xf32, #tpu.memory_space<vmem>> -> memref<2048xf32, #tpu.memory_space<vmem>>
      %dma_start3A_88 = arith.constant 0 : i32
      %dma_start3A_89 = tpu.memref_slice %arg7[%dma_start3A_88] : memref<2064xf32, #tpu.memory_space<vmem>> -> memref<2048xf32, #tpu.memory_space<vmem>>
      tpu.enqueue_dma source(%arg3 : memref<2048xf32, #tpu.memory_space<hbm>>) target(%dma_start3A_89 : memref<2048xf32, #tpu.memory_space<vmem>>) target_semaphore(%run_scoped3A : memref<!tpu.dma_semaphore, #tpu.memory_space<semaphore_mem>>)
      %dma_wait3A_90 = arith.constant 0 : i32
      %dma_wait3A_91 = tpu.memref_slice %arg7[%dma_wait3A_90] : memref<2064xf32, #tpu.memory_space<vmem>> -> memref<2048xf32, #tpu.memory_space<vmem>>
      %dma_wait3A_92 = arith.constant 0 : i32
      %dma_wait3A_93 = tpu.memref_slice %arg7[%dma_wait3A_92] : memref<2064xf32, #tpu.memory_space<vmem>> -> memref<2048xf32, #tpu.memory_space<vmem>>
      tpu.wait_dma2 semaphore(%run_scoped3A : memref<!tpu.dma_semaphore, #tpu.memory_space<semaphore_mem>>) src(%arg3 : memref<2048xf32, #tpu.memory_space<hbm>>) dst(%dma_wait3A_93 : memref<2048xf32, #tpu.memory_space<vmem>>)
      tpu.yield
    }) : () -> ()
    "tpu.region"() ({
      %run_scoped3A = tpu.sem_alloc : memref<!tpu.dma_semaphore, #tpu.memory_space<semaphore_mem>>
      tpu.enqueue_dma source(%arg4 : memref<64x12xf32, #tpu.memory_space<hbm>>) target(%arg9 : memref<64x12xf32, #tpu.memory_space<vmem>>) target_semaphore(%run_scoped3A : memref<!tpu.dma_semaphore, #tpu.memory_space<semaphore_mem>>)
      tpu.wait_dma2 semaphore(%run_scoped3A : memref<!tpu.dma_semaphore, #tpu.memory_space<semaphore_mem>>) src(%arg4 : memref<64x12xf32, #tpu.memory_space<hbm>>) dst(%arg9 : memref<64x12xf32, #tpu.memory_space<vmem>>)
      tpu.yield
    }) : () -> ()
    %get3A = arith.constant 0 : index
    %get3A_3 = tpu.vector_load %arg6[%get3A] {strides = array<i32>} : memref<2064xf32, #tpu.memory_space<vmem>>, vector<16xf32>,
    %scan3A = arith.constant 1 : i32
    %scan3A_4 = arith.constant 127 : i32
    %scan3A_5 = arith.addi %scan3A, %scan3A_4 : i32
    %scan3A_6 = arith.constant 1 : i32
    %scan3A_7:2 = scf.for %scan3A_87 = %scan3A to %scan3A_5 step %scan3A_6 iter_args(%scan3A_88 = %get3A_3, %scan3A_89 = %get3A_3) -> (vector<16xf32>, vector<16xf32>)  : i32 {
      %mul3A_90 = arith.constant 16 : i32
      %mul3A_91 = arith.muli %scan3A_87, %mul3A_90 : i32
      %get3A_92 = arith.index_cast %mul3A_91 : i32 to index
      %get3A_93 = tpu.vector_load %arg6[%get3A_92] {strides = array<i32>} : memref<2064xf32, #tpu.memory_space<vmem>>, vector<16xf32>,
      %max3A_94 = arith.maximumf %scan3A_88, %get3A_93 : vector<16xf32>
      %min3A = arith.minimumf %scan3A_89, %get3A_93 : vector<16xf32>
      scf.yield %max3A_94, %min3A : vector<16xf32>, vector<16xf32>
    }
    %scan3A_8 = arith.constant 127 : i32
    %reduce_max3A = arith.constant true
    %reduce_max3A_9 = vector.broadcast %reduce_max3A : i1 to vector<16xi1>
    %reduce_max3A_10 = tpu.scan <max>, %scan3A_7#0 masked %reduce_max3A_9 : vector<16xf32>, vector<16xi1> -> vector<16xf32>
    %reduce_max3A_11 = vector.extract %reduce_max3A_10[15] : f32 from vector<16xf32>
    %reduce_min3A = arith.constant true
    %reduce_min3A_12 = vector.broadcast %reduce_min3A : i1 to vector<16xi1>
    %reduce_min3A_13 = tpu.scan <min>, %scan3A_7#1 masked %reduce_min3A_12 : vector<16xf32>, vector<16xi1> -> vector<16xf32>
    %reduce_min3A_14 = vector.extract %reduce_min3A_13[15] : f32 from vector<16xf32>
    %sub3A = arith.subf %reduce_max3A_11, %reduce_min3A_14 : f32
    %broadcast_in_dim3A = vector.broadcast %sub3A : f32 to vector<16xf32>
    %max3A = arith.constant 9.99999997E-7 : f32
    %max3A_15 = vector.broadcast %max3A : f32 to vector<16xf32>
    %max3A_16 = arith.maximumf %broadcast_in_dim3A, %max3A_15 : vector<16xf32>
    %div3A = arith.constant 1.600000e+01 : f32
    %div3A_17 = vector.broadcast %div3A : f32 to vector<16xf32>
    %div3A_18 = arith.divf %div3A_17, %max3A_16 : vector<16xf32>
    %scan3A_19 = arith.constant 0 : i32
    %scan3A_20 = arith.constant 0 : i32
    %scan3A_21 = arith.constant 128 : i32
    %scan3A_22 = arith.addi %scan3A_20, %scan3A_21 : i32
    %scan3A_23 = arith.constant 1 : i32
    %scan3A_24 = scf.for %scan3A_87 = %scan3A_20 to %scan3A_22 step %scan3A_23 iter_args(%scan3A_88 = %scan3A_19) -> (i32)  : i32 {
      %mul3A_89 = arith.constant 16 : i32
      %mul3A_90 = arith.muli %scan3A_87, %mul3A_89 : i32
      %get3A_91 = arith.index_cast %mul3A_90 : i32 to index
      %get3A_92 = tpu.vector_load %arg6[%get3A_91] {strides = array<i32>} : memref<2064xf32, #tpu.memory_space<vmem>>, vector<16xf32>,
      %mul3A_93 = arith.mulf %get3A_92, %div3A_18 : vector<16xf32>
      %swap3A = arith.index_cast %mul3A_90 : i32 to index
      %swap3A_94 = tpu.vector_load %arg6[%swap3A] {strides = array<i32>} : memref<2064xf32, #tpu.memory_space<vmem>>, vector<16xf32>,
      tpu.vector_store %arg6[%swap3A], %mul3A_93 {strides = array<i32>} : memref<2064xf32, #tpu.memory_space<vmem>>, vector<16xf32>,
      %get3A_95 = arith.index_cast %mul3A_90 : i32 to index
      %get3A_96 = tpu.vector_load %arg7[%get3A_95] {strides = array<i32>} : memref<2064xf32, #tpu.memory_space<vmem>>, vector<16xf32>,
      %add3A_97 = arith.constant 3.14159274 : f32
      %add3A_98 = vector.broadcast %add3A_97 : f32 to vector<16xf32>
      %add3A_99 = arith.addf %get3A_96, %add3A_98 : vector<16xf32>
      %jit3A = arith.constant 6.28318548 : f32
      %rem3A = vector.broadcast %jit3A : f32 to vector<16xf32>
      %rem3A_100 = arith.remf %add3A_99, %rem3A : vector<16xf32>
      %ne3A = arith.constant 0.000000e+00 : f32
      %ne3A_101 = vector.broadcast %ne3A : f32 to vector<16xf32>
      %ne3A_102 = arith.cmpf one, %rem3A_100, %ne3A_101 : vector<16xf32>
      %lt3A = arith.constant 0.000000e+00 : f32
      %lt3A_103 = vector.broadcast %lt3A : f32 to vector<16xf32>
      %lt3A_104 = arith.cmpf olt, %rem3A_100, %lt3A_103 : vector<16xf32>
      %lt3A_105 = arith.constant 0.000000e+00 : f32
      %lt3A_106 = arith.cmpf olt, %jit3A, %lt3A_105 : f32
      %ne3A_107 = vector.broadcast %lt3A_106 : i1 to vector<16xi1>
      %ne3A_108 = vector.broadcast %ne3A_107 : vector<16xi1> to vector<16xi1>
      %ne3A_109 = arith.xori %lt3A_104, %ne3A_108 : vector<16xi1>
      %and3A = arith.andi %ne3A_109, %ne3A_102 : vector<16xi1>
      %add3A_110 = vector.broadcast %jit3A : f32 to vector<16xf32>
      %add3A_111 = arith.addf %rem3A_100, %add3A_110 : vector<16xf32>
      %select_n3A = arith.select %and3A, %add3A_111, %rem3A_100 : vector<16xi1>, vector<16xf32>
      %mul3A_112 = arith.constant 5.09295797 : f32
      %mul3A_113 = vector.broadcast %mul3A_112 : f32 to vector<16xf32>
      %mul3A_114 = arith.mulf %select_n3A, %mul3A_113 : vector<16xf32>
      %swap3A_115 = arith.index_cast %mul3A_90 : i32 to index
      %swap3A_116 = tpu.vector_load %arg8[%swap3A_115] {strides = array<i32>} : memref<2064xf32, #tpu.memory_space<vmem>>, vector<16xf32>,
      tpu.vector_store %arg8[%swap3A_115], %mul3A_114 {strides = array<i32>} : memref<2064xf32, #tpu.memory_space<vmem>>, vector<16xf32>,
      %jit3A_117 = arith.constant 6.28318548 : f32
      %rem3A_118 = vector.broadcast %jit3A_117 : f32 to vector<16xf32>
      %rem3A_119 = arith.remf %get3A_96, %rem3A_118 : vector<16xf32>
      %ne3A_120 = arith.constant 0.000000e+00 : f32
      %ne3A_121 = vector.broadcast %ne3A_120 : f32 to vector<16xf32>
      %ne3A_122 = arith.cmpf one, %rem3A_119, %ne3A_121 : vector<16xf32>
      %lt3A_123 = arith.constant 0.000000e+00 : f32
      %lt3A_124 = vector.broadcast %lt3A_123 : f32 to vector<16xf32>
      %lt3A_125 = arith.cmpf olt, %rem3A_119, %lt3A_124 : vector<16xf32>
      %lt3A_126 = arith.constant 0.000000e+00 : f32
      %lt3A_127 = arith.cmpf olt, %jit3A_117, %lt3A_126 : f32
      %ne3A_128 = vector.broadcast %lt3A_127 : i1 to vector<16xi1>
      %ne3A_129 = vector.broadcast %ne3A_128 : vector<16xi1> to vector<16xi1>
      %ne3A_130 = arith.xori %lt3A_125, %ne3A_129 : vector<16xi1>
      %and3A_131 = arith.andi %ne3A_130, %ne3A_122 : vector<16xi1>
      %add3A_132 = vector.broadcast %jit3A_117 : f32 to vector<16xf32>
      %add3A_133 = arith.addf %rem3A_119, %add3A_132 : vector<16xf32>
      %select_n3A_134 = arith.select %and3A_131, %add3A_133, %rem3A_119 : vector<16xi1>, vector<16xf32>
      %mul3A_135 = arith.constant 5.09295797 : f32
      %mul3A_136 = vector.broadcast %mul3A_135 : f32 to vector<16xf32>
      %mul3A_137 = arith.mulf %select_n3A_134, %mul3A_136 : vector<16xf32>
      %swap3A_138 = arith.index_cast %mul3A_90 : i32 to index
      %swap3A_139 = tpu.vector_load %arg7[%swap3A_138] {strides = array<i32>} : memref<2064xf32, #tpu.memory_space<vmem>>, vector<16xf32>,
      tpu.vector_store %arg7[%swap3A_138], %mul3A_137 {strides = array<i32>} : memref<2064xf32, #tpu.memory_space<vmem>>, vector<16xf32>,
      %scan3A_140 = arith.constant 0 : i32
      scf.yield %scan3A_140 : i32
    }
    %scan3A_25 = arith.constant 128 : i32
    %scan3A_26 = arith.constant 0 : i32
    %scan3A_27 = arith.constant 0 : i32
    %scan3A_28 = arith.constant 384 : i32
    %scan3A_29 = arith.addi %scan3A_27, %scan3A_28 : i32
    %scan3A_30 = arith.constant 1 : i32
    %scan3A_31 = scf.for %scan3A_87 = %scan3A_27 to %scan3A_29 step %scan3A_30 iter_args(%scan3A_88 = %scan3A_26) -> (i32)  : i32 {
      %mul3A_89 = arith.constant 16 : i32
      %mul3A_90 = arith.muli %scan3A_87, %mul3A_89 : i32
      %iota3A = tpu.iota {dimensions = array<i32: 0>} : vector<16xi32>
      %add3A_91 = vector.broadcast %mul3A_90 : i32 to vector<16xi32>
      %add3A_92 = arith.addi %add3A_91, %iota3A : vector<16xi32>
      %shift_right_arithmetic3A = arith.constant 10 : i32
      %shift_right_arithmetic3A_93 = vector.broadcast %shift_right_arithmetic3A : i32 to vector<16xi32>
      %shift_right_arithmetic3A_94 = arith.shrsi %add3A_92, %shift_right_arithmetic3A_93 : vector<16xi32>
      %and3A = arith.constant 1023 : i32
      %and3A_95 = vector.broadcast %and3A : i32 to vector<16xi32>
      %and3A_96 = arith.andi %add3A_92, %and3A_95 : vector<16xi32>
      %shift_right_arithmetic3A_97 = arith.constant 5 : i32
      %shift_right_arithmetic3A_98 = vector.broadcast %shift_right_arithmetic3A_97 : i32 to vector<16xi32>
      %shift_right_arithmetic3A_99 = arith.shrsi %and3A_96, %shift_right_arithmetic3A_98 : vector<16xi32>
      %and3A_100 = arith.constant 31 : i32
      %and3A_101 = vector.broadcast %and3A_100 : i32 to vector<16xi32>
      %and3A_102 = arith.andi %add3A_92, %and3A_101 : vector<16xi32>
      %add3A_103 = arith.constant 32 : i32
      %add3A_104 = vector.broadcast %add3A_103 : i32 to vector<16xi32>
      %add3A_105 = arith.addi %and3A_102, %add3A_104 : vector<16xi32>
      %shift_left3A = arith.constant 1 : i32
      %shift_left3A_106 = vector.broadcast %shift_left3A : i32 to vector<16xi32>
      %shift_left3A_107 = arith.shli %shift_right_arithmetic3A_94, %shift_left3A_106 : vector<16xi32>
      %add3A_108 = arith.constant 1 : i32
      %add3A_109 = vector.broadcast %add3A_108 : i32 to vector<16xi32>
      %add3A_110 = arith.addi %shift_left3A_107, %add3A_109 : vector<16xi32>
      %gather3A = tpu.vector_load_idx %arg9[%shift_right_arithmetic3A_99, %shift_left3A_107] : memref<64x12xf32, #tpu.memory_space<vmem>>[vector<16xi32>, vector<16xi32>], vector<16xf32>,
      %gather3A_111 = tpu.vector_load_idx %arg9[%add3A_105, %shift_left3A_107] : memref<64x12xf32, #tpu.memory_space<vmem>>[vector<16xi32>, vector<16xi32>], vector<16xf32>,
      %add3A_112 = arith.addf %gather3A, %gather3A_111 : vector<16xf32>
      %gather3A_113 = tpu.vector_load_idx %arg9[%shift_right_arithmetic3A_99, %add3A_110] : memref<64x12xf32, #tpu.memory_space<vmem>>[vector<16xi32>, vector<16xi32>], vector<16xf32>,
      %gather3A_114 = tpu.vector_load_idx %arg9[%add3A_105, %add3A_110] : memref<64x12xf32, #tpu.memory_space<vmem>>[vector<16xi32>, vector<16xi32>], vector<16xf32>,
      %add3A_115 = arith.addf %gather3A_113, %gather3A_114 : vector<16xf32>
      %bitcast3A = vector.bitcast %add3A_112 : vector<16xf32> to vector<16xi32>
      %bitcast3A_116 = vector.bitcast %add3A_115 : vector<16xf32> to vector<16xi32>
      %add3A_117 = arith.constant 32767 : i32
      %add3A_118 = vector.broadcast %add3A_117 : i32 to vector<16xi32>
      %add3A_119 = arith.addi %bitcast3A, %add3A_118 : vector<16xi32>
      %shift_right_arithmetic3A_120 = arith.constant 16 : i32
      %shift_right_arithmetic3A_121 = vector.broadcast %shift_right_arithmetic3A_120 : i32 to vector<16xi32>
      %shift_right_arithmetic3A_122 = arith.shrsi %bitcast3A, %shift_right_arithmetic3A_121 : vector<16xi32>
      %and3A_123 = arith.constant 1 : i32
      %and3A_124 = vector.broadcast %and3A_123 : i32 to vector<16xi32>
      %and3A_125 = arith.andi %shift_right_arithmetic3A_122, %and3A_124 : vector<16xi32>
      %add3A_126 = arith.addi %add3A_119, %and3A_125 : vector<16xi32>
      %add3A_127 = arith.constant 32767 : i32
      %add3A_128 = vector.broadcast %add3A_127 : i32 to vector<16xi32>
      %add3A_129 = arith.addi %bitcast3A_116, %add3A_128 : vector<16xi32>
      %shift_right_arithmetic3A_130 = arith.constant 16 : i32
      %shift_right_arithmetic3A_131 = vector.broadcast %shift_right_arithmetic3A_130 : i32 to vector<16xi32>
      %shift_right_arithmetic3A_132 = arith.shrsi %bitcast3A_116, %shift_right_arithmetic3A_131 : vector<16xi32>
      %and3A_133 = arith.constant 1 : i32
      %and3A_134 = vector.broadcast %and3A_133 : i32 to vector<16xi32>
      %and3A_135 = arith.andi %shift_right_arithmetic3A_132, %and3A_134 : vector<16xi32>
      %add3A_136 = arith.addi %add3A_129, %and3A_135 : vector<16xi32>
      %shift_right_arithmetic3A_137 = arith.constant 16 : i32
      %shift_right_arithmetic3A_138 = vector.broadcast %shift_right_arithmetic3A_137 : i32 to vector<16xi32>
      %shift_right_arithmetic3A_139 = arith.shrsi %add3A_126, %shift_right_arithmetic3A_138 : vector<16xi32>
      %and3A_140 = arith.constant 65535 : i32
      %and3A_141 = vector.broadcast %and3A_140 : i32 to vector<16xi32>
      %and3A_142 = arith.andi %shift_right_arithmetic3A_139, %and3A_141 : vector<16xi32>
      %and3A_143 = arith.constant -65536 : i32
      %and3A_144 = vector.broadcast %and3A_143 : i32 to vector<16xi32>
      %and3A_145 = arith.andi %add3A_136, %and3A_144 : vector<16xi32>
      %or3A = arith.ori %and3A_142, %and3A_145 : vector<16xi32>
      %mul3A_146 = arith.constant 16 : i32
      %mul3A_147 = arith.muli %scan3A_87, %mul3A_146 : i32
      %swap3A = arith.index_cast %mul3A_147 : i32 to index
      %swap3A_148 = tpu.vector_load %arg10[%swap3A] {strides = array<i32>} : memref<6144xi32, #tpu.memory_space<vmem>>, vector<16xi32>,
      tpu.vector_store %arg10[%swap3A], %or3A {strides = array<i32>} : memref<6144xi32, #tpu.memory_space<vmem>>, vector<16xi32>,
      %scan3A_149 = arith.constant 0 : i32
      scf.yield %scan3A_149 : i32
    }
    %scan3A_32 = arith.constant 384 : i32
    %scan3A_33 = arith.constant 0 : i32
    %scan3A_34 = arith.constant 0 : i32
    %scan3A_35 = arith.constant 16 : i32
    %scan3A_36 = arith.addi %scan3A_34, %scan3A_35 : i32
    %scan3A_37 = arith.constant 1 : i32
    %scan3A_38 = scf.for %scan3A_87 = %scan3A_34 to %scan3A_36 step %scan3A_37 iter_args(%scan3A_88 = %scan3A_33) -> (i32)  : i32 {
      %mul3A_89 = arith.constant 4 : i32
      %mul3A_90 = arith.muli %mul3A_89, %scan3A_87 : i32
      %add3A_91 = arith.addi %mul3A_2, %mul3A_90 : i32
      %gt3A = arith.constant 0 : i32
      %gt3A_92 = arith.cmpi sgt, %scan3A_87, %gt3A : i32
      %convert_element_type3A = arith.extui %gt3A_92 : i1 to i32
      %cond3A = arith.constant 0 : i32
      %cond3A_93 = arith.cmpi ne, %convert_element_type3A, %cond3A : i32
      scf.if %cond3A_93 {
        %sub3A_186 = arith.constant 4 : i32
        %sub3A_187 = arith.subi %add3A_91, %sub3A_186 : i32
        %dma_wait3A_188 = arith.constant 0 : i32
        %dma_wait3A_189 = arith.constant 0 : i32
        %dma_wait3A_190 = arith.constant 0 : i32
        %dma_wait3A_191 = arith.constant 0 : i32
        %dma_wait3A_192 = arith.constant 0 : i32
        %dma_wait3A_193 = tpu.memref_slice %arg11[%dma_wait3A_188, %dma_wait3A_190, %dma_wait3A_191, %dma_wait3A_192] : memref<2x12x2x2048xf32, #tpu.memory_space<vmem>> -> memref<1x12x2x2048xf32, #tpu.memory_space<vmem>>
        %dma_wait3A_194 = tpu.memref_squeeze %dma_wait3A_193 : memref<1x12x2x2048xf32, #tpu.memory_space<vmem>> -> memref<12x2x2048xf32, #tpu.memory_space<vmem>>
        %dma_wait3A_195 = arith.constant 0 : i32
        %dma_wait3A_196 = arith.constant 0 : i32
        %dma_wait3A_197 = tpu.memref_slice %arg5[%dma_wait3A_189, %dma_wait3A_195, %sub3A_187, %dma_wait3A_196] : memref<1x12x2048x2048xf32, #tpu.memory_space<hbm>> -> memref<1x12x2x2048xf32, #tpu.memory_space<hbm>>
        %dma_wait3A_198 = tpu.memref_squeeze %dma_wait3A_197 : memref<1x12x2x2048xf32, #tpu.memory_space<hbm>> -> memref<12x2x2048xf32, #tpu.memory_space<hbm>>
        %dma_wait3A_199 = arith.constant 0 : i32
        %dma_wait3A_200 = arith.constant 0 : i32
        %dma_wait3A_201 = tpu.memref_slice %arg5[%dma_wait3A_189, %dma_wait3A_199, %sub3A_187, %dma_wait3A_200] : memref<1x12x2048x2048xf32, #tpu.memory_space<hbm>> -> memref<1x12x2x2048xf32, #tpu.memory_space<hbm>>
        %dma_wait3A_202 = tpu.memref_squeeze %dma_wait3A_201 : memref<1x12x2x2048xf32, #tpu.memory_space<hbm>> -> memref<12x2x2048xf32, #tpu.memory_space<hbm>>
        %dma_wait3A_203 = arith.constant 0 : i32
        %dma_wait3A_204 = arith.constant 0 : i32
        %dma_wait3A_205 = arith.constant 0 : i32
        %dma_wait3A_206 = tpu.memref_slice %arg11[%dma_wait3A_188, %dma_wait3A_203, %dma_wait3A_204, %dma_wait3A_205] : memref<2x12x2x2048xf32, #tpu.memory_space<vmem>> -> memref<1x12x2x2048xf32, #tpu.memory_space<vmem>>
        %dma_wait3A_207 = tpu.memref_squeeze %dma_wait3A_206 : memref<1x12x2x2048xf32, #tpu.memory_space<vmem>> -> memref<12x2x2048xf32, #tpu.memory_space<vmem>>
        tpu.wait_dma2 semaphore(%arg12 : memref<!tpu.dma_semaphore, #tpu.memory_space<semaphore_mem>>) src(%dma_wait3A_207 : memref<12x2x2048xf32, #tpu.memory_space<vmem>>) dst(%dma_wait3A_202 : memref<12x2x2048xf32, #tpu.memory_space<hbm>>)
      } else {
      }
      %get3A_94 = arith.index_cast %add3A_91 : i32 to index
      %get3A_95 = tpu.vector_load %arg6[%get3A_94] {strides = array<i32>} : memref<2064xf32, #tpu.memory_space<vmem>>, vector<16xf32>,
      %slice3A = vector.extract_strided_slice %get3A_95 {offsets = [0], sizes = [1], strides = [1]} : vector<16xf32> to vector<1xf32>
      %squeeze3A = vector.extract %slice3A[0] : f32 from vector<1xf32>
      %get3A_96 = arith.index_cast %add3A_91 : i32 to index
      %get3A_97 = tpu.vector_load %arg8[%get3A_96] {strides = array<i32>} : memref<2064xf32, #tpu.memory_space<vmem>>, vector<16xf32>,
      %slice3A_98 = vector.extract_strided_slice %get3A_97 {offsets = [0], sizes = [1], strides = [1]} : vector<16xf32> to vector<1xf32>
      %squeeze3A_99 = vector.extract %slice3A_98[0] : f32 from vector<1xf32>
      %add3A_100 = arith.constant 1 : i32
      %add3A_101 = arith.addi %add3A_91, %add3A_100 : i32
      %get3A_102 = arith.index_cast %add3A_101 : i32 to index
      %get3A_103 = tpu.vector_load %arg6[%get3A_102] {strides = array<i32>} : memref<2064xf32, #tpu.memory_space<vmem>>, vector<16xf32>,
      %slice3A_104 = vector.extract_strided_slice %get3A_103 {offsets = [0], sizes = [1], strides = [1]} : vector<16xf32> to vector<1xf32>
      %squeeze3A_105 = vector.extract %slice3A_104[0] : f32 from vector<1xf32>
      %add3A_106 = arith.constant 1 : i32
      %add3A_107 = arith.addi %add3A_91, %add3A_106 : i32
      %get3A_108 = arith.index_cast %add3A_107 : i32 to index
      %get3A_109 = tpu.vector_load %arg8[%get3A_108] {strides = array<i32>} : memref<2064xf32, #tpu.memory_space<vmem>>, vector<16xf32>,
      %slice3A_110 = vector.extract_strided_slice %get3A_109 {offsets = [0], sizes = [1], strides = [1]} : vector<16xf32> to vector<1xf32>
      %squeeze3A_111 = vector.extract %slice3A_110[0] : f32 from vector<1xf32>
      %parallel_loop3A = arith.constant 0 : i32
      %parallel_loop3A_112 = arith.constant 2048 : i32
      %parallel_loop3A_113 = arith.constant 16 : i32
      scf.for %parallel_loop3A_186 = %parallel_loop3A to %parallel_loop3A_112 step %parallel_loop3A_113  : i32 {
        %parallel_loop3A_187 = arith.index_cast %parallel_loop3A_186 : i32 to index
        %parallel_loop3A_188 = tpu.vector_load %arg6[%parallel_loop3A_187] {strides = array<i32>} : memref<2064xf32, #tpu.memory_space<vmem>>, vector<16xf32>,
        %parallel_loop3A_189 = arith.index_cast %parallel_loop3A_186 : i32 to index
        %parallel_loop3A_190 = tpu.vector_load %arg7[%parallel_loop3A_189] {strides = array<i32>} : memref<2064xf32, #tpu.memory_space<vmem>>, vector<16xf32>,
        %parallel_loop3A_191 = vector.broadcast %squeeze3A : f32 to vector<16xf32>
        %parallel_loop3A_192 = arith.subf %parallel_loop3A_191, %parallel_loop3A_188 : vector<16xf32>
        %parallel_loop3A_193 = arith.fptosi %parallel_loop3A_192 : vector<16xf32> to vector<16xi32>
        %parallel_loop3A_194 = arith.constant 15 : i32
        %parallel_loop3A_195 = vector.broadcast %parallel_loop3A_194 : i32 to vector<16xi32>
        %parallel_loop3A_196 = arith.minsi %parallel_loop3A_193, %parallel_loop3A_195 : vector<16xi32>
        %parallel_loop3A_197 = vector.broadcast %squeeze3A_99 : f32 to vector<16xf32>
        %parallel_loop3A_198 = arith.subf %parallel_loop3A_197, %parallel_loop3A_190 : vector<16xf32>
        %parallel_loop3A_199 = arith.constant 0.000000e+00 : f32
        %parallel_loop3A_200 = vector.broadcast %parallel_loop3A_199 : f32 to vector<16xf32>
        %parallel_loop3A_201 = arith.cmpf olt, %parallel_loop3A_198, %parallel_loop3A_200 : vector<16xf32>
        %parallel_loop3A_202 = arith.constant 3.200000e+01 : f32
        %parallel_loop3A_203 = vector.broadcast %parallel_loop3A_202 : f32 to vector<16xf32>
        %parallel_loop3A_204 = arith.addf %parallel_loop3A_198, %parallel_loop3A_203 : vector<16xf32>
        %parallel_loop3A_205 = arith.select %parallel_loop3A_201, %parallel_loop3A_204, %parallel_loop3A_198 : vector<16xi1>, vector<16xf32>
        %parallel_loop3A_206 = arith.constant 1.600000e+01 : f32
        %parallel_loop3A_207 = vector.broadcast %parallel_loop3A_206 : f32 to vector<16xf32>
        %parallel_loop3A_208 = arith.subf %parallel_loop3A_205, %parallel_loop3A_207 : vector<16xf32>
        %parallel_loop3A_209 = arith.fptosi %parallel_loop3A_208 : vector<16xf32> to vector<16xi32>
        %parallel_loop3A_210 = arith.constant 15 : i32
        %parallel_loop3A_211 = vector.broadcast %parallel_loop3A_210 : i32 to vector<16xi32>
        %parallel_loop3A_212 = arith.minsi %parallel_loop3A_209, %parallel_loop3A_211 : vector<16xi32>
        %parallel_loop3A_213 = arith.constant 5 : i32
        %parallel_loop3A_214 = vector.broadcast %parallel_loop3A_213 : i32 to vector<16xi32>
        %parallel_loop3A_215 = arith.shli %parallel_loop3A_196, %parallel_loop3A_214 : vector<16xi32>
        %parallel_loop3A_216 = arith.addi %parallel_loop3A_215, %parallel_loop3A_212 : vector<16xi32>
        %parallel_loop3A_217 = arith.constant 528 : i32
        %parallel_loop3A_218 = vector.broadcast %parallel_loop3A_217 : i32 to vector<16xi32>
        %parallel_loop3A_219 = arith.addi %parallel_loop3A_216, %parallel_loop3A_218 : vector<16xi32>
        %parallel_loop3A_220 = tpu.vector_load_idx %arg10[%parallel_loop3A_219] : memref<6144xi32, #tpu.memory_space<vmem>>[vector<16xi32>], vector<16xi32>,
        %parallel_loop3A_221 = arith.constant 16 : i32
        %parallel_loop3A_222 = vector.broadcast %parallel_loop3A_221 : i32 to vector<16xi32>
        %parallel_loop3A_223 = arith.shli %parallel_loop3A_220, %parallel_loop3A_222 : vector<16xi32>
        %parallel_loop3A_224 = vector.bitcast %parallel_loop3A_223 : vector<16xi32> to vector<16xf32>
        %parallel_loop3A_225 = arith.constant 0 : i32
        %parallel_loop3A_226 = arith.constant 0 : i32
        %parallel_loop3A_227 = arith.constant 0 : i32
        %parallel_loop3A_228 = arith.index_cast %parallel_loop3A_225 : i32 to index
        %parallel_loop3A_229 = arith.index_cast %parallel_loop3A_226 : i32 to index
        %parallel_loop3A_230 = arith.index_cast %parallel_loop3A_227 : i32 to index
        %parallel_loop3A_231 = arith.index_cast %parallel_loop3A_186 : i32 to index
        %parallel_loop3A_232 = tpu.vector_load %arg11[%parallel_loop3A_228, %parallel_loop3A_229, %parallel_loop3A_230, %parallel_loop3A_231] {strides = array<i32>} : memref<2x12x2x2048xf32, #tpu.memory_space<vmem>>, vector<16xf32>,
        tpu.vector_store %arg11[%parallel_loop3A_228, %parallel_loop3A_229, %parallel_loop3A_230, %parallel_loop3A_231], %parallel_loop3A_224 {strides = array<i32>} : memref<2x12x2x2048xf32, #tpu.memory_space<vmem>>, vector<16xf32>,
        %parallel_loop3A_233 = arith.constant -65536 : i32
        %parallel_loop3A_234 = vector.broadcast %parallel_loop3A_233 : i32 to vector<16xi32>
        %parallel_loop3A_235 = arith.andi %parallel_loop3A_220, %parallel_loop3A_234 : vector<16xi32>
        %parallel_loop3A_236 = vector.bitcast %parallel_loop3A_235 : vector<16xi32> to vector<16xf32>
        %parallel_loop3A_237 = arith.constant 0 : i32
        %parallel_loop3A_238 = arith.constant 1 : i32
        %parallel_loop3A_239 = arith.constant 0 : i32
        %parallel_loop3A_240 = arith.index_cast %parallel_loop3A_237 : i32 to index
        %parallel_loop3A_241 = arith.index_cast %parallel_loop3A_238 : i32 to index
        %parallel_loop3A_242 = arith.index_cast %parallel_loop3A_239 : i32 to index
        %parallel_loop3A_243 = arith.index_cast %parallel_loop3A_186 : i32 to index
        %parallel_loop3A_244 = tpu.vector_load %arg11[%parallel_loop3A_240, %parallel_loop3A_241, %parallel_loop3A_242, %parallel_loop3A_243] {strides = array<i32>} : memref<2x12x2x2048xf32, #tpu.memory_space<vmem>>, vector<16xf32>,
        tpu.vector_store %arg11[%parallel_loop3A_240, %parallel_loop3A_241, %parallel_loop3A_242, %parallel_loop3A_243], %parallel_loop3A_236 {strides = array<i32>} : memref<2x12x2x2048xf32, #tpu.memory_space<vmem>>, vector<16xf32>,
        %parallel_loop3A_245 = arith.constant 1552 : i32
        %parallel_loop3A_246 = vector.broadcast %parallel_loop3A_245 : i32 to vector<16xi32>
        %parallel_loop3A_247 = arith.addi %parallel_loop3A_216, %parallel_loop3A_246 : vector<16xi32>
        %parallel_loop3A_248 = tpu.vector_load_idx %arg10[%parallel_loop3A_247] : memref<6144xi32, #tpu.memory_space<vmem>>[vector<16xi32>], vector<16xi32>,
        %parallel_loop3A_249 = arith.constant 16 : i32
        %parallel_loop3A_250 = vector.broadcast %parallel_loop3A_249 : i32 to vector<16xi32>
        %parallel_loop3A_251 = arith.shli %parallel_loop3A_248, %parallel_loop3A_250 : vector<16xi32>
        %parallel_loop3A_252 = vector.bitcast %parallel_loop3A_251 : vector<16xi32> to vector<16xf32>
        %parallel_loop3A_253 = arith.constant 0 : i32
        %parallel_loop3A_254 = arith.constant 2 : i32
        %parallel_loop3A_255 = arith.constant 0 : i32
        %parallel_loop3A_256 = arith.index_cast %parallel_loop3A_253 : i32 to index
        %parallel_loop3A_257 = arith.index_cast %parallel_loop3A_254 : i32 to index
        %parallel_loop3A_258 = arith.index_cast %parallel_loop3A_255 : i32 to index
        %parallel_loop3A_259 = arith.index_cast %parallel_loop3A_186 : i32 to index
        %parallel_loop3A_260 = tpu.vector_load %arg11[%parallel_loop3A_256, %parallel_loop3A_257, %parallel_loop3A_258, %parallel_loop3A_259] {strides = array<i32>} : memref<2x12x2x2048xf32, #tpu.memory_space<vmem>>, vector<16xf32>,
        tpu.vector_store %arg11[%parallel_loop3A_256, %parallel_loop3A_257, %parallel_loop3A_258, %parallel_loop3A_259], %parallel_loop3A_252 {strides = array<i32>} : memref<2x12x2x2048xf32, #tpu.memory_space<vmem>>, vector<16xf32>,
        %parallel_loop3A_261 = arith.constant -65536 : i32
        %parallel_loop3A_262 = vector.broadcast %parallel_loop3A_261 : i32 to vector<16xi32>
        %parallel_loop3A_263 = arith.andi %parallel_loop3A_248, %parallel_loop3A_262 : vector<16xi32>
        %parallel_loop3A_264 = vector.bitcast %parallel_loop3A_263 : vector<16xi32> to vector<16xf32>
        %parallel_loop3A_265 = arith.constant 0 : i32
        %parallel_loop3A_266 = arith.constant 3 : i32
        %parallel_loop3A_267 = arith.constant 0 : i32
        %parallel_loop3A_268 = arith.index_cast %parallel_loop3A_265 : i32 to index
        %parallel_loop3A_269 = arith.index_cast %parallel_loop3A_266 : i32 to index
        %parallel_loop3A_270 = arith.index_cast %parallel_loop3A_267 : i32 to index
        %parallel_loop3A_271 = arith.index_cast %parallel_loop3A_186 : i32 to index
        %parallel_loop3A_272 = tpu.vector_load %arg11[%parallel_loop3A_268, %parallel_loop3A_269, %parallel_loop3A_270, %parallel_loop3A_271] {strides = array<i32>} : memref<2x12x2x2048xf32, #tpu.memory_space<vmem>>, vector<16xf32>,
        tpu.vector_store %arg11[%parallel_loop3A_268, %parallel_loop3A_269, %parallel_loop3A_270, %parallel_loop3A_271], %parallel_loop3A_264 {strides = array<i32>} : memref<2x12x2x2048xf32, #tpu.memory_space<vmem>>, vector<16xf32>,
        %parallel_loop3A_273 = arith.constant 2576 : i32
        %parallel_loop3A_274 = vector.broadcast %parallel_loop3A_273 : i32 to vector<16xi32>
        %parallel_loop3A_275 = arith.addi %parallel_loop3A_216, %parallel_loop3A_274 : vector<16xi32>
        %parallel_loop3A_276 = tpu.vector_load_idx %arg10[%parallel_loop3A_275] : memref<6144xi32, #tpu.memory_space<vmem>>[vector<16xi32>], vector<16xi32>,
        %parallel_loop3A_277 = arith.constant 16 : i32
        %parallel_loop3A_278 = vector.broadcast %parallel_loop3A_277 : i32 to vector<16xi32>
        %parallel_loop3A_279 = arith.shli %parallel_loop3A_276, %parallel_loop3A_278 : vector<16xi32>
        %parallel_loop3A_280 = vector.bitcast %parallel_loop3A_279 : vector<16xi32> to vector<16xf32>
        %parallel_loop3A_281 = arith.constant 0 : i32
        %parallel_loop3A_282 = arith.constant 4 : i32
        %parallel_loop3A_283 = arith.constant 0 : i32
        %parallel_loop3A_284 = arith.index_cast %parallel_loop3A_281 : i32 to index
        %parallel_loop3A_285 = arith.index_cast %parallel_loop3A_282 : i32 to index
        %parallel_loop3A_286 = arith.index_cast %parallel_loop3A_283 : i32 to index
        %parallel_loop3A_287 = arith.index_cast %parallel_loop3A_186 : i32 to index
        %parallel_loop3A_288 = tpu.vector_load %arg11[%parallel_loop3A_284, %parallel_loop3A_285, %parallel_loop3A_286, %parallel_loop3A_287] {strides = array<i32>} : memref<2x12x2x2048xf32, #tpu.memory_space<vmem>>, vector<16xf32>,
        tpu.vector_store %arg11[%parallel_loop3A_284, %parallel_loop3A_285, %parallel_loop3A_286, %parallel_loop3A_287], %parallel_loop3A_280 {strides = array<i32>} : memref<2x12x2x2048xf32, #tpu.memory_space<vmem>>, vector<16xf32>,
        %parallel_loop3A_289 = arith.constant -65536 : i32
        %parallel_loop3A_290 = vector.broadcast %parallel_loop3A_289 : i32 to vector<16xi32>
        %parallel_loop3A_291 = arith.andi %parallel_loop3A_276, %parallel_loop3A_290 : vector<16xi32>
        %parallel_loop3A_292 = vector.bitcast %parallel_loop3A_291 : vector<16xi32> to vector<16xf32>
        %parallel_loop3A_293 = arith.constant 0 : i32
        %parallel_loop3A_294 = arith.constant 5 : i32
        %parallel_loop3A_295 = arith.constant 0 : i32
        %parallel_loop3A_296 = arith.index_cast %parallel_loop3A_293 : i32 to index
        %parallel_loop3A_297 = arith.index_cast %parallel_loop3A_294 : i32 to index
        %parallel_loop3A_298 = arith.index_cast %parallel_loop3A_295 : i32 to index
        %parallel_loop3A_299 = arith.index_cast %parallel_loop3A_186 : i32 to index
        %parallel_loop3A_300 = tpu.vector_load %arg11[%parallel_loop3A_296, %parallel_loop3A_297, %parallel_loop3A_298, %parallel_loop3A_299] {strides = array<i32>} : memref<2x12x2x2048xf32, #tpu.memory_space<vmem>>, vector<16xf32>,
        tpu.vector_store %arg11[%parallel_loop3A_296, %parallel_loop3A_297, %parallel_loop3A_298, %parallel_loop3A_299], %parallel_loop3A_292 {strides = array<i32>} : memref<2x12x2x2048xf32, #tpu.memory_space<vmem>>, vector<16xf32>,
        %parallel_loop3A_301 = arith.constant 3600 : i32
        %parallel_loop3A_302 = vector.broadcast %parallel_loop3A_301 : i32 to vector<16xi32>
        %parallel_loop3A_303 = arith.addi %parallel_loop3A_216, %parallel_loop3A_302 : vector<16xi32>
        %parallel_loop3A_304 = tpu.vector_load_idx %arg10[%parallel_loop3A_303] : memref<6144xi32, #tpu.memory_space<vmem>>[vector<16xi32>], vector<16xi32>,
        %parallel_loop3A_305 = arith.constant 16 : i32
        %parallel_loop3A_306 = vector.broadcast %parallel_loop3A_305 : i32 to vector<16xi32>
        %parallel_loop3A_307 = arith.shli %parallel_loop3A_304, %parallel_loop3A_306 : vector<16xi32>
        %parallel_loop3A_308 = vector.bitcast %parallel_loop3A_307 : vector<16xi32> to vector<16xf32>
        %parallel_loop3A_309 = arith.constant 0 : i32
        %parallel_loop3A_310 = arith.constant 6 : i32
        %parallel_loop3A_311 = arith.constant 0 : i32
        %parallel_loop3A_312 = arith.index_cast %parallel_loop3A_309 : i32 to index
        %parallel_loop3A_313 = arith.index_cast %parallel_loop3A_310 : i32 to index
        %parallel_loop3A_314 = arith.index_cast %parallel_loop3A_311 : i32 to index
        %parallel_loop3A_315 = arith.index_cast %parallel_loop3A_186 : i32 to index
        %parallel_loop3A_316 = tpu.vector_load %arg11[%parallel_loop3A_312, %parallel_loop3A_313, %parallel_loop3A_314, %parallel_loop3A_315] {strides = array<i32>} : memref<2x12x2x2048xf32, #tpu.memory_space<vmem>>, vector<16xf32>,
        tpu.vector_store %arg11[%parallel_loop3A_312, %parallel_loop3A_313, %parallel_loop3A_314, %parallel_loop3A_315], %parallel_loop3A_308 {strides = array<i32>} : memref<2x12x2x2048xf32, #tpu.memory_space<vmem>>, vector<16xf32>,
        %parallel_loop3A_317 = arith.constant -65536 : i32
        %parallel_loop3A_318 = vector.broadcast %parallel_loop3A_317 : i32 to vector<16xi32>
        %parallel_loop3A_319 = arith.andi %parallel_loop3A_304, %parallel_loop3A_318 : vector<16xi32>
        %parallel_loop3A_320 = vector.bitcast %parallel_loop3A_319 : vector<16xi32> to vector<16xf32>
        %parallel_loop3A_321 = arith.constant 0 : i32
        %parallel_loop3A_322 = arith.constant 7 : i32
        %parallel_loop3A_323 = arith.constant 0 : i32
        %parallel_loop3A_324 = arith.index_cast %parallel_loop3A_321 : i32 to index
        %parallel_loop3A_325 = arith.index_cast %parallel_loop3A_322 : i32 to index
        %parallel_loop3A_326 = arith.index_cast %parallel_loop3A_323 : i32 to index
        %parallel_loop3A_327 = arith.index_cast %parallel_loop3A_186 : i32 to index
        %parallel_loop3A_328 = tpu.vector_load %arg11[%parallel_loop3A_324, %parallel_loop3A_325, %parallel_loop3A_326, %parallel_loop3A_327] {strides = array<i32>} : memref<2x12x2x2048xf32, #tpu.memory_space<vmem>>, vector<16xf32>,
        tpu.vector_store %arg11[%parallel_loop3A_324, %parallel_loop3A_325, %parallel_loop3A_326, %parallel_loop3A_327], %parallel_loop3A_320 {strides = array<i32>} : memref<2x12x2x2048xf32, #tpu.memory_space<vmem>>, vector<16xf32>,
        %parallel_loop3A_329 = arith.constant 4624 : i32
        %parallel_loop3A_330 = vector.broadcast %parallel_loop3A_329 : i32 to vector<16xi32>
        %parallel_loop3A_331 = arith.addi %parallel_loop3A_216, %parallel_loop3A_330 : vector<16xi32>
        %parallel_loop3A_332 = tpu.vector_load_idx %arg10[%parallel_loop3A_331] : memref<6144xi32, #tpu.memory_space<vmem>>[vector<16xi32>], vector<16xi32>,
        %parallel_loop3A_333 = arith.constant 16 : i32
        %parallel_loop3A_334 = vector.broadcast %parallel_loop3A_333 : i32 to vector<16xi32>
        %parallel_loop3A_335 = arith.shli %parallel_loop3A_332, %parallel_loop3A_334 : vector<16xi32>
        %parallel_loop3A_336 = vector.bitcast %parallel_loop3A_335 : vector<16xi32> to vector<16xf32>
        %parallel_loop3A_337 = arith.constant 0 : i32
        %parallel_loop3A_338 = arith.constant 8 : i32
        %parallel_loop3A_339 = arith.constant 0 : i32
        %parallel_loop3A_340 = arith.index_cast %parallel_loop3A_337 : i32 to index
        %parallel_loop3A_341 = arith.index_cast %parallel_loop3A_338 : i32 to index
        %parallel_loop3A_342 = arith.index_cast %parallel_loop3A_339 : i32 to index
        %parallel_loop3A_343 = arith.index_cast %parallel_loop3A_186 : i32 to index
        %parallel_loop3A_344 = tpu.vector_load %arg11[%parallel_loop3A_340, %parallel_loop3A_341, %parallel_loop3A_342, %parallel_loop3A_343] {strides = array<i32>} : memref<2x12x2x2048xf32, #tpu.memory_space<vmem>>, vector<16xf32>,
        tpu.vector_store %arg11[%parallel_loop3A_340, %parallel_loop3A_341, %parallel_loop3A_342, %parallel_loop3A_343], %parallel_loop3A_336 {strides = array<i32>} : memref<2x12x2x2048xf32, #tpu.memory_space<vmem>>, vector<16xf32>,
        %parallel_loop3A_345 = arith.constant -65536 : i32
        %parallel_loop3A_346 = vector.broadcast %parallel_loop3A_345 : i32 to vector<16xi32>
        %parallel_loop3A_347 = arith.andi %parallel_loop3A_332, %parallel_loop3A_346 : vector<16xi32>
        %parallel_loop3A_348 = vector.bitcast %parallel_loop3A_347 : vector<16xi32> to vector<16xf32>
        %parallel_loop3A_349 = arith.constant 0 : i32
        %parallel_loop3A_350 = arith.constant 9 : i32
        %parallel_loop3A_351 = arith.constant 0 : i32
        %parallel_loop3A_352 = arith.index_cast %parallel_loop3A_349 : i32 to index
        %parallel_loop3A_353 = arith.index_cast %parallel_loop3A_350 : i32 to index
        %parallel_loop3A_354 = arith.index_cast %parallel_loop3A_351 : i32 to index
        %parallel_loop3A_355 = arith.index_cast %parallel_loop3A_186 : i32 to index
        %parallel_loop3A_356 = tpu.vector_load %arg11[%parallel_loop3A_352, %parallel_loop3A_353, %parallel_loop3A_354, %parallel_loop3A_355] {strides = array<i32>} : memref<2x12x2x2048xf32, #tpu.memory_space<vmem>>, vector<16xf32>,
        tpu.vector_store %arg11[%parallel_loop3A_352, %parallel_loop3A_353, %parallel_loop3A_354, %parallel_loop3A_355], %parallel_loop3A_348 {strides = array<i32>} : memref<2x12x2x2048xf32, #tpu.memory_space<vmem>>, vector<16xf32>,
        %parallel_loop3A_357 = arith.constant 5648 : i32
        %parallel_loop3A_358 = vector.broadcast %parallel_loop3A_357 : i32 to vector<16xi32>
        %parallel_loop3A_359 = arith.addi %parallel_loop3A_216, %parallel_loop3A_358 : vector<16xi32>
        %parallel_loop3A_360 = tpu.vector_load_idx %arg10[%parallel_loop3A_359] : memref<6144xi32, #tpu.memory_space<vmem>>[vector<16xi32>], vector<16xi32>,
        %parallel_loop3A_361 = arith.constant 16 : i32
        %parallel_loop3A_362 = vector.broadcast %parallel_loop3A_361 : i32 to vector<16xi32>
        %parallel_loop3A_363 = arith.shli %parallel_loop3A_360, %parallel_loop3A_362 : vector<16xi32>
        %parallel_loop3A_364 = vector.bitcast %parallel_loop3A_363 : vector<16xi32> to vector<16xf32>
        %parallel_loop3A_365 = arith.constant 0 : i32
        %parallel_loop3A_366 = arith.constant 10 : i32
        %parallel_loop3A_367 = arith.constant 0 : i32
        %parallel_loop3A_368 = arith.index_cast %parallel_loop3A_365 : i32 to index
        %parallel_loop3A_369 = arith.index_cast %parallel_loop3A_366 : i32 to index
        %parallel_loop3A_370 = arith.index_cast %parallel_loop3A_367 : i32 to index
        %parallel_loop3A_371 = arith.index_cast %parallel_loop3A_186 : i32 to index
        %parallel_loop3A_372 = tpu.vector_load %arg11[%parallel_loop3A_368, %parallel_loop3A_369, %parallel_loop3A_370, %parallel_loop3A_371] {strides = array<i32>} : memref<2x12x2x2048xf32, #tpu.memory_space<vmem>>, vector<16xf32>,
        tpu.vector_store %arg11[%parallel_loop3A_368, %parallel_loop3A_369, %parallel_loop3A_370, %parallel_loop3A_371], %parallel_loop3A_364 {strides = array<i32>} : memref<2x12x2x2048xf32, #tpu.memory_space<vmem>>, vector<16xf32>,
        %parallel_loop3A_373 = arith.constant -65536 : i32
        %parallel_loop3A_374 = vector.broadcast %parallel_loop3A_373 : i32 to vector<16xi32>
        %parallel_loop3A_375 = arith.andi %parallel_loop3A_360, %parallel_loop3A_374 : vector<16xi32>
        %parallel_loop3A_376 = vector.bitcast %parallel_loop3A_375 : vector<16xi32> to vector<16xf32>
        %parallel_loop3A_377 = arith.constant 0 : i32
        %parallel_loop3A_378 = arith.constant 11 : i32
        %parallel_loop3A_379 = arith.constant 0 : i32
        %parallel_loop3A_380 = arith.index_cast %parallel_loop3A_377 : i32 to index
        %parallel_loop3A_381 = arith.index_cast %parallel_loop3A_378 : i32 to index
        %parallel_loop3A_382 = arith.index_cast %parallel_loop3A_379 : i32 to index
        %parallel_loop3A_383 = arith.index_cast %parallel_loop3A_186 : i32 to index
        %parallel_loop3A_384 = tpu.vector_load %arg11[%parallel_loop3A_380, %parallel_loop3A_381, %parallel_loop3A_382, %parallel_loop3A_383] {strides = array<i32>} : memref<2x12x2x2048xf32, #tpu.memory_space<vmem>>, vector<16xf32>,
        tpu.vector_store %arg11[%parallel_loop3A_380, %parallel_loop3A_381, %parallel_loop3A_382, %parallel_loop3A_383], %parallel_loop3A_376 {strides = array<i32>} : memref<2x12x2x2048xf32, #tpu.memory_space<vmem>>, vector<16xf32>,
        %parallel_loop3A_385 = vector.broadcast %squeeze3A_105 : f32 to vector<16xf32>
        %parallel_loop3A_386 = arith.subf %parallel_loop3A_385, %parallel_loop3A_188 : vector<16xf32>
        %parallel_loop3A_387 = arith.fptosi %parallel_loop3A_386 : vector<16xf32> to vector<16xi32>
        %parallel_loop3A_388 = arith.constant 15 : i32
        %parallel_loop3A_389 = vector.broadcast %parallel_loop3A_388 : i32 to vector<16xi32>
        %parallel_loop3A_390 = arith.minsi %parallel_loop3A_387, %parallel_loop3A_389 : vector<16xi32>
        %parallel_loop3A_391 = vector.broadcast %squeeze3A_111 : f32 to vector<16xf32>
        %parallel_loop3A_392 = arith.subf %parallel_loop3A_391, %parallel_loop3A_190 : vector<16xf32>
        %parallel_loop3A_393 = arith.constant 0.000000e+00 : f32
        %parallel_loop3A_394 = vector.broadcast %parallel_loop3A_393 : f32 to vector<16xf32>
        %parallel_loop3A_395 = arith.cmpf olt, %parallel_loop3A_392, %parallel_loop3A_394 : vector<16xf32>
        %parallel_loop3A_396 = arith.constant 3.200000e+01 : f32
        %parallel_loop3A_397 = vector.broadcast %parallel_loop3A_396 : f32 to vector<16xf32>
        %parallel_loop3A_398 = arith.addf %parallel_loop3A_392, %parallel_loop3A_397 : vector<16xf32>
        %parallel_loop3A_399 = arith.select %parallel_loop3A_395, %parallel_loop3A_398, %parallel_loop3A_392 : vector<16xi1>, vector<16xf32>
        %parallel_loop3A_400 = arith.constant 1.600000e+01 : f32
        %parallel_loop3A_401 = vector.broadcast %parallel_loop3A_400 : f32 to vector<16xf32>
        %parallel_loop3A_402 = arith.subf %parallel_loop3A_399, %parallel_loop3A_401 : vector<16xf32>
        %parallel_loop3A_403 = arith.fptosi %parallel_loop3A_402 : vector<16xf32> to vector<16xi32>
        %parallel_loop3A_404 = arith.constant 15 : i32
        %parallel_loop3A_405 = vector.broadcast %parallel_loop3A_404 : i32 to vector<16xi32>
        %parallel_loop3A_406 = arith.minsi %parallel_loop3A_403, %parallel_loop3A_405 : vector<16xi32>
        %parallel_loop3A_407 = arith.constant 5 : i32
        %parallel_loop3A_408 = vector.broadcast %parallel_loop3A_407 : i32 to vector<16xi32>
        %parallel_loop3A_409 = arith.shli %parallel_loop3A_390, %parallel_loop3A_408 : vector<16xi32>
        %parallel_loop3A_410 = arith.addi %parallel_loop3A_409, %parallel_loop3A_406 : vector<16xi32>
        %parallel_loop3A_411 = arith.constant 528 : i32
        %parallel_loop3A_412 = vector.broadcast %parallel_loop3A_411 : i32 to vector<16xi32>
        %parallel_loop3A_413 = arith.addi %parallel_loop3A_410, %parallel_loop3A_412 : vector<16xi32>
        %parallel_loop3A_414 = tpu.vector_load_idx %arg10[%parallel_loop3A_413] : memref<6144xi32, #tpu.memory_space<vmem>>[vector<16xi32>], vector<16xi32>,
        %parallel_loop3A_415 = arith.constant 16 : i32
        %parallel_loop3A_416 = vector.broadcast %parallel_loop3A_415 : i32 to vector<16xi32>
        %parallel_loop3A_417 = arith.shli %parallel_loop3A_414, %parallel_loop3A_416 : vector<16xi32>
        %parallel_loop3A_418 = vector.bitcast %parallel_loop3A_417 : vector<16xi32> to vector<16xf32>
        %parallel_loop3A_419 = arith.constant 0 : i32
        %parallel_loop3A_420 = arith.constant 0 : i32
        %parallel_loop3A_421 = arith.constant 1 : i32
        %parallel_loop3A_422 = arith.index_cast %parallel_loop3A_419 : i32 to index
        %parallel_loop3A_423 = arith.index_cast %parallel_loop3A_420 : i32 to index
        %parallel_loop3A_424 = arith.index_cast %parallel_loop3A_421 : i32 to index
        %parallel_loop3A_425 = arith.index_cast %parallel_loop3A_186 : i32 to index
        %parallel_loop3A_426 = tpu.vector_load %arg11[%parallel_loop3A_422, %parallel_loop3A_423, %parallel_loop3A_424, %parallel_loop3A_425] {strides = array<i32>} : memref<2x12x2x2048xf32, #tpu.memory_space<vmem>>, vector<16xf32>,
        tpu.vector_store %arg11[%parallel_loop3A_422, %parallel_loop3A_423, %parallel_loop3A_424, %parallel_loop3A_425], %parallel_loop3A_418 {strides = array<i32>} : memref<2x12x2x2048xf32, #tpu.memory_space<vmem>>, vector<16xf32>,
        %parallel_loop3A_427 = arith.constant -65536 : i32
        %parallel_loop3A_428 = vector.broadcast %parallel_loop3A_427 : i32 to vector<16xi32>
        %parallel_loop3A_429 = arith.andi %parallel_loop3A_414, %parallel_loop3A_428 : vector<16xi32>
        %parallel_loop3A_430 = vector.bitcast %parallel_loop3A_429 : vector<16xi32> to vector<16xf32>
        %parallel_loop3A_431 = arith.constant 0 : i32
        %parallel_loop3A_432 = arith.constant 1 : i32
        %parallel_loop3A_433 = arith.constant 1 : i32
        %parallel_loop3A_434 = arith.index_cast %parallel_loop3A_431 : i32 to index
        %parallel_loop3A_435 = arith.index_cast %parallel_loop3A_432 : i32 to index
        %parallel_loop3A_436 = arith.index_cast %parallel_loop3A_433 : i32 to index
        %parallel_loop3A_437 = arith.index_cast %parallel_loop3A_186 : i32 to index
        %parallel_loop3A_438 = tpu.vector_load %arg11[%parallel_loop3A_434, %parallel_loop3A_435, %parallel_loop3A_436, %parallel_loop3A_437] {strides = array<i32>} : memref<2x12x2x2048xf32, #tpu.memory_space<vmem>>, vector<16xf32>,
        tpu.vector_store %arg11[%parallel_loop3A_434, %parallel_loop3A_435, %parallel_loop3A_436, %parallel_loop3A_437], %parallel_loop3A_430 {strides = array<i32>} : memref<2x12x2x2048xf32, #tpu.memory_space<vmem>>, vector<16xf32>,
        %parallel_loop3A_439 = arith.constant 1552 : i32
        %parallel_loop3A_440 = vector.broadcast %parallel_loop3A_439 : i32 to vector<16xi32>
        %parallel_loop3A_441 = arith.addi %parallel_loop3A_410, %parallel_loop3A_440 : vector<16xi32>
        %parallel_loop3A_442 = tpu.vector_load_idx %arg10[%parallel_loop3A_441] : memref<6144xi32, #tpu.memory_space<vmem>>[vector<16xi32>], vector<16xi32>,
        %parallel_loop3A_443 = arith.constant 16 : i32
        %parallel_loop3A_444 = vector.broadcast %parallel_loop3A_443 : i32 to vector<16xi32>
        %parallel_loop3A_445 = arith.shli %parallel_loop3A_442, %parallel_loop3A_444 : vector<16xi32>
        %parallel_loop3A_446 = vector.bitcast %parallel_loop3A_445 : vector<16xi32> to vector<16xf32>
        %parallel_loop3A_447 = arith.constant 0 : i32
        %parallel_loop3A_448 = arith.constant 2 : i32
        %parallel_loop3A_449 = arith.constant 1 : i32
        %parallel_loop3A_450 = arith.index_cast %parallel_loop3A_447 : i32 to index
        %parallel_loop3A_451 = arith.index_cast %parallel_loop3A_448 : i32 to index
        %parallel_loop3A_452 = arith.index_cast %parallel_loop3A_449 : i32 to index
        %parallel_loop3A_453 = arith.index_cast %parallel_loop3A_186 : i32 to index
        %parallel_loop3A_454 = tpu.vector_load %arg11[%parallel_loop3A_450, %parallel_loop3A_451, %parallel_loop3A_452, %parallel_loop3A_453] {strides = array<i32>} : memref<2x12x2x2048xf32, #tpu.memory_space<vmem>>, vector<16xf32>,
        tpu.vector_store %arg11[%parallel_loop3A_450, %parallel_loop3A_451, %parallel_loop3A_452, %parallel_loop3A_453], %parallel_loop3A_446 {strides = array<i32>} : memref<2x12x2x2048xf32, #tpu.memory_space<vmem>>, vector<16xf32>,
        %parallel_loop3A_455 = arith.constant -65536 : i32
        %parallel_loop3A_456 = vector.broadcast %parallel_loop3A_455 : i32 to vector<16xi32>
        %parallel_loop3A_457 = arith.andi %parallel_loop3A_442, %parallel_loop3A_456 : vector<16xi32>
        %parallel_loop3A_458 = vector.bitcast %parallel_loop3A_457 : vector<16xi32> to vector<16xf32>
        %parallel_loop3A_459 = arith.constant 0 : i32
        %parallel_loop3A_460 = arith.constant 3 : i32
        %parallel_loop3A_461 = arith.constant 1 : i32
        %parallel_loop3A_462 = arith.index_cast %parallel_loop3A_459 : i32 to index
        %parallel_loop3A_463 = arith.index_cast %parallel_loop3A_460 : i32 to index
        %parallel_loop3A_464 = arith.index_cast %parallel_loop3A_461 : i32 to index
        %parallel_loop3A_465 = arith.index_cast %parallel_loop3A_186 : i32 to index
        %parallel_loop3A_466 = tpu.vector_load %arg11[%parallel_loop3A_462, %parallel_loop3A_463, %parallel_loop3A_464, %parallel_loop3A_465] {strides = array<i32>} : memref<2x12x2x2048xf32, #tpu.memory_space<vmem>>, vector<16xf32>,
        tpu.vector_store %arg11[%parallel_loop3A_462, %parallel_loop3A_463, %parallel_loop3A_464, %parallel_loop3A_465], %parallel_loop3A_458 {strides = array<i32>} : memref<2x12x2x2048xf32, #tpu.memory_space<vmem>>, vector<16xf32>,
        %parallel_loop3A_467 = arith.constant 2576 : i32
        %parallel_loop3A_468 = vector.broadcast %parallel_loop3A_467 : i32 to vector<16xi32>
        %parallel_loop3A_469 = arith.addi %parallel_loop3A_410, %parallel_loop3A_468 : vector<16xi32>
        %parallel_loop3A_470 = tpu.vector_load_idx %arg10[%parallel_loop3A_469] : memref<6144xi32, #tpu.memory_space<vmem>>[vector<16xi32>], vector<16xi32>,
        %parallel_loop3A_471 = arith.constant 16 : i32
        %parallel_loop3A_472 = vector.broadcast %parallel_loop3A_471 : i32 to vector<16xi32>
        %parallel_loop3A_473 = arith.shli %parallel_loop3A_470, %parallel_loop3A_472 : vector<16xi32>
        %parallel_loop3A_474 = vector.bitcast %parallel_loop3A_473 : vector<16xi32> to vector<16xf32>
        %parallel_loop3A_475 = arith.constant 0 : i32
        %parallel_loop3A_476 = arith.constant 4 : i32
        %parallel_loop3A_477 = arith.constant 1 : i32
        %parallel_loop3A_478 = arith.index_cast %parallel_loop3A_475 : i32 to index
        %parallel_loop3A_479 = arith.index_cast %parallel_loop3A_476 : i32 to index
        %parallel_loop3A_480 = arith.index_cast %parallel_loop3A_477 : i32 to index
        %parallel_loop3A_481 = arith.index_cast %parallel_loop3A_186 : i32 to index
        %parallel_loop3A_482 = tpu.vector_load %arg11[%parallel_loop3A_478, %parallel_loop3A_479, %parallel_loop3A_480, %parallel_loop3A_481] {strides = array<i32>} : memref<2x12x2x2048xf32, #tpu.memory_space<vmem>>, vector<16xf32>,
        tpu.vector_store %arg11[%parallel_loop3A_478, %parallel_loop3A_479, %parallel_loop3A_480, %parallel_loop3A_481], %parallel_loop3A_474 {strides = array<i32>} : memref<2x12x2x2048xf32, #tpu.memory_space<vmem>>, vector<16xf32>,
        %parallel_loop3A_483 = arith.constant -65536 : i32
        %parallel_loop3A_484 = vector.broadcast %parallel_loop3A_483 : i32 to vector<16xi32>
        %parallel_loop3A_485 = arith.andi %parallel_loop3A_470, %parallel_loop3A_484 : vector<16xi32>
        %parallel_loop3A_486 = vector.bitcast %parallel_loop3A_485 : vector<16xi32> to vector<16xf32>
        %parallel_loop3A_487 = arith.constant 0 : i32
        %parallel_loop3A_488 = arith.constant 5 : i32
        %parallel_loop3A_489 = arith.constant 1 : i32
        %parallel_loop3A_490 = arith.index_cast %parallel_loop3A_487 : i32 to index
        %parallel_loop3A_491 = arith.index_cast %parallel_loop3A_488 : i32 to index
        %parallel_loop3A_492 = arith.index_cast %parallel_loop3A_489 : i32 to index
        %parallel_loop3A_493 = arith.index_cast %parallel_loop3A_186 : i32 to index
        %parallel_loop3A_494 = tpu.vector_load %arg11[%parallel_loop3A_490, %parallel_loop3A_491, %parallel_loop3A_492, %parallel_loop3A_493] {strides = array<i32>} : memref<2x12x2x2048xf32, #tpu.memory_space<vmem>>, vector<16xf32>,
        tpu.vector_store %arg11[%parallel_loop3A_490, %parallel_loop3A_491, %parallel_loop3A_492, %parallel_loop3A_493], %parallel_loop3A_486 {strides = array<i32>} : memref<2x12x2x2048xf32, #tpu.memory_space<vmem>>, vector<16xf32>,
        %parallel_loop3A_495 = arith.constant 3600 : i32
        %parallel_loop3A_496 = vector.broadcast %parallel_loop3A_495 : i32 to vector<16xi32>
        %parallel_loop3A_497 = arith.addi %parallel_loop3A_410, %parallel_loop3A_496 : vector<16xi32>
        %parallel_loop3A_498 = tpu.vector_load_idx %arg10[%parallel_loop3A_497] : memref<6144xi32, #tpu.memory_space<vmem>>[vector<16xi32>], vector<16xi32>,
        %parallel_loop3A_499 = arith.constant 16 : i32
        %parallel_loop3A_500 = vector.broadcast %parallel_loop3A_499 : i32 to vector<16xi32>
        %parallel_loop3A_501 = arith.shli %parallel_loop3A_498, %parallel_loop3A_500 : vector<16xi32>
        %parallel_loop3A_502 = vector.bitcast %parallel_loop3A_501 : vector<16xi32> to vector<16xf32>
        %parallel_loop3A_503 = arith.constant 0 : i32
        %parallel_loop3A_504 = arith.constant 6 : i32
        %parallel_loop3A_505 = arith.constant 1 : i32
        %parallel_loop3A_506 = arith.index_cast %parallel_loop3A_503 : i32 to index
        %parallel_loop3A_507 = arith.index_cast %parallel_loop3A_504 : i32 to index
        %parallel_loop3A_508 = arith.index_cast %parallel_loop3A_505 : i32 to index
        %parallel_loop3A_509 = arith.index_cast %parallel_loop3A_186 : i32 to index
        %parallel_loop3A_510 = tpu.vector_load %arg11[%parallel_loop3A_506, %parallel_loop3A_507, %parallel_loop3A_508, %parallel_loop3A_509] {strides = array<i32>} : memref<2x12x2x2048xf32, #tpu.memory_space<vmem>>, vector<16xf32>,
        tpu.vector_store %arg11[%parallel_loop3A_506, %parallel_loop3A_507, %parallel_loop3A_508, %parallel_loop3A_509], %parallel_loop3A_502 {strides = array<i32>} : memref<2x12x2x2048xf32, #tpu.memory_space<vmem>>, vector<16xf32>,
        %parallel_loop3A_511 = arith.constant -65536 : i32
        %parallel_loop3A_512 = vector.broadcast %parallel_loop3A_511 : i32 to vector<16xi32>
        %parallel_loop3A_513 = arith.andi %parallel_loop3A_498, %parallel_loop3A_512 : vector<16xi32>
        %parallel_loop3A_514 = vector.bitcast %parallel_loop3A_513 : vector<16xi32> to vector<16xf32>
        %parallel_loop3A_515 = arith.constant 0 : i32
        %parallel_loop3A_516 = arith.constant 7 : i32
        %parallel_loop3A_517 = arith.constant 1 : i32
        %parallel_loop3A_518 = arith.index_cast %parallel_loop3A_515 : i32 to index
        %parallel_loop3A_519 = arith.index_cast %parallel_loop3A_516 : i32 to index
        %parallel_loop3A_520 = arith.index_cast %parallel_loop3A_517 : i32 to index
        %parallel_loop3A_521 = arith.index_cast %parallel_loop3A_186 : i32 to index
        %parallel_loop3A_522 = tpu.vector_load %arg11[%parallel_loop3A_518, %parallel_loop3A_519, %parallel_loop3A_520, %parallel_loop3A_521] {strides = array<i32>} : memref<2x12x2x2048xf32, #tpu.memory_space<vmem>>, vector<16xf32>,
        tpu.vector_store %arg11[%parallel_loop3A_518, %parallel_loop3A_519, %parallel_loop3A_520, %parallel_loop3A_521], %parallel_loop3A_514 {strides = array<i32>} : memref<2x12x2x2048xf32, #tpu.memory_space<vmem>>, vector<16xf32>,
        %parallel_loop3A_523 = arith.constant 4624 : i32
        %parallel_loop3A_524 = vector.broadcast %parallel_loop3A_523 : i32 to vector<16xi32>
        %parallel_loop3A_525 = arith.addi %parallel_loop3A_410, %parallel_loop3A_524 : vector<16xi32>
        %parallel_loop3A_526 = tpu.vector_load_idx %arg10[%parallel_loop3A_525] : memref<6144xi32, #tpu.memory_space<vmem>>[vector<16xi32>], vector<16xi32>,
        %parallel_loop3A_527 = arith.constant 16 : i32
        %parallel_loop3A_528 = vector.broadcast %parallel_loop3A_527 : i32 to vector<16xi32>
        %parallel_loop3A_529 = arith.shli %parallel_loop3A_526, %parallel_loop3A_528 : vector<16xi32>
        %parallel_loop3A_530 = vector.bitcast %parallel_loop3A_529 : vector<16xi32> to vector<16xf32>
        %parallel_loop3A_531 = arith.constant 0 : i32
        %parallel_loop3A_532 = arith.constant 8 : i32
        %parallel_loop3A_533 = arith.constant 1 : i32
        %parallel_loop3A_534 = arith.index_cast %parallel_loop3A_531 : i32 to index
        %parallel_loop3A_535 = arith.index_cast %parallel_loop3A_532 : i32 to index
        %parallel_loop3A_536 = arith.index_cast %parallel_loop3A_533 : i32 to index
        %parallel_loop3A_537 = arith.index_cast %parallel_loop3A_186 : i32 to index
        %parallel_loop3A_538 = tpu.vector_load %arg11[%parallel_loop3A_534, %parallel_loop3A_535, %parallel_loop3A_536, %parallel_loop3A_537] {strides = array<i32>} : memref<2x12x2x2048xf32, #tpu.memory_space<vmem>>, vector<16xf32>,
        tpu.vector_store %arg11[%parallel_loop3A_534, %parallel_loop3A_535, %parallel_loop3A_536, %parallel_loop3A_537], %parallel_loop3A_530 {strides = array<i32>} : memref<2x12x2x2048xf32, #tpu.memory_space<vmem>>, vector<16xf32>,
        %parallel_loop3A_539 = arith.constant -65536 : i32
        %parallel_loop3A_540 = vector.broadcast %parallel_loop3A_539 : i32 to vector<16xi32>
        %parallel_loop3A_541 = arith.andi %parallel_loop3A_526, %parallel_loop3A_540 : vector<16xi32>
        %parallel_loop3A_542 = vector.bitcast %parallel_loop3A_541 : vector<16xi32> to vector<16xf32>
        %parallel_loop3A_543 = arith.constant 0 : i32
        %parallel_loop3A_544 = arith.constant 9 : i32
        %parallel_loop3A_545 = arith.constant 1 : i32
        %parallel_loop3A_546 = arith.index_cast %parallel_loop3A_543 : i32 to index
        %parallel_loop3A_547 = arith.index_cast %parallel_loop3A_544 : i32 to index
        %parallel_loop3A_548 = arith.index_cast %parallel_loop3A_545 : i32 to index
        %parallel_loop3A_549 = arith.index_cast %parallel_loop3A_186 : i32 to index
        %parallel_loop3A_550 = tpu.vector_load %arg11[%parallel_loop3A_546, %parallel_loop3A_547, %parallel_loop3A_548, %parallel_loop3A_549] {strides = array<i32>} : memref<2x12x2x2048xf32, #tpu.memory_space<vmem>>, vector<16xf32>,
        tpu.vector_store %arg11[%parallel_loop3A_546, %parallel_loop3A_547, %parallel_loop3A_548, %parallel_loop3A_549], %parallel_loop3A_542 {strides = array<i32>} : memref<2x12x2x2048xf32, #tpu.memory_space<vmem>>, vector<16xf32>,
        %parallel_loop3A_551 = arith.constant 5648 : i32
        %parallel_loop3A_552 = vector.broadcast %parallel_loop3A_551 : i32 to vector<16xi32>
        %parallel_loop3A_553 = arith.addi %parallel_loop3A_410, %parallel_loop3A_552 : vector<16xi32>
        %parallel_loop3A_554 = tpu.vector_load_idx %arg10[%parallel_loop3A_553] : memref<6144xi32, #tpu.memory_space<vmem>>[vector<16xi32>], vector<16xi32>,
        %parallel_loop3A_555 = arith.constant 16 : i32
        %parallel_loop3A_556 = vector.broadcast %parallel_loop3A_555 : i32 to vector<16xi32>
        %parallel_loop3A_557 = arith.shli %parallel_loop3A_554, %parallel_loop3A_556 : vector<16xi32>
        %parallel_loop3A_558 = vector.bitcast %parallel_loop3A_557 : vector<16xi32> to vector<16xf32>
        %parallel_loop3A_559 = arith.constant 0 : i32
        %parallel_loop3A_560 = arith.constant 10 : i32
        %parallel_loop3A_561 = arith.constant 1 : i32
        %parallel_loop3A_562 = arith.index_cast %parallel_loop3A_559 : i32 to index
        %parallel_loop3A_563 = arith.index_cast %parallel_loop3A_560 : i32 to index
        %parallel_loop3A_564 = arith.index_cast %parallel_loop3A_561 : i32 to index
        %parallel_loop3A_565 = arith.index_cast %parallel_loop3A_186 : i32 to index
        %parallel_loop3A_566 = tpu.vector_load %arg11[%parallel_loop3A_562, %parallel_loop3A_563, %parallel_loop3A_564, %parallel_loop3A_565] {strides = array<i32>} : memref<2x12x2x2048xf32, #tpu.memory_space<vmem>>, vector<16xf32>,
        tpu.vector_store %arg11[%parallel_loop3A_562, %parallel_loop3A_563, %parallel_loop3A_564, %parallel_loop3A_565], %parallel_loop3A_558 {strides = array<i32>} : memref<2x12x2x2048xf32, #tpu.memory_space<vmem>>, vector<16xf32>,
        %parallel_loop3A_567 = arith.constant -65536 : i32
        %parallel_loop3A_568 = vector.broadcast %parallel_loop3A_567 : i32 to vector<16xi32>
        %parallel_loop3A_569 = arith.andi %parallel_loop3A_554, %parallel_loop3A_568 : vector<16xi32>
        %parallel_loop3A_570 = vector.bitcast %parallel_loop3A_569 : vector<16xi32> to vector<16xf32>
        %parallel_loop3A_571 = arith.constant 0 : i32
        %parallel_loop3A_572 = arith.constant 11 : i32
        %parallel_loop3A_573 = arith.constant 1 : i32
        %parallel_loop3A_574 = arith.index_cast %parallel_loop3A_571 : i32 to index
        %parallel_loop3A_575 = arith.index_cast %parallel_loop3A_572 : i32 to index
        %parallel_loop3A_576 = arith.index_cast %parallel_loop3A_573 : i32 to index
        %parallel_loop3A_577 = arith.index_cast %parallel_loop3A_186 : i32 to index
        %parallel_loop3A_578 = tpu.vector_load %arg11[%parallel_loop3A_574, %parallel_loop3A_575, %parallel_loop3A_576, %parallel_loop3A_577] {strides = array<i32>} : memref<2x12x2x2048xf32, #tpu.memory_space<vmem>>, vector<16xf32>,
        tpu.vector_store %arg11[%parallel_loop3A_574, %parallel_loop3A_575, %parallel_loop3A_576, %parallel_loop3A_577], %parallel_loop3A_570 {strides = array<i32>} : memref<2x12x2x2048xf32, #tpu.memory_space<vmem>>, vector<16xf32>,
      } {sc.loop_unroll_factor = 1 : i64, sc.parallel_access}
      %dma_start3A = arith.constant 0 : i32
      %dma_start3A_114 = arith.constant 0 : i32
      %dma_start3A_115 = arith.constant 0 : i32
      %dma_start3A_116 = arith.constant 0 : i32
      %dma_start3A_117 = arith.constant 0 : i32
      %dma_start3A_118 = tpu.memref_slice %arg11[%dma_start3A, %dma_start3A_115, %dma_start3A_116, %dma_start3A_117] : memref<2x12x2x2048xf32, #tpu.memory_space<vmem>> -> memref<1x12x2x2048xf32, #tpu.memory_space<vmem>>
      %dma_start3A_119 = tpu.memref_squeeze %dma_start3A_118 : memref<1x12x2x2048xf32, #tpu.memory_space<vmem>> -> memref<12x2x2048xf32, #tpu.memory_space<vmem>>
      %dma_start3A_120 = arith.constant 0 : i32
      %dma_start3A_121 = arith.constant 0 : i32
      %dma_start3A_122 = tpu.memref_slice %arg5[%dma_start3A_114, %dma_start3A_120, %add3A_91, %dma_start3A_121] : memref<1x12x2048x2048xf32, #tpu.memory_space<hbm>> -> memref<1x12x2x2048xf32, #tpu.memory_space<hbm>>
      %dma_start3A_123 = tpu.memref_squeeze %dma_start3A_122 : memref<1x12x2x2048xf32, #tpu.memory_space<hbm>> -> memref<12x2x2048xf32, #tpu.memory_space<hbm>>
      %dma_start3A_124 = arith.constant 0 : i32
      %dma_start3A_125 = arith.constant 0 : i32
      %dma_start3A_126 = tpu.memref_slice %arg5[%dma_start3A_114, %dma_start3A_124, %add3A_91, %dma_start3A_125] : memref<1x12x2048x2048xf32, #tpu.memory_space<hbm>> -> memref<1x12x2x2048xf32, #tpu.memory_space<hbm>>
      %dma_start3A_127 = tpu.memref_squeeze %dma_start3A_126 : memref<1x12x2x2048xf32, #tpu.memory_space<hbm>> -> memref<12x2x2048xf32, #tpu.memory_space<hbm>>
      %dma_start3A_128 = arith.constant 0 : i32
      %dma_start3A_129 = arith.constant 0 : i32
      %dma_start3A_130 = arith.constant 0 : i32
      %dma_start3A_131 = tpu.memref_slice %arg11[%dma_start3A, %dma_start3A_128, %dma_start3A_129, %dma_start3A_130] : memref<2x12x2x2048xf32, #tpu.memory_space<vmem>> -> memref<1x12x2x2048xf32, #tpu.memory_space<vmem>>
      %dma_start3A_132 = tpu.memref_squeeze %dma_start3A_131 : memref<1x12x2x2048xf32, #tpu.memory_space<vmem>> -> memref<12x2x2048xf32, #tpu.memory_space<vmem>>
      tpu.enqueue_dma source(%dma_start3A_132 : memref<12x2x2048xf32, #tpu.memory_space<vmem>>) target(%dma_start3A_127 : memref<12x2x2048xf32, #tpu.memory_space<hbm>>) target_semaphore(%arg12 : memref<!tpu.dma_semaphore, #tpu.memory_space<semaphore_mem>>)
      %gt3A_133 = arith.constant 0 : i32
      %gt3A_134 = arith.cmpi sgt, %scan3A_87, %gt3A_133 : i32
      %convert_element_type3A_135 = arith.extui %gt3A_134 : i1 to i32
      %cond3A_136 = arith.constant 0 : i32
      %cond3A_137 = arith.cmpi ne, %convert_element_type3A_135, %cond3A_136 : i32
      scf.if %cond3A_137 {
        %sub3A_186 = arith.constant 2 : i32
        %sub3A_187 = arith.subi %add3A_91, %sub3A_186 : i32
        %dma_wait3A_188 = arith.constant 1 : i32
        %dma_wait3A_189 = arith.constant 0 : i32
        %dma_wait3A_190 = arith.constant 0 : i32
        %dma_wait3A_191 = arith.constant 0 : i32
        %dma_wait3A_192 = arith.constant 0 : i32
        %dma_wait3A_193 = tpu.memref_slice %arg11[%dma_wait3A_188, %dma_wait3A_190, %dma_wait3A_191, %dma_wait3A_192] : memref<2x12x2x2048xf32, #tpu.memory_space<vmem>> -> memref<1x12x2x2048xf32, #tpu.memory_space<vmem>>
        %dma_wait3A_194 = tpu.memref_squeeze %dma_wait3A_193 : memref<1x12x2x2048xf32, #tpu.memory_space<vmem>> -> memref<12x2x2048xf32, #tpu.memory_space<vmem>>
        %dma_wait3A_195 = arith.constant 0 : i32
        %dma_wait3A_196 = arith.constant 0 : i32
        %dma_wait3A_197 = tpu.memref_slice %arg5[%dma_wait3A_189, %dma_wait3A_195, %sub3A_187, %dma_wait3A_196] : memref<1x12x2048x2048xf32, #tpu.memory_space<hbm>> -> memref<1x12x2x2048xf32, #tpu.memory_space<hbm>>
        %dma_wait3A_198 = tpu.memref_squeeze %dma_wait3A_197 : memref<1x12x2x2048xf32, #tpu.memory_space<hbm>> -> memref<12x2x2048xf32, #tpu.memory_space<hbm>>
        %dma_wait3A_199 = arith.constant 0 : i32
        %dma_wait3A_200 = arith.constant 0 : i32
        %dma_wait3A_201 = tpu.memref_slice %arg5[%dma_wait3A_189, %dma_wait3A_199, %sub3A_187, %dma_wait3A_200] : memref<1x12x2048x2048xf32, #tpu.memory_space<hbm>> -> memref<1x12x2x2048xf32, #tpu.memory_space<hbm>>
        %dma_wait3A_202 = tpu.memref_squeeze %dma_wait3A_201 : memref<1x12x2x2048xf32, #tpu.memory_space<hbm>> -> memref<12x2x2048xf32, #tpu.memory_space<hbm>>
        %dma_wait3A_203 = arith.constant 0 : i32
        %dma_wait3A_204 = arith.constant 0 : i32
        %dma_wait3A_205 = arith.constant 0 : i32
        %dma_wait3A_206 = tpu.memref_slice %arg11[%dma_wait3A_188, %dma_wait3A_203, %dma_wait3A_204, %dma_wait3A_205] : memref<2x12x2x2048xf32, #tpu.memory_space<vmem>> -> memref<1x12x2x2048xf32, #tpu.memory_space<vmem>>
        %dma_wait3A_207 = tpu.memref_squeeze %dma_wait3A_206 : memref<1x12x2x2048xf32, #tpu.memory_space<vmem>> -> memref<12x2x2048xf32, #tpu.memory_space<vmem>>
        tpu.wait_dma2 semaphore(%arg13 : memref<!tpu.dma_semaphore, #tpu.memory_space<semaphore_mem>>) src(%dma_wait3A_207 : memref<12x2x2048xf32, #tpu.memory_space<vmem>>) dst(%dma_wait3A_202 : memref<12x2x2048xf32, #tpu.memory_space<hbm>>)
      } else {
      }
      %add3A_138 = arith.constant 2 : i32
      %add3A_139 = arith.addi %add3A_91, %add3A_138 : i32
      %get3A_140 = arith.index_cast %add3A_139 : i32 to index
      %get3A_141 = tpu.vector_load %arg6[%get3A_140] {strides = array<i32>} : memref<2064xf32, #tpu.memory_space<vmem>>, vector<16xf32>,
      %slice3A_142 = vector.extract_strided_slice %get3A_141 {offsets = [0], sizes = [1], strides = [1]} : vector<16xf32> to vector<1xf32>
      %squeeze3A_143 = vector.extract %slice3A_142[0] : f32 from vector<1xf32>
      %get3A_144 = arith.index_cast %add3A_139 : i32 to index
      %get3A_145 = tpu.vector_load %arg8[%get3A_144] {strides = array<i32>} : memref<2064xf32, #tpu.memory_space<vmem>>, vector<16xf32>,
      %slice3A_146 = vector.extract_strided_slice %get3A_145 {offsets = [0], sizes = [1], strides = [1]} : vector<16xf32> to vector<1xf32>
      %squeeze3A_147 = vector.extract %slice3A_146[0] : f32 from vector<1xf32>
      %add3A_148 = arith.constant 1 : i32
      %add3A_149 = arith.addi %add3A_139, %add3A_148 : i32
      %get3A_150 = arith.index_cast %add3A_149 : i32 to index
      %get3A_151 = tpu.vector_load %arg6[%get3A_150] {strides = array<i32>} : memref<2064xf32, #tpu.memory_space<vmem>>, vector<16xf32>,
      %slice3A_152 = vector.extract_strided_slice %get3A_151 {offsets = [0], sizes = [1], strides = [1]} : vector<16xf32> to vector<1xf32>
      %squeeze3A_153 = vector.extract %slice3A_152[0] : f32 from vector<1xf32>
      %add3A_154 = arith.constant 1 : i32
      %add3A_155 = arith.addi %add3A_139, %add3A_154 : i32
      %get3A_156 = arith.index_cast %add3A_155 : i32 to index
      %get3A_157 = tpu.vector_load %arg8[%get3A_156] {strides = array<i32>} : memref<2064xf32, #tpu.memory_space<vmem>>, vector<16xf32>,
      %slice3A_158 = vector.extract_strided_slice %get3A_157 {offsets = [0], sizes = [1], strides = [1]} : vector<16xf32> to vector<1xf32>
      %squeeze3A_159 = vector.extract %slice3A_158[0] : f32 from vector<1xf32>
      %parallel_loop3A_160 = arith.constant 0 : i32
      %parallel_loop3A_161 = arith.constant 2048 : i32
      %parallel_loop3A_162 = arith.constant 16 : i32
      scf.for %parallel_loop3A_186 = %parallel_loop3A_160 to %parallel_loop3A_161 step %parallel_loop3A_162  : i32 {
        %parallel_loop3A_187 = arith.index_cast %parallel_loop3A_186 : i32 to index
        %parallel_loop3A_188 = tpu.vector_load %arg6[%parallel_loop3A_187] {strides = array<i32>} : memref<2064xf32, #tpu.memory_space<vmem>>, vector<16xf32>,
        %parallel_loop3A_189 = arith.index_cast %parallel_loop3A_186 : i32 to index
        %parallel_loop3A_190 = tpu.vector_load %arg7[%parallel_loop3A_189] {strides = array<i32>} : memref<2064xf32, #tpu.memory_space<vmem>>, vector<16xf32>,
        %parallel_loop3A_191 = vector.broadcast %squeeze3A_143 : f32 to vector<16xf32>
        %parallel_loop3A_192 = arith.subf %parallel_loop3A_191, %parallel_loop3A_188 : vector<16xf32>
        %parallel_loop3A_193 = arith.fptosi %parallel_loop3A_192 : vector<16xf32> to vector<16xi32>
        %parallel_loop3A_194 = arith.constant 15 : i32
        %parallel_loop3A_195 = vector.broadcast %parallel_loop3A_194 : i32 to vector<16xi32>
        %parallel_loop3A_196 = arith.minsi %parallel_loop3A_193, %parallel_loop3A_195 : vector<16xi32>
        %parallel_loop3A_197 = vector.broadcast %squeeze3A_147 : f32 to vector<16xf32>
        %parallel_loop3A_198 = arith.subf %parallel_loop3A_197, %parallel_loop3A_190 : vector<16xf32>
        %parallel_loop3A_199 = arith.constant 0.000000e+00 : f32
        %parallel_loop3A_200 = vector.broadcast %parallel_loop3A_199 : f32 to vector<16xf32>
        %parallel_loop3A_201 = arith.cmpf olt, %parallel_loop3A_198, %parallel_loop3A_200 : vector<16xf32>
        %parallel_loop3A_202 = arith.constant 3.200000e+01 : f32
        %parallel_loop3A_203 = vector.broadcast %parallel_loop3A_202 : f32 to vector<16xf32>
        %parallel_loop3A_204 = arith.addf %parallel_loop3A_198, %parallel_loop3A_203 : vector<16xf32>
        %parallel_loop3A_205 = arith.select %parallel_loop3A_201, %parallel_loop3A_204, %parallel_loop3A_198 : vector<16xi1>, vector<16xf32>
        %parallel_loop3A_206 = arith.constant 1.600000e+01 : f32
        %parallel_loop3A_207 = vector.broadcast %parallel_loop3A_206 : f32 to vector<16xf32>
        %parallel_loop3A_208 = arith.subf %parallel_loop3A_205, %parallel_loop3A_207 : vector<16xf32>
        %parallel_loop3A_209 = arith.fptosi %parallel_loop3A_208 : vector<16xf32> to vector<16xi32>
        %parallel_loop3A_210 = arith.constant 15 : i32
        %parallel_loop3A_211 = vector.broadcast %parallel_loop3A_210 : i32 to vector<16xi32>
        %parallel_loop3A_212 = arith.minsi %parallel_loop3A_209, %parallel_loop3A_211 : vector<16xi32>
        %parallel_loop3A_213 = arith.constant 5 : i32
        %parallel_loop3A_214 = vector.broadcast %parallel_loop3A_213 : i32 to vector<16xi32>
        %parallel_loop3A_215 = arith.shli %parallel_loop3A_196, %parallel_loop3A_214 : vector<16xi32>
        %parallel_loop3A_216 = arith.addi %parallel_loop3A_215, %parallel_loop3A_212 : vector<16xi32>
        %parallel_loop3A_217 = arith.constant 528 : i32
        %parallel_loop3A_218 = vector.broadcast %parallel_loop3A_217 : i32 to vector<16xi32>
        %parallel_loop3A_219 = arith.addi %parallel_loop3A_216, %parallel_loop3A_218 : vector<16xi32>
        %parallel_loop3A_220 = tpu.vector_load_idx %arg10[%parallel_loop3A_219] : memref<6144xi32, #tpu.memory_space<vmem>>[vector<16xi32>], vector<16xi32>,
        %parallel_loop3A_221 = arith.constant 16 : i32
        %parallel_loop3A_222 = vector.broadcast %parallel_loop3A_221 : i32 to vector<16xi32>
        %parallel_loop3A_223 = arith.shli %parallel_loop3A_220, %parallel_loop3A_222 : vector<16xi32>
        %parallel_loop3A_224 = vector.bitcast %parallel_loop3A_223 : vector<16xi32> to vector<16xf32>
        %parallel_loop3A_225 = arith.constant 1 : i32
        %parallel_loop3A_226 = arith.constant 0 : i32
        %parallel_loop3A_227 = arith.constant 0 : i32
        %parallel_loop3A_228 = arith.index_cast %parallel_loop3A_225 : i32 to index
        %parallel_loop3A_229 = arith.index_cast %parallel_loop3A_226 : i32 to index
        %parallel_loop3A_230 = arith.index_cast %parallel_loop3A_227 : i32 to index
        %parallel_loop3A_231 = arith.index_cast %parallel_loop3A_186 : i32 to index
        %parallel_loop3A_232 = tpu.vector_load %arg11[%parallel_loop3A_228, %parallel_loop3A_229, %parallel_loop3A_230, %parallel_loop3A_231] {strides = array<i32>} : memref<2x12x2x2048xf32, #tpu.memory_space<vmem>>, vector<16xf32>,
        tpu.vector_store %arg11[%parallel_loop3A_228, %parallel_loop3A_229, %parallel_loop3A_230, %parallel_loop3A_231], %parallel_loop3A_224 {strides = array<i32>} : memref<2x12x2x2048xf32, #tpu.memory_space<vmem>>, vector<16xf32>,
        %parallel_loop3A_233 = arith.constant -65536 : i32
        %parallel_loop3A_234 = vector.broadcast %parallel_loop3A_233 : i32 to vector<16xi32>
        %parallel_loop3A_235 = arith.andi %parallel_loop3A_220, %parallel_loop3A_234 : vector<16xi32>
        %parallel_loop3A_236 = vector.bitcast %parallel_loop3A_235 : vector<16xi32> to vector<16xf32>
        %parallel_loop3A_237 = arith.constant 1 : i32
        %parallel_loop3A_238 = arith.constant 1 : i32
        %parallel_loop3A_239 = arith.constant 0 : i32
        %parallel_loop3A_240 = arith.index_cast %parallel_loop3A_237 : i32 to index
        %parallel_loop3A_241 = arith.index_cast %parallel_loop3A_238 : i32 to index
        %parallel_loop3A_242 = arith.index_cast %parallel_loop3A_239 : i32 to index
        %parallel_loop3A_243 = arith.index_cast %parallel_loop3A_186 : i32 to index
        %parallel_loop3A_244 = tpu.vector_load %arg11[%parallel_loop3A_240, %parallel_loop3A_241, %parallel_loop3A_242, %parallel_loop3A_243] {strides = array<i32>} : memref<2x12x2x2048xf32, #tpu.memory_space<vmem>>, vector<16xf32>,
        tpu.vector_store %arg11[%parallel_loop3A_240, %parallel_loop3A_241, %parallel_loop3A_242, %parallel_loop3A_243], %parallel_loop3A_236 {strides = array<i32>} : memref<2x12x2x2048xf32, #tpu.memory_space<vmem>>, vector<16xf32>,
        %parallel_loop3A_245 = arith.constant 1552 : i32
        %parallel_loop3A_246 = vector.broadcast %parallel_loop3A_245 : i32 to vector<16xi32>
        %parallel_loop3A_247 = arith.addi %parallel_loop3A_216, %parallel_loop3A_246 : vector<16xi32>
        %parallel_loop3A_248 = tpu.vector_load_idx %arg10[%parallel_loop3A_247] : memref<6144xi32, #tpu.memory_space<vmem>>[vector<16xi32>], vector<16xi32>,
        %parallel_loop3A_249 = arith.constant 16 : i32
        %parallel_loop3A_250 = vector.broadcast %parallel_loop3A_249 : i32 to vector<16xi32>
        %parallel_loop3A_251 = arith.shli %parallel_loop3A_248, %parallel_loop3A_250 : vector<16xi32>
        %parallel_loop3A_252 = vector.bitcast %parallel_loop3A_251 : vector<16xi32> to vector<16xf32>
        %parallel_loop3A_253 = arith.constant 1 : i32
        %parallel_loop3A_254 = arith.constant 2 : i32
        %parallel_loop3A_255 = arith.constant 0 : i32
        %parallel_loop3A_256 = arith.index_cast %parallel_loop3A_253 : i32 to index
        %parallel_loop3A_257 = arith.index_cast %parallel_loop3A_254 : i32 to index
        %parallel_loop3A_258 = arith.index_cast %parallel_loop3A_255 : i32 to index
        %parallel_loop3A_259 = arith.index_cast %parallel_loop3A_186 : i32 to index
        %parallel_loop3A_260 = tpu.vector_load %arg11[%parallel_loop3A_256, %parallel_loop3A_257, %parallel_loop3A_258, %parallel_loop3A_259] {strides = array<i32>} : memref<2x12x2x2048xf32, #tpu.memory_space<vmem>>, vector<16xf32>,
        tpu.vector_store %arg11[%parallel_loop3A_256, %parallel_loop3A_257, %parallel_loop3A_258, %parallel_loop3A_259], %parallel_loop3A_252 {strides = array<i32>} : memref<2x12x2x2048xf32, #tpu.memory_space<vmem>>, vector<16xf32>,
        %parallel_loop3A_261 = arith.constant -65536 : i32
        %parallel_loop3A_262 = vector.broadcast %parallel_loop3A_261 : i32 to vector<16xi32>
        %parallel_loop3A_263 = arith.andi %parallel_loop3A_248, %parallel_loop3A_262 : vector<16xi32>
        %parallel_loop3A_264 = vector.bitcast %parallel_loop3A_263 : vector<16xi32> to vector<16xf32>
        %parallel_loop3A_265 = arith.constant 1 : i32
        %parallel_loop3A_266 = arith.constant 3 : i32
        %parallel_loop3A_267 = arith.constant 0 : i32
        %parallel_loop3A_268 = arith.index_cast %parallel_loop3A_265 : i32 to index
        %parallel_loop3A_269 = arith.index_cast %parallel_loop3A_266 : i32 to index
        %parallel_loop3A_270 = arith.index_cast %parallel_loop3A_267 : i32 to index
        %parallel_loop3A_271 = arith.index_cast %parallel_loop3A_186 : i32 to index
        %parallel_loop3A_272 = tpu.vector_load %arg11[%parallel_loop3A_268, %parallel_loop3A_269, %parallel_loop3A_270, %parallel_loop3A_271] {strides = array<i32>} : memref<2x12x2x2048xf32, #tpu.memory_space<vmem>>, vector<16xf32>,
        tpu.vector_store %arg11[%parallel_loop3A_268, %parallel_loop3A_269, %parallel_loop3A_270, %parallel_loop3A_271], %parallel_loop3A_264 {strides = array<i32>} : memref<2x12x2x2048xf32, #tpu.memory_space<vmem>>, vector<16xf32>,
        %parallel_loop3A_273 = arith.constant 2576 : i32
        %parallel_loop3A_274 = vector.broadcast %parallel_loop3A_273 : i32 to vector<16xi32>
        %parallel_loop3A_275 = arith.addi %parallel_loop3A_216, %parallel_loop3A_274 : vector<16xi32>
        %parallel_loop3A_276 = tpu.vector_load_idx %arg10[%parallel_loop3A_275] : memref<6144xi32, #tpu.memory_space<vmem>>[vector<16xi32>], vector<16xi32>,
        %parallel_loop3A_277 = arith.constant 16 : i32
        %parallel_loop3A_278 = vector.broadcast %parallel_loop3A_277 : i32 to vector<16xi32>
        %parallel_loop3A_279 = arith.shli %parallel_loop3A_276, %parallel_loop3A_278 : vector<16xi32>
        %parallel_loop3A_280 = vector.bitcast %parallel_loop3A_279 : vector<16xi32> to vector<16xf32>
        %parallel_loop3A_281 = arith.constant 1 : i32
        %parallel_loop3A_282 = arith.constant 4 : i32
        %parallel_loop3A_283 = arith.constant 0 : i32
        %parallel_loop3A_284 = arith.index_cast %parallel_loop3A_281 : i32 to index
        %parallel_loop3A_285 = arith.index_cast %parallel_loop3A_282 : i32 to index
        %parallel_loop3A_286 = arith.index_cast %parallel_loop3A_283 : i32 to index
        %parallel_loop3A_287 = arith.index_cast %parallel_loop3A_186 : i32 to index
        %parallel_loop3A_288 = tpu.vector_load %arg11[%parallel_loop3A_284, %parallel_loop3A_285, %parallel_loop3A_286, %parallel_loop3A_287] {strides = array<i32>} : memref<2x12x2x2048xf32, #tpu.memory_space<vmem>>, vector<16xf32>,
        tpu.vector_store %arg11[%parallel_loop3A_284, %parallel_loop3A_285, %parallel_loop3A_286, %parallel_loop3A_287], %parallel_loop3A_280 {strides = array<i32>} : memref<2x12x2x2048xf32, #tpu.memory_space<vmem>>, vector<16xf32>,
        %parallel_loop3A_289 = arith.constant -65536 : i32
        %parallel_loop3A_290 = vector.broadcast %parallel_loop3A_289 : i32 to vector<16xi32>
        %parallel_loop3A_291 = arith.andi %parallel_loop3A_276, %parallel_loop3A_290 : vector<16xi32>
        %parallel_loop3A_292 = vector.bitcast %parallel_loop3A_291 : vector<16xi32> to vector<16xf32>
        %parallel_loop3A_293 = arith.constant 1 : i32
        %parallel_loop3A_294 = arith.constant 5 : i32
        %parallel_loop3A_295 = arith.constant 0 : i32
        %parallel_loop3A_296 = arith.index_cast %parallel_loop3A_293 : i32 to index
        %parallel_loop3A_297 = arith.index_cast %parallel_loop3A_294 : i32 to index
        %parallel_loop3A_298 = arith.index_cast %parallel_loop3A_295 : i32 to index
        %parallel_loop3A_299 = arith.index_cast %parallel_loop3A_186 : i32 to index
        %parallel_loop3A_300 = tpu.vector_load %arg11[%parallel_loop3A_296, %parallel_loop3A_297, %parallel_loop3A_298, %parallel_loop3A_299] {strides = array<i32>} : memref<2x12x2x2048xf32, #tpu.memory_space<vmem>>, vector<16xf32>,
        tpu.vector_store %arg11[%parallel_loop3A_296, %parallel_loop3A_297, %parallel_loop3A_298, %parallel_loop3A_299], %parallel_loop3A_292 {strides = array<i32>} : memref<2x12x2x2048xf32, #tpu.memory_space<vmem>>, vector<16xf32>,
        %parallel_loop3A_301 = arith.constant 3600 : i32
        %parallel_loop3A_302 = vector.broadcast %parallel_loop3A_301 : i32 to vector<16xi32>
        %parallel_loop3A_303 = arith.addi %parallel_loop3A_216, %parallel_loop3A_302 : vector<16xi32>
        %parallel_loop3A_304 = tpu.vector_load_idx %arg10[%parallel_loop3A_303] : memref<6144xi32, #tpu.memory_space<vmem>>[vector<16xi32>], vector<16xi32>,
        %parallel_loop3A_305 = arith.constant 16 : i32
        %parallel_loop3A_306 = vector.broadcast %parallel_loop3A_305 : i32 to vector<16xi32>
        %parallel_loop3A_307 = arith.shli %parallel_loop3A_304, %parallel_loop3A_306 : vector<16xi32>
        %parallel_loop3A_308 = vector.bitcast %parallel_loop3A_307 : vector<16xi32> to vector<16xf32>
        %parallel_loop3A_309 = arith.constant 1 : i32
        %parallel_loop3A_310 = arith.constant 6 : i32
        %parallel_loop3A_311 = arith.constant 0 : i32
        %parallel_loop3A_312 = arith.index_cast %parallel_loop3A_309 : i32 to index
        %parallel_loop3A_313 = arith.index_cast %parallel_loop3A_310 : i32 to index
        %parallel_loop3A_314 = arith.index_cast %parallel_loop3A_311 : i32 to index
        %parallel_loop3A_315 = arith.index_cast %parallel_loop3A_186 : i32 to index
        %parallel_loop3A_316 = tpu.vector_load %arg11[%parallel_loop3A_312, %parallel_loop3A_313, %parallel_loop3A_314, %parallel_loop3A_315] {strides = array<i32>} : memref<2x12x2x2048xf32, #tpu.memory_space<vmem>>, vector<16xf32>,
        tpu.vector_store %arg11[%parallel_loop3A_312, %parallel_loop3A_313, %parallel_loop3A_314, %parallel_loop3A_315], %parallel_loop3A_308 {strides = array<i32>} : memref<2x12x2x2048xf32, #tpu.memory_space<vmem>>, vector<16xf32>,
        %parallel_loop3A_317 = arith.constant -65536 : i32
        %parallel_loop3A_318 = vector.broadcast %parallel_loop3A_317 : i32 to vector<16xi32>
        %parallel_loop3A_319 = arith.andi %parallel_loop3A_304, %parallel_loop3A_318 : vector<16xi32>
        %parallel_loop3A_320 = vector.bitcast %parallel_loop3A_319 : vector<16xi32> to vector<16xf32>
        %parallel_loop3A_321 = arith.constant 1 : i32
        %parallel_loop3A_322 = arith.constant 7 : i32
        %parallel_loop3A_323 = arith.constant 0 : i32
        %parallel_loop3A_324 = arith.index_cast %parallel_loop3A_321 : i32 to index
        %parallel_loop3A_325 = arith.index_cast %parallel_loop3A_322 : i32 to index
        %parallel_loop3A_326 = arith.index_cast %parallel_loop3A_323 : i32 to index
        %parallel_loop3A_327 = arith.index_cast %parallel_loop3A_186 : i32 to index
        %parallel_loop3A_328 = tpu.vector_load %arg11[%parallel_loop3A_324, %parallel_loop3A_325, %parallel_loop3A_326, %parallel_loop3A_327] {strides = array<i32>} : memref<2x12x2x2048xf32, #tpu.memory_space<vmem>>, vector<16xf32>,
        tpu.vector_store %arg11[%parallel_loop3A_324, %parallel_loop3A_325, %parallel_loop3A_326, %parallel_loop3A_327], %parallel_loop3A_320 {strides = array<i32>} : memref<2x12x2x2048xf32, #tpu.memory_space<vmem>>, vector<16xf32>,
        %parallel_loop3A_329 = arith.constant 4624 : i32
        %parallel_loop3A_330 = vector.broadcast %parallel_loop3A_329 : i32 to vector<16xi32>
        %parallel_loop3A_331 = arith.addi %parallel_loop3A_216, %parallel_loop3A_330 : vector<16xi32>
        %parallel_loop3A_332 = tpu.vector_load_idx %arg10[%parallel_loop3A_331] : memref<6144xi32, #tpu.memory_space<vmem>>[vector<16xi32>], vector<16xi32>,
        %parallel_loop3A_333 = arith.constant 16 : i32
        %parallel_loop3A_334 = vector.broadcast %parallel_loop3A_333 : i32 to vector<16xi32>
        %parallel_loop3A_335 = arith.shli %parallel_loop3A_332, %parallel_loop3A_334 : vector<16xi32>
        %parallel_loop3A_336 = vector.bitcast %parallel_loop3A_335 : vector<16xi32> to vector<16xf32>
        %parallel_loop3A_337 = arith.constant 1 : i32
        %parallel_loop3A_338 = arith.constant 8 : i32
        %parallel_loop3A_339 = arith.constant 0 : i32
        %parallel_loop3A_340 = arith.index_cast %parallel_loop3A_337 : i32 to index
        %parallel_loop3A_341 = arith.index_cast %parallel_loop3A_338 : i32 to index
        %parallel_loop3A_342 = arith.index_cast %parallel_loop3A_339 : i32 to index
        %parallel_loop3A_343 = arith.index_cast %parallel_loop3A_186 : i32 to index
        %parallel_loop3A_344 = tpu.vector_load %arg11[%parallel_loop3A_340, %parallel_loop3A_341, %parallel_loop3A_342, %parallel_loop3A_343] {strides = array<i32>} : memref<2x12x2x2048xf32, #tpu.memory_space<vmem>>, vector<16xf32>,
        tpu.vector_store %arg11[%parallel_loop3A_340, %parallel_loop3A_341, %parallel_loop3A_342, %parallel_loop3A_343], %parallel_loop3A_336 {strides = array<i32>} : memref<2x12x2x2048xf32, #tpu.memory_space<vmem>>, vector<16xf32>,
        %parallel_loop3A_345 = arith.constant -65536 : i32
        %parallel_loop3A_346 = vector.broadcast %parallel_loop3A_345 : i32 to vector<16xi32>
        %parallel_loop3A_347 = arith.andi %parallel_loop3A_332, %parallel_loop3A_346 : vector<16xi32>
        %parallel_loop3A_348 = vector.bitcast %parallel_loop3A_347 : vector<16xi32> to vector<16xf32>
        %parallel_loop3A_349 = arith.constant 1 : i32
        %parallel_loop3A_350 = arith.constant 9 : i32
        %parallel_loop3A_351 = arith.constant 0 : i32
        %parallel_loop3A_352 = arith.index_cast %parallel_loop3A_349 : i32 to index
        %parallel_loop3A_353 = arith.index_cast %parallel_loop3A_350 : i32 to index
        %parallel_loop3A_354 = arith.index_cast %parallel_loop3A_351 : i32 to index
        %parallel_loop3A_355 = arith.index_cast %parallel_loop3A_186 : i32 to index
        %parallel_loop3A_356 = tpu.vector_load %arg11[%parallel_loop3A_352, %parallel_loop3A_353, %parallel_loop3A_354, %parallel_loop3A_355] {strides = array<i32>} : memref<2x12x2x2048xf32, #tpu.memory_space<vmem>>, vector<16xf32>,
        tpu.vector_store %arg11[%parallel_loop3A_352, %parallel_loop3A_353, %parallel_loop3A_354, %parallel_loop3A_355], %parallel_loop3A_348 {strides = array<i32>} : memref<2x12x2x2048xf32, #tpu.memory_space<vmem>>, vector<16xf32>,
        %parallel_loop3A_357 = arith.constant 5648 : i32
        %parallel_loop3A_358 = vector.broadcast %parallel_loop3A_357 : i32 to vector<16xi32>
        %parallel_loop3A_359 = arith.addi %parallel_loop3A_216, %parallel_loop3A_358 : vector<16xi32>
        %parallel_loop3A_360 = tpu.vector_load_idx %arg10[%parallel_loop3A_359] : memref<6144xi32, #tpu.memory_space<vmem>>[vector<16xi32>], vector<16xi32>,
        %parallel_loop3A_361 = arith.constant 16 : i32
        %parallel_loop3A_362 = vector.broadcast %parallel_loop3A_361 : i32 to vector<16xi32>
        %parallel_loop3A_363 = arith.shli %parallel_loop3A_360, %parallel_loop3A_362 : vector<16xi32>
        %parallel_loop3A_364 = vector.bitcast %parallel_loop3A_363 : vector<16xi32> to vector<16xf32>
        %parallel_loop3A_365 = arith.constant 1 : i32
        %parallel_loop3A_366 = arith.constant 10 : i32
        %parallel_loop3A_367 = arith.constant 0 : i32
        %parallel_loop3A_368 = arith.index_cast %parallel_loop3A_365 : i32 to index
        %parallel_loop3A_369 = arith.index_cast %parallel_loop3A_366 : i32 to index
        %parallel_loop3A_370 = arith.index_cast %parallel_loop3A_367 : i32 to index
        %parallel_loop3A_371 = arith.index_cast %parallel_loop3A_186 : i32 to index
        %parallel_loop3A_372 = tpu.vector_load %arg11[%parallel_loop3A_368, %parallel_loop3A_369, %parallel_loop3A_370, %parallel_loop3A_371] {strides = array<i32>} : memref<2x12x2x2048xf32, #tpu.memory_space<vmem>>, vector<16xf32>,
        tpu.vector_store %arg11[%parallel_loop3A_368, %parallel_loop3A_369, %parallel_loop3A_370, %parallel_loop3A_371], %parallel_loop3A_364 {strides = array<i32>} : memref<2x12x2x2048xf32, #tpu.memory_space<vmem>>, vector<16xf32>,
        %parallel_loop3A_373 = arith.constant -65536 : i32
        %parallel_loop3A_374 = vector.broadcast %parallel_loop3A_373 : i32 to vector<16xi32>
        %parallel_loop3A_375 = arith.andi %parallel_loop3A_360, %parallel_loop3A_374 : vector<16xi32>
        %parallel_loop3A_376 = vector.bitcast %parallel_loop3A_375 : vector<16xi32> to vector<16xf32>
        %parallel_loop3A_377 = arith.constant 1 : i32
        %parallel_loop3A_378 = arith.constant 11 : i32
        %parallel_loop3A_379 = arith.constant 0 : i32
        %parallel_loop3A_380 = arith.index_cast %parallel_loop3A_377 : i32 to index
        %parallel_loop3A_381 = arith.index_cast %parallel_loop3A_378 : i32 to index
        %parallel_loop3A_382 = arith.index_cast %parallel_loop3A_379 : i32 to index
        %parallel_loop3A_383 = arith.index_cast %parallel_loop3A_186 : i32 to index
        %parallel_loop3A_384 = tpu.vector_load %arg11[%parallel_loop3A_380, %parallel_loop3A_381, %parallel_loop3A_382, %parallel_loop3A_383] {strides = array<i32>} : memref<2x12x2x2048xf32, #tpu.memory_space<vmem>>, vector<16xf32>,
        tpu.vector_store %arg11[%parallel_loop3A_380, %parallel_loop3A_381, %parallel_loop3A_382, %parallel_loop3A_383], %parallel_loop3A_376 {strides = array<i32>} : memref<2x12x2x2048xf32, #tpu.memory_space<vmem>>, vector<16xf32>,
        %parallel_loop3A_385 = vector.broadcast %squeeze3A_153 : f32 to vector<16xf32>
        %parallel_loop3A_386 = arith.subf %parallel_loop3A_385, %parallel_loop3A_188 : vector<16xf32>
        %parallel_loop3A_387 = arith.fptosi %parallel_loop3A_386 : vector<16xf32> to vector<16xi32>
        %parallel_loop3A_388 = arith.constant 15 : i32
        %parallel_loop3A_389 = vector.broadcast %parallel_loop3A_388 : i32 to vector<16xi32>
        %parallel_loop3A_390 = arith.minsi %parallel_loop3A_387, %parallel_loop3A_389 : vector<16xi32>
        %parallel_loop3A_391 = vector.broadcast %squeeze3A_159 : f32 to vector<16xf32>
        %parallel_loop3A_392 = arith.subf %parallel_loop3A_391, %parallel_loop3A_190 : vector<16xf32>
        %parallel_loop3A_393 = arith.constant 0.000000e+00 : f32
        %parallel_loop3A_394 = vector.broadcast %parallel_loop3A_393 : f32 to vector<16xf32>
        %parallel_loop3A_395 = arith.cmpf olt, %parallel_loop3A_392, %parallel_loop3A_394 : vector<16xf32>
        %parallel_loop3A_396 = arith.constant 3.200000e+01 : f32
        %parallel_loop3A_397 = vector.broadcast %parallel_loop3A_396 : f32 to vector<16xf32>
        %parallel_loop3A_398 = arith.addf %parallel_loop3A_392, %parallel_loop3A_397 : vector<16xf32>
        %parallel_loop3A_399 = arith.select %parallel_loop3A_395, %parallel_loop3A_398, %parallel_loop3A_392 : vector<16xi1>, vector<16xf32>
        %parallel_loop3A_400 = arith.constant 1.600000e+01 : f32
        %parallel_loop3A_401 = vector.broadcast %parallel_loop3A_400 : f32 to vector<16xf32>
        %parallel_loop3A_402 = arith.subf %parallel_loop3A_399, %parallel_loop3A_401 : vector<16xf32>
        %parallel_loop3A_403 = arith.fptosi %parallel_loop3A_402 : vector<16xf32> to vector<16xi32>
        %parallel_loop3A_404 = arith.constant 15 : i32
        %parallel_loop3A_405 = vector.broadcast %parallel_loop3A_404 : i32 to vector<16xi32>
        %parallel_loop3A_406 = arith.minsi %parallel_loop3A_403, %parallel_loop3A_405 : vector<16xi32>
        %parallel_loop3A_407 = arith.constant 5 : i32
        %parallel_loop3A_408 = vector.broadcast %parallel_loop3A_407 : i32 to vector<16xi32>
        %parallel_loop3A_409 = arith.shli %parallel_loop3A_390, %parallel_loop3A_408 : vector<16xi32>
        %parallel_loop3A_410 = arith.addi %parallel_loop3A_409, %parallel_loop3A_406 : vector<16xi32>
        %parallel_loop3A_411 = arith.constant 528 : i32
        %parallel_loop3A_412 = vector.broadcast %parallel_loop3A_411 : i32 to vector<16xi32>
        %parallel_loop3A_413 = arith.addi %parallel_loop3A_410, %parallel_loop3A_412 : vector<16xi32>
        %parallel_loop3A_414 = tpu.vector_load_idx %arg10[%parallel_loop3A_413] : memref<6144xi32, #tpu.memory_space<vmem>>[vector<16xi32>], vector<16xi32>,
        %parallel_loop3A_415 = arith.constant 16 : i32
        %parallel_loop3A_416 = vector.broadcast %parallel_loop3A_415 : i32 to vector<16xi32>
        %parallel_loop3A_417 = arith.shli %parallel_loop3A_414, %parallel_loop3A_416 : vector<16xi32>
        %parallel_loop3A_418 = vector.bitcast %parallel_loop3A_417 : vector<16xi32> to vector<16xf32>
        %parallel_loop3A_419 = arith.constant 1 : i32
        %parallel_loop3A_420 = arith.constant 0 : i32
        %parallel_loop3A_421 = arith.constant 1 : i32
        %parallel_loop3A_422 = arith.index_cast %parallel_loop3A_419 : i32 to index
        %parallel_loop3A_423 = arith.index_cast %parallel_loop3A_420 : i32 to index
        %parallel_loop3A_424 = arith.index_cast %parallel_loop3A_421 : i32 to index
        %parallel_loop3A_425 = arith.index_cast %parallel_loop3A_186 : i32 to index
        %parallel_loop3A_426 = tpu.vector_load %arg11[%parallel_loop3A_422, %parallel_loop3A_423, %parallel_loop3A_424, %parallel_loop3A_425] {strides = array<i32>} : memref<2x12x2x2048xf32, #tpu.memory_space<vmem>>, vector<16xf32>,
        tpu.vector_store %arg11[%parallel_loop3A_422, %parallel_loop3A_423, %parallel_loop3A_424, %parallel_loop3A_425], %parallel_loop3A_418 {strides = array<i32>} : memref<2x12x2x2048xf32, #tpu.memory_space<vmem>>, vector<16xf32>,
        %parallel_loop3A_427 = arith.constant -65536 : i32
        %parallel_loop3A_428 = vector.broadcast %parallel_loop3A_427 : i32 to vector<16xi32>
        %parallel_loop3A_429 = arith.andi %parallel_loop3A_414, %parallel_loop3A_428 : vector<16xi32>
        %parallel_loop3A_430 = vector.bitcast %parallel_loop3A_429 : vector<16xi32> to vector<16xf32>
        %parallel_loop3A_431 = arith.constant 1 : i32
        %parallel_loop3A_432 = arith.constant 1 : i32
        %parallel_loop3A_433 = arith.constant 1 : i32
        %parallel_loop3A_434 = arith.index_cast %parallel_loop3A_431 : i32 to index
        %parallel_loop3A_435 = arith.index_cast %parallel_loop3A_432 : i32 to index
        %parallel_loop3A_436 = arith.index_cast %parallel_loop3A_433 : i32 to index
        %parallel_loop3A_437 = arith.index_cast %parallel_loop3A_186 : i32 to index
        %parallel_loop3A_438 = tpu.vector_load %arg11[%parallel_loop3A_434, %parallel_loop3A_435, %parallel_loop3A_436, %parallel_loop3A_437] {strides = array<i32>} : memref<2x12x2x2048xf32, #tpu.memory_space<vmem>>, vector<16xf32>,
        tpu.vector_store %arg11[%parallel_loop3A_434, %parallel_loop3A_435, %parallel_loop3A_436, %parallel_loop3A_437], %parallel_loop3A_430 {strides = array<i32>} : memref<2x12x2x2048xf32, #tpu.memory_space<vmem>>, vector<16xf32>,
        %parallel_loop3A_439 = arith.constant 1552 : i32
        %parallel_loop3A_440 = vector.broadcast %parallel_loop3A_439 : i32 to vector<16xi32>
        %parallel_loop3A_441 = arith.addi %parallel_loop3A_410, %parallel_loop3A_440 : vector<16xi32>
        %parallel_loop3A_442 = tpu.vector_load_idx %arg10[%parallel_loop3A_441] : memref<6144xi32, #tpu.memory_space<vmem>>[vector<16xi32>], vector<16xi32>,
        %parallel_loop3A_443 = arith.constant 16 : i32
        %parallel_loop3A_444 = vector.broadcast %parallel_loop3A_443 : i32 to vector<16xi32>
        %parallel_loop3A_445 = arith.shli %parallel_loop3A_442, %parallel_loop3A_444 : vector<16xi32>
        %parallel_loop3A_446 = vector.bitcast %parallel_loop3A_445 : vector<16xi32> to vector<16xf32>
        %parallel_loop3A_447 = arith.constant 1 : i32
        %parallel_loop3A_448 = arith.constant 2 : i32
        %parallel_loop3A_449 = arith.constant 1 : i32
        %parallel_loop3A_450 = arith.index_cast %parallel_loop3A_447 : i32 to index
        %parallel_loop3A_451 = arith.index_cast %parallel_loop3A_448 : i32 to index
        %parallel_loop3A_452 = arith.index_cast %parallel_loop3A_449 : i32 to index
        %parallel_loop3A_453 = arith.index_cast %parallel_loop3A_186 : i32 to index
        %parallel_loop3A_454 = tpu.vector_load %arg11[%parallel_loop3A_450, %parallel_loop3A_451, %parallel_loop3A_452, %parallel_loop3A_453] {strides = array<i32>} : memref<2x12x2x2048xf32, #tpu.memory_space<vmem>>, vector<16xf32>,
        tpu.vector_store %arg11[%parallel_loop3A_450, %parallel_loop3A_451, %parallel_loop3A_452, %parallel_loop3A_453], %parallel_loop3A_446 {strides = array<i32>} : memref<2x12x2x2048xf32, #tpu.memory_space<vmem>>, vector<16xf32>,
        %parallel_loop3A_455 = arith.constant -65536 : i32
        %parallel_loop3A_456 = vector.broadcast %parallel_loop3A_455 : i32 to vector<16xi32>
        %parallel_loop3A_457 = arith.andi %parallel_loop3A_442, %parallel_loop3A_456 : vector<16xi32>
        %parallel_loop3A_458 = vector.bitcast %parallel_loop3A_457 : vector<16xi32> to vector<16xf32>
        %parallel_loop3A_459 = arith.constant 1 : i32
        %parallel_loop3A_460 = arith.constant 3 : i32
        %parallel_loop3A_461 = arith.constant 1 : i32
        %parallel_loop3A_462 = arith.index_cast %parallel_loop3A_459 : i32 to index
        %parallel_loop3A_463 = arith.index_cast %parallel_loop3A_460 : i32 to index
        %parallel_loop3A_464 = arith.index_cast %parallel_loop3A_461 : i32 to index
        %parallel_loop3A_465 = arith.index_cast %parallel_loop3A_186 : i32 to index
        %parallel_loop3A_466 = tpu.vector_load %arg11[%parallel_loop3A_462, %parallel_loop3A_463, %parallel_loop3A_464, %parallel_loop3A_465] {strides = array<i32>} : memref<2x12x2x2048xf32, #tpu.memory_space<vmem>>, vector<16xf32>,
        tpu.vector_store %arg11[%parallel_loop3A_462, %parallel_loop3A_463, %parallel_loop3A_464, %parallel_loop3A_465], %parallel_loop3A_458 {strides = array<i32>} : memref<2x12x2x2048xf32, #tpu.memory_space<vmem>>, vector<16xf32>,
        %parallel_loop3A_467 = arith.constant 2576 : i32
        %parallel_loop3A_468 = vector.broadcast %parallel_loop3A_467 : i32 to vector<16xi32>
        %parallel_loop3A_469 = arith.addi %parallel_loop3A_410, %parallel_loop3A_468 : vector<16xi32>
        %parallel_loop3A_470 = tpu.vector_load_idx %arg10[%parallel_loop3A_469] : memref<6144xi32, #tpu.memory_space<vmem>>[vector<16xi32>], vector<16xi32>,
        %parallel_loop3A_471 = arith.constant 16 : i32
        %parallel_loop3A_472 = vector.broadcast %parallel_loop3A_471 : i32 to vector<16xi32>
        %parallel_loop3A_473 = arith.shli %parallel_loop3A_470, %parallel_loop3A_472 : vector<16xi32>
        %parallel_loop3A_474 = vector.bitcast %parallel_loop3A_473 : vector<16xi32> to vector<16xf32>
        %parallel_loop3A_475 = arith.constant 1 : i32
        %parallel_loop3A_476 = arith.constant 4 : i32
        %parallel_loop3A_477 = arith.constant 1 : i32
        %parallel_loop3A_478 = arith.index_cast %parallel_loop3A_475 : i32 to index
        %parallel_loop3A_479 = arith.index_cast %parallel_loop3A_476 : i32 to index
        %parallel_loop3A_480 = arith.index_cast %parallel_loop3A_477 : i32 to index
        %parallel_loop3A_481 = arith.index_cast %parallel_loop3A_186 : i32 to index
        %parallel_loop3A_482 = tpu.vector_load %arg11[%parallel_loop3A_478, %parallel_loop3A_479, %parallel_loop3A_480, %parallel_loop3A_481] {strides = array<i32>} : memref<2x12x2x2048xf32, #tpu.memory_space<vmem>>, vector<16xf32>,
        tpu.vector_store %arg11[%parallel_loop3A_478, %parallel_loop3A_479, %parallel_loop3A_480, %parallel_loop3A_481], %parallel_loop3A_474 {strides = array<i32>} : memref<2x12x2x2048xf32, #tpu.memory_space<vmem>>, vector<16xf32>,
        %parallel_loop3A_483 = arith.constant -65536 : i32
        %parallel_loop3A_484 = vector.broadcast %parallel_loop3A_483 : i32 to vector<16xi32>
        %parallel_loop3A_485 = arith.andi %parallel_loop3A_470, %parallel_loop3A_484 : vector<16xi32>
        %parallel_loop3A_486 = vector.bitcast %parallel_loop3A_485 : vector<16xi32> to vector<16xf32>
        %parallel_loop3A_487 = arith.constant 1 : i32
        %parallel_loop3A_488 = arith.constant 5 : i32
        %parallel_loop3A_489 = arith.constant 1 : i32
        %parallel_loop3A_490 = arith.index_cast %parallel_loop3A_487 : i32 to index
        %parallel_loop3A_491 = arith.index_cast %parallel_loop3A_488 : i32 to index
        %parallel_loop3A_492 = arith.index_cast %parallel_loop3A_489 : i32 to index
        %parallel_loop3A_493 = arith.index_cast %parallel_loop3A_186 : i32 to index
        %parallel_loop3A_494 = tpu.vector_load %arg11[%parallel_loop3A_490, %parallel_loop3A_491, %parallel_loop3A_492, %parallel_loop3A_493] {strides = array<i32>} : memref<2x12x2x2048xf32, #tpu.memory_space<vmem>>, vector<16xf32>,
        tpu.vector_store %arg11[%parallel_loop3A_490, %parallel_loop3A_491, %parallel_loop3A_492, %parallel_loop3A_493], %parallel_loop3A_486 {strides = array<i32>} : memref<2x12x2x2048xf32, #tpu.memory_space<vmem>>, vector<16xf32>,
        %parallel_loop3A_495 = arith.constant 3600 : i32
        %parallel_loop3A_496 = vector.broadcast %parallel_loop3A_495 : i32 to vector<16xi32>
        %parallel_loop3A_497 = arith.addi %parallel_loop3A_410, %parallel_loop3A_496 : vector<16xi32>
        %parallel_loop3A_498 = tpu.vector_load_idx %arg10[%parallel_loop3A_497] : memref<6144xi32, #tpu.memory_space<vmem>>[vector<16xi32>], vector<16xi32>,
        %parallel_loop3A_499 = arith.constant 16 : i32
        %parallel_loop3A_500 = vector.broadcast %parallel_loop3A_499 : i32 to vector<16xi32>
        %parallel_loop3A_501 = arith.shli %parallel_loop3A_498, %parallel_loop3A_500 : vector<16xi32>
        %parallel_loop3A_502 = vector.bitcast %parallel_loop3A_501 : vector<16xi32> to vector<16xf32>
        %parallel_loop3A_503 = arith.constant 1 : i32
        %parallel_loop3A_504 = arith.constant 6 : i32
        %parallel_loop3A_505 = arith.constant 1 : i32
        %parallel_loop3A_506 = arith.index_cast %parallel_loop3A_503 : i32 to index
        %parallel_loop3A_507 = arith.index_cast %parallel_loop3A_504 : i32 to index
        %parallel_loop3A_508 = arith.index_cast %parallel_loop3A_505 : i32 to index
        %parallel_loop3A_509 = arith.index_cast %parallel_loop3A_186 : i32 to index
        %parallel_loop3A_510 = tpu.vector_load %arg11[%parallel_loop3A_506, %parallel_loop3A_507, %parallel_loop3A_508, %parallel_loop3A_509] {strides = array<i32>} : memref<2x12x2x2048xf32, #tpu.memory_space<vmem>>, vector<16xf32>,
        tpu.vector_store %arg11[%parallel_loop3A_506, %parallel_loop3A_507, %parallel_loop3A_508, %parallel_loop3A_509], %parallel_loop3A_502 {strides = array<i32>} : memref<2x12x2x2048xf32, #tpu.memory_space<vmem>>, vector<16xf32>,
        %parallel_loop3A_511 = arith.constant -65536 : i32
        %parallel_loop3A_512 = vector.broadcast %parallel_loop3A_511 : i32 to vector<16xi32>
        %parallel_loop3A_513 = arith.andi %parallel_loop3A_498, %parallel_loop3A_512 : vector<16xi32>
        %parallel_loop3A_514 = vector.bitcast %parallel_loop3A_513 : vector<16xi32> to vector<16xf32>
        %parallel_loop3A_515 = arith.constant 1 : i32
        %parallel_loop3A_516 = arith.constant 7 : i32
        %parallel_loop3A_517 = arith.constant 1 : i32
        %parallel_loop3A_518 = arith.index_cast %parallel_loop3A_515 : i32 to index
        %parallel_loop3A_519 = arith.index_cast %parallel_loop3A_516 : i32 to index
        %parallel_loop3A_520 = arith.index_cast %parallel_loop3A_517 : i32 to index
        %parallel_loop3A_521 = arith.index_cast %parallel_loop3A_186 : i32 to index
        %parallel_loop3A_522 = tpu.vector_load %arg11[%parallel_loop3A_518, %parallel_loop3A_519, %parallel_loop3A_520, %parallel_loop3A_521] {strides = array<i32>} : memref<2x12x2x2048xf32, #tpu.memory_space<vmem>>, vector<16xf32>,
        tpu.vector_store %arg11[%parallel_loop3A_518, %parallel_loop3A_519, %parallel_loop3A_520, %parallel_loop3A_521], %parallel_loop3A_514 {strides = array<i32>} : memref<2x12x2x2048xf32, #tpu.memory_space<vmem>>, vector<16xf32>,
        %parallel_loop3A_523 = arith.constant 4624 : i32
        %parallel_loop3A_524 = vector.broadcast %parallel_loop3A_523 : i32 to vector<16xi32>
        %parallel_loop3A_525 = arith.addi %parallel_loop3A_410, %parallel_loop3A_524 : vector<16xi32>
        %parallel_loop3A_526 = tpu.vector_load_idx %arg10[%parallel_loop3A_525] : memref<6144xi32, #tpu.memory_space<vmem>>[vector<16xi32>], vector<16xi32>,
        %parallel_loop3A_527 = arith.constant 16 : i32
        %parallel_loop3A_528 = vector.broadcast %parallel_loop3A_527 : i32 to vector<16xi32>
        %parallel_loop3A_529 = arith.shli %parallel_loop3A_526, %parallel_loop3A_528 : vector<16xi32>
        %parallel_loop3A_530 = vector.bitcast %parallel_loop3A_529 : vector<16xi32> to vector<16xf32>
        %parallel_loop3A_531 = arith.constant 1 : i32
        %parallel_loop3A_532 = arith.constant 8 : i32
        %parallel_loop3A_533 = arith.constant 1 : i32
        %parallel_loop3A_534 = arith.index_cast %parallel_loop3A_531 : i32 to index
        %parallel_loop3A_535 = arith.index_cast %parallel_loop3A_532 : i32 to index
        %parallel_loop3A_536 = arith.index_cast %parallel_loop3A_533 : i32 to index
        %parallel_loop3A_537 = arith.index_cast %parallel_loop3A_186 : i32 to index
        %parallel_loop3A_538 = tpu.vector_load %arg11[%parallel_loop3A_534, %parallel_loop3A_535, %parallel_loop3A_536, %parallel_loop3A_537] {strides = array<i32>} : memref<2x12x2x2048xf32, #tpu.memory_space<vmem>>, vector<16xf32>,
        tpu.vector_store %arg11[%parallel_loop3A_534, %parallel_loop3A_535, %parallel_loop3A_536, %parallel_loop3A_537], %parallel_loop3A_530 {strides = array<i32>} : memref<2x12x2x2048xf32, #tpu.memory_space<vmem>>, vector<16xf32>,
        %parallel_loop3A_539 = arith.constant -65536 : i32
        %parallel_loop3A_540 = vector.broadcast %parallel_loop3A_539 : i32 to vector<16xi32>
        %parallel_loop3A_541 = arith.andi %parallel_loop3A_526, %parallel_loop3A_540 : vector<16xi32>
        %parallel_loop3A_542 = vector.bitcast %parallel_loop3A_541 : vector<16xi32> to vector<16xf32>
        %parallel_loop3A_543 = arith.constant 1 : i32
        %parallel_loop3A_544 = arith.constant 9 : i32
        %parallel_loop3A_545 = arith.constant 1 : i32
        %parallel_loop3A_546 = arith.index_cast %parallel_loop3A_543 : i32 to index
        %parallel_loop3A_547 = arith.index_cast %parallel_loop3A_544 : i32 to index
        %parallel_loop3A_548 = arith.index_cast %parallel_loop3A_545 : i32 to index
        %parallel_loop3A_549 = arith.index_cast %parallel_loop3A_186 : i32 to index
        %parallel_loop3A_550 = tpu.vector_load %arg11[%parallel_loop3A_546, %parallel_loop3A_547, %parallel_loop3A_548, %parallel_loop3A_549] {strides = array<i32>} : memref<2x12x2x2048xf32, #tpu.memory_space<vmem>>, vector<16xf32>,
        tpu.vector_store %arg11[%parallel_loop3A_546, %parallel_loop3A_547, %parallel_loop3A_548, %parallel_loop3A_549], %parallel_loop3A_542 {strides = array<i32>} : memref<2x12x2x2048xf32, #tpu.memory_space<vmem>>, vector<16xf32>,
        %parallel_loop3A_551 = arith.constant 5648 : i32
        %parallel_loop3A_552 = vector.broadcast %parallel_loop3A_551 : i32 to vector<16xi32>
        %parallel_loop3A_553 = arith.addi %parallel_loop3A_410, %parallel_loop3A_552 : vector<16xi32>
        %parallel_loop3A_554 = tpu.vector_load_idx %arg10[%parallel_loop3A_553] : memref<6144xi32, #tpu.memory_space<vmem>>[vector<16xi32>], vector<16xi32>,
        %parallel_loop3A_555 = arith.constant 16 : i32
        %parallel_loop3A_556 = vector.broadcast %parallel_loop3A_555 : i32 to vector<16xi32>
        %parallel_loop3A_557 = arith.shli %parallel_loop3A_554, %parallel_loop3A_556 : vector<16xi32>
        %parallel_loop3A_558 = vector.bitcast %parallel_loop3A_557 : vector<16xi32> to vector<16xf32>
        %parallel_loop3A_559 = arith.constant 1 : i32
        %parallel_loop3A_560 = arith.constant 10 : i32
        %parallel_loop3A_561 = arith.constant 1 : i32
        %parallel_loop3A_562 = arith.index_cast %parallel_loop3A_559 : i32 to index
        %parallel_loop3A_563 = arith.index_cast %parallel_loop3A_560 : i32 to index
        %parallel_loop3A_564 = arith.index_cast %parallel_loop3A_561 : i32 to index
        %parallel_loop3A_565 = arith.index_cast %parallel_loop3A_186 : i32 to index
        %parallel_loop3A_566 = tpu.vector_load %arg11[%parallel_loop3A_562, %parallel_loop3A_563, %parallel_loop3A_564, %parallel_loop3A_565] {strides = array<i32>} : memref<2x12x2x2048xf32, #tpu.memory_space<vmem>>, vector<16xf32>,
        tpu.vector_store %arg11[%parallel_loop3A_562, %parallel_loop3A_563, %parallel_loop3A_564, %parallel_loop3A_565], %parallel_loop3A_558 {strides = array<i32>} : memref<2x12x2x2048xf32, #tpu.memory_space<vmem>>, vector<16xf32>,
        %parallel_loop3A_567 = arith.constant -65536 : i32
        %parallel_loop3A_568 = vector.broadcast %parallel_loop3A_567 : i32 to vector<16xi32>
        %parallel_loop3A_569 = arith.andi %parallel_loop3A_554, %parallel_loop3A_568 : vector<16xi32>
        %parallel_loop3A_570 = vector.bitcast %parallel_loop3A_569 : vector<16xi32> to vector<16xf32>
        %parallel_loop3A_571 = arith.constant 1 : i32
        %parallel_loop3A_572 = arith.constant 11 : i32
        %parallel_loop3A_573 = arith.constant 1 : i32
        %parallel_loop3A_574 = arith.index_cast %parallel_loop3A_571 : i32 to index
        %parallel_loop3A_575 = arith.index_cast %parallel_loop3A_572 : i32 to index
        %parallel_loop3A_576 = arith.index_cast %parallel_loop3A_573 : i32 to index
        %parallel_loop3A_577 = arith.index_cast %parallel_loop3A_186 : i32 to index
        %parallel_loop3A_578 = tpu.vector_load %arg11[%parallel_loop3A_574, %parallel_loop3A_575, %parallel_loop3A_576, %parallel_loop3A_577] {strides = array<i32>} : memref<2x12x2x2048xf32, #tpu.memory_space<vmem>>, vector<16xf32>,
        tpu.vector_store %arg11[%parallel_loop3A_574, %parallel_loop3A_575, %parallel_loop3A_576, %parallel_loop3A_577], %parallel_loop3A_570 {strides = array<i32>} : memref<2x12x2x2048xf32, #tpu.memory_space<vmem>>, vector<16xf32>,
      } {sc.loop_unroll_factor = 1 : i64, sc.parallel_access}
      %add3A_163 = arith.constant 2 : i32
      %add3A_164 = arith.addi %add3A_91, %add3A_163 : i32
      %dma_start3A_165 = arith.constant 1 : i32
      %dma_start3A_166 = arith.constant 0 : i32
      %dma_start3A_167 = arith.constant 0 : i32
      %dma_start3A_168 = arith.constant 0 : i32
      %dma_start3A_169 = arith.constant 0 : i32
      %dma_start3A_170 = tpu.memref_slice %arg11[%dma_start3A_165, %dma_start3A_167, %dma_start3A_168, %dma_start3A_169] : memref<2x12x2x2048xf32, #tpu.memory_space<vmem>> -> memref<1x12x2x2048xf32, #tpu.memory_space<vmem>>
      %dma_start3A_171 = tpu.memref_squeeze %dma_start3A_170 : memref<1x12x2x2048xf32, #tpu.memory_space<vmem>> -> memref<12x2x2048xf32, #tpu.memory_space<vmem>>
      %dma_start3A_172 = arith.constant 0 : i32
      %dma_start3A_173 = arith.constant 0 : i32
      %dma_start3A_174 = tpu.memref_slice %arg5[%dma_start3A_166, %dma_start3A_172, %add3A_164, %dma_start3A_173] : memref<1x12x2048x2048xf32, #tpu.memory_space<hbm>> -> memref<1x12x2x2048xf32, #tpu.memory_space<hbm>>
      %dma_start3A_175 = tpu.memref_squeeze %dma_start3A_174 : memref<1x12x2x2048xf32, #tpu.memory_space<hbm>> -> memref<12x2x2048xf32, #tpu.memory_space<hbm>>
      %dma_start3A_176 = arith.constant 0 : i32
      %dma_start3A_177 = arith.constant 0 : i32
      %dma_start3A_178 = tpu.memref_slice %arg5[%dma_start3A_166, %dma_start3A_176, %add3A_164, %dma_start3A_177] : memref<1x12x2048x2048xf32, #tpu.memory_space<hbm>> -> memref<1x12x2x2048xf32, #tpu.memory_space<hbm>>
      %dma_start3A_179 = tpu.memref_squeeze %dma_start3A_178 : memref<1x12x2x2048xf32, #tpu.memory_space<hbm>> -> memref<12x2x2048xf32, #tpu.memory_space<hbm>>
      %dma_start3A_180 = arith.constant 0 : i32
      %dma_start3A_181 = arith.constant 0 : i32
      %dma_start3A_182 = arith.constant 0 : i32
      %dma_start3A_183 = tpu.memref_slice %arg11[%dma_start3A_165, %dma_start3A_180, %dma_start3A_181, %dma_start3A_182] : memref<2x12x2x2048xf32, #tpu.memory_space<vmem>> -> memref<1x12x2x2048xf32, #tpu.memory_space<vmem>>
      %dma_start3A_184 = tpu.memref_squeeze %dma_start3A_183 : memref<1x12x2x2048xf32, #tpu.memory_space<vmem>> -> memref<12x2x2048xf32, #tpu.memory_space<vmem>>
      tpu.enqueue_dma source(%dma_start3A_184 : memref<12x2x2048xf32, #tpu.memory_space<vmem>>) target(%dma_start3A_179 : memref<12x2x2048xf32, #tpu.memory_space<hbm>>) target_semaphore(%arg13 : memref<!tpu.dma_semaphore, #tpu.memory_space<semaphore_mem>>)
      %scan3A_185 = arith.constant 0 : i32
      scf.yield %scan3A_185 : i32
    }
    %scan3A_39 = arith.constant 16 : i32
    %add3A_40 = arith.constant 64 : i32
    %add3A_41 = arith.addi %mul3A_2, %add3A_40 : i32
    %sub3A_42 = arith.constant 4 : i32
    %sub3A_43 = arith.subi %add3A_41, %sub3A_42 : i32
    %dma_wait3A = arith.constant 0 : i32
    %dma_wait3A_44 = arith.constant 0 : i32
    %dma_wait3A_45 = arith.constant 0 : i32
    %dma_wait3A_46 = arith.constant 0 : i32
    %dma_wait3A_47 = arith.constant 0 : i32
    %dma_wait3A_48 = tpu.memref_slice %arg11[%dma_wait3A, %dma_wait3A_45, %dma_wait3A_46, %dma_wait3A_47] : memref<2x12x2x2048xf32, #tpu.memory_space<vmem>> -> memref<1x12x2x2048xf32, #tpu.memory_space<vmem>>
    %dma_wait3A_49 = tpu.memref_squeeze %dma_wait3A_48 : memref<1x12x2x2048xf32, #tpu.memory_space<vmem>> -> memref<12x2x2048xf32, #tpu.memory_space<vmem>>
    %dma_wait3A_50 = arith.constant 0 : i32
    %dma_wait3A_51 = arith.constant 0 : i32
    %dma_wait3A_52 = tpu.memref_slice %arg5[%dma_wait3A_44, %dma_wait3A_50, %sub3A_43, %dma_wait3A_51] : memref<1x12x2048x2048xf32, #tpu.memory_space<hbm>> -> memref<1x12x2x2048xf32, #tpu.memory_space<hbm>>
    %dma_wait3A_53 = tpu.memref_squeeze %dma_wait3A_52 : memref<1x12x2x2048xf32, #tpu.memory_space<hbm>> -> memref<12x2x2048xf32, #tpu.memory_space<hbm>>
    %dma_wait3A_54 = arith.constant 0 : i32
    %dma_wait3A_55 = arith.constant 0 : i32
    %dma_wait3A_56 = tpu.memref_slice %arg5[%dma_wait3A_44, %dma_wait3A_54, %sub3A_43, %dma_wait3A_55] : memref<1x12x2048x2048xf32, #tpu.memory_space<hbm>> -> memref<1x12x2x2048xf32, #tpu.memory_space<hbm>>
    %dma_wait3A_57 = tpu.memref_squeeze %dma_wait3A_56 : memref<1x12x2x2048xf32, #tpu.memory_space<hbm>> -> memref<12x2x2048xf32, #tpu.memory_space<hbm>>
    %dma_wait3A_58 = arith.constant 0 : i32
    %dma_wait3A_59 = arith.constant 0 : i32
    %dma_wait3A_60 = arith.constant 0 : i32
    %dma_wait3A_61 = tpu.memref_slice %arg11[%dma_wait3A, %dma_wait3A_58, %dma_wait3A_59, %dma_wait3A_60] : memref<2x12x2x2048xf32, #tpu.memory_space<vmem>> -> memref<1x12x2x2048xf32, #tpu.memory_space<vmem>>
    %dma_wait3A_62 = tpu.memref_squeeze %dma_wait3A_61 : memref<1x12x2x2048xf32, #tpu.memory_space<vmem>> -> memref<12x2x2048xf32, #tpu.memory_space<vmem>>
    tpu.wait_dma2 semaphore(%arg12 : memref<!tpu.dma_semaphore, #tpu.memory_space<semaphore_mem>>) src(%dma_wait3A_62 : memref<12x2x2048xf32, #tpu.memory_space<vmem>>) dst(%dma_wait3A_57 : memref<12x2x2048xf32, #tpu.memory_space<hbm>>)
    %add3A_63 = arith.constant 64 : i32
    %add3A_64 = arith.addi %mul3A_2, %add3A_63 : i32
    %sub3A_65 = arith.constant 2 : i32
    %sub3A_66 = arith.subi %add3A_64, %sub3A_65 : i32
    %dma_wait3A_67 = arith.constant 1 : i32
    %dma_wait3A_68 = arith.constant 0 : i32
    %dma_wait3A_69 = arith.constant 0 : i32
    %dma_wait3A_70 = arith.constant 0 : i32
    %dma_wait3A_71 = arith.constant 0 : i32
    %dma_wait3A_72 = tpu.memref_slice %arg11[%dma_wait3A_67, %dma_wait3A_69, %dma_wait3A_70, %dma_wait3A_71] : memref<2x12x2x2048xf32, #tpu.memory_space<vmem>> -> memref<1x12x2x2048xf32, #tpu.memory_space<vmem>>
    %dma_wait3A_73 = tpu.memref_squeeze %dma_wait3A_72 : memref<1x12x2x2048xf32, #tpu.memory_space<vmem>> -> memref<12x2x2048xf32, #tpu.memory_space<vmem>>
    %dma_wait3A_74 = arith.constant 0 : i32
    %dma_wait3A_75 = arith.constant 0 : i32
    %dma_wait3A_76 = tpu.memref_slice %arg5[%dma_wait3A_68, %dma_wait3A_74, %sub3A_66, %dma_wait3A_75] : memref<1x12x2048x2048xf32, #tpu.memory_space<hbm>> -> memref<1x12x2x2048xf32, #tpu.memory_space<hbm>>
    %dma_wait3A_77 = tpu.memref_squeeze %dma_wait3A_76 : memref<1x12x2x2048xf32, #tpu.memory_space<hbm>> -> memref<12x2x2048xf32, #tpu.memory_space<hbm>>
    %dma_wait3A_78 = arith.constant 0 : i32
    %dma_wait3A_79 = arith.constant 0 : i32
    %dma_wait3A_80 = tpu.memref_slice %arg5[%dma_wait3A_68, %dma_wait3A_78, %sub3A_66, %dma_wait3A_79] : memref<1x12x2048x2048xf32, #tpu.memory_space<hbm>> -> memref<1x12x2x2048xf32, #tpu.memory_space<hbm>>
    %dma_wait3A_81 = tpu.memref_squeeze %dma_wait3A_80 : memref<1x12x2x2048xf32, #tpu.memory_space<hbm>> -> memref<12x2x2048xf32, #tpu.memory_space<hbm>>
    %dma_wait3A_82 = arith.constant 0 : i32
    %dma_wait3A_83 = arith.constant 0 : i32
    %dma_wait3A_84 = arith.constant 0 : i32
    %dma_wait3A_85 = tpu.memref_slice %arg11[%dma_wait3A_67, %dma_wait3A_82, %dma_wait3A_83, %dma_wait3A_84] : memref<2x12x2x2048xf32, #tpu.memory_space<vmem>> -> memref<1x12x2x2048xf32, #tpu.memory_space<vmem>>
    %dma_wait3A_86 = tpu.memref_squeeze %dma_wait3A_85 : memref<1x12x2x2048xf32, #tpu.memory_space<vmem>> -> memref<12x2x2048xf32, #tpu.memory_space<vmem>>
    tpu.wait_dma2 semaphore(%arg13 : memref<!tpu.dma_semaphore, #tpu.memory_space<semaphore_mem>>) src(%dma_wait3A_86 : memref<12x2x2048xf32, #tpu.memory_space<vmem>>) dst(%dma_wait3A_81 : memref<12x2x2048xf32, #tpu.memory_space<hbm>>)
    return
  }
}

</mosaic_0001>

<sc_bundles>
// kernel: kernel.3.cloned.1.call-start
scs
__scs_entry_jumppad:
0x0: {  	(pc) =	sbr.rel $0x88, $3  }
0x1: {  	(tag) =	ssettag $0x0;
	lr =	simm.s32 $0x1  }
0x2: {  	[smem:$0x3F9F] =	sst lr;
	_ =	strace $0xD0000000  }
0x3: {  	_ = 	snop  }
0x4: {  	_ = 	snop  }
0x5: {  	_ = 	snop  }
0x6: {  	_ = 	snop  }
0x7: {  	_ = 	snop  }
__scs_overlays_trampoline_lowered:
0x8: {  	[smem:$0x3FAE] =	sst s0  }
0x9: {  	[smem:$0x3FAF] =	sst s1  }
0xa: {  	[smem:$0x3FB0] =	sst s2  }
0xb: {  	[smem:$0x3FB1] =	sst s3  }
0xc: {  	[smem:$0x3FB2] =	sst s4  }
0xd: {  	[smem:$0x3FB3] =	sst s5  }
0xe: {  	[smem:$0x3FB4] =	sst s6  }
0xf: {  	[smem:$0x3FB5] =	sst s7  }
0x10: {  	[smem:$0x3FB6] =	sst s8  }
0x11: {  	[smem:$0x3FB7] =	sst s9;
	s0 =	simm.s32 @!p0 $0x0  }
0x12: {  	s1 =	sld [smem:$0x3F9D];
	s0 =	simm.s32 @p0 $0x1  }
0x13: {  	[smem:$0x3FB8] =	sst s0;
	s0 =	simm.s32 @!p1 $0x0  }
0x14: {  	s2 =	sld [smem:$0x3F9C];
	s0 =	simm.s32 @p1 $0x1  }
0x15: {  	[smem:$0x3FB9] =	sst s0;
	s0 =	simm.s32 @!p2 $0x0  }
0x16: {  	s3 =	sld [smem:$0x3FDB];
	s0 =	simm.s32 @p2 $0x1  }
0x17: {  	s4 =	simm.s32 $0x1BF5;
	[smem:$0x3FBB] =	sst s0  }
0x18: {  	s0 =	sld [smem:$0x3F9E];
	_ =	swait.ge [sflag:s4], $0x0  }
0x19: {  	s7 =	sld [smem:$0x3F9F]  }
0x1a: {  	s8 =	sadd.s32 $0xFFFFE003, lr  }
0x1b: {  	s9 =	sadd.s32 $0xFFFFFEF7, lr;
	s5 =	simm.s32 $0xFFFFFFFF;
	p2 =	slt.u32 s8, $0xFFFFF086  }
0x1c: {  	p1 =	slt.u32 s9, $0xF7A;
	s5 =	simm.s32 @!p2 $0x0  }
0x1d: {  	s5 =	simm.s32 @p1 $0x1;
	p0 =	seq.s32 s7, s2  }
0x1e: {  	s7 =	smul.u32 @!p0 $0xF7A, s2;
	p2 =	seq.s32 @!p0 s5, $0x0  }
0x1f: {  	s9 =	smul.u32 $0xF7A, s1;
	s8 =	simm.s32 @!p0 $0x1BF5;
	p2 =	por !p2, p0  }
0x20: {  	[sflag:s8] =	ssyncset.s32 @!p0 $0xFFFFF086;
	s6 =	sadd.s32 @!p0 s3, s7;
	s7 =	simm.s32 @!p0 $0x108  }
0x21: {  	s3 =	sadd.s32 s3, s9;
	s6 =	sadd.s32 @!p0 $0x88, s6;
	s7 =	simm.s32 @p2 $0x1082  }
0x22: {  	[simem:s7], [sflag:s8] =	dma.local @!p0 [hbm:s6], $0xF7A  }
0x23: {  	s9 =	sor.u32 $0xD0000000, s2;
	s6 =	simm.s32 $0x108;
	_ =	swait.ge @!p0 [sflag:s8], $0x0  }
0x24: {  	s3 =	sadd.s32 $0x88, s3;
	s6 =	simm.s32 @!p1 $0x1082;
	[sflag:s4] =	ssyncset.s32 $0xFFFFF086  }
0x25: {  	[simem:s6], [sflag:s4] =	dma.local [hbm:s3], $0xF7A  }
0x26: {  	[smem:$0x3F9F] =	sst s1;
	(tag) =	ssettag s2;
	_ =	strace s9  }
0x27: {  	s1 =	sld [smem:$0x3FAF]  }
0x28: {  	s2 =	sld [smem:$0x3FB0]  }
0x29: {  	s4 =	sld [smem:$0x3FB2]  }
0x2a: {  	p0 =	seq.s32 s5, $0x0;
	s5 =	sld [smem:$0x3FB3]  }
0x2b: {  	s6 =	sld [smem:$0x3FB4]  }
0x2c: {  	s7 =	sld [smem:$0x3FB5]  }
0x2d: {  	s3 =	simm.s32 $0x108;
	s8 =	sld [smem:$0x3FB6]  }
0x2e: {  	s3 =	simm.s32 @!p0 $0x1082;
	s9 =	sld [smem:$0x3FB7]  }
0x2f: {  	lr =	sadd.s32 s0, s3;
	s0 =	sld [smem:$0x3FAE]  }
0x30: {  	s3 =	sld [smem:$0x3FB1]  }
0x31: {  	[smem:$0x3FBA] =	sst s10  }
0x32: {  	s10 =	sld [smem:$0x3FB8];
	_ =	sdelay $0x3  }
0x33: {  	p0 =	seq.s32 s10, $0x1;
	s10 =	sld [smem:$0x3FBA];
	_ =	sdelay $0x3  }
0x34: {  	[smem:$0x3FBA] =	sst s10  }
0x35: {  	s10 =	sld [smem:$0x3FB9];
	_ =	sdelay $0x3  }
0x36: {  	p1 =	seq.s32 s10, $0x1;
	s10 =	sld [smem:$0x3FBA];
	_ =	sdelay $0x3  }
0x37: {  	[smem:$0x3FBA] =	sst s10  }
0x38: {  	s10 =	sld [smem:$0x3FBB]  }
0x39: {  	_ = 	snop;
	(pc) =	sbr.ind lr, $3  }
0x3a: {  	_ = 	snop  }
0x3b: {  	_ = 	snop  }
0x3c: {  	p2 =	seq.s32 s10, $0x1;
	s10 =	sld [smem:$0x3FBA]  }
0x3d: {  	_ =	shalt  }
0x3e: {  	_ =	shalt  }
0x3f: {  	_ =	shalt  }
0x40: {  	_ =	shalt  }
0x41: {  	_ =	shalt  }
0x42: {  	_ =	shalt  }
0x43: {  	_ =	shalt  }
0x44: {  	_ =	shalt  }
0x45: {  	_ =	shalt  }
0x46: {  	_ =	shalt  }
0x47: {  	_ =	shalt  }
0x48: {  	_ =	shalt  }
0x49: {  	_ =	shalt  }
0x4a: {  	_ =	shalt  }
0x4b: {  	_ =	shalt  }
0x4c: {  	_ =	shalt  }
0x4d: {  	_ =	shalt  }
0x4e: {  	_ =	shalt  }
0x4f: {  	_ =	shalt  }
0x50: {  	_ =	shalt  }
0x51: {  	_ =	shalt  }
0x52: {  	_ =	shalt  }
0x53: {  	_ =	shalt  }
0x54: {  	_ =	shalt  }
0x55: {  	_ =	shalt  }
0x56: {  	_ =	shalt  }
0x57: {  	_ =	shalt  }
0x58: {  	_ =	shalt  }
0x59: {  	_ =	shalt  }
0x5a: {  	_ =	shalt  }
0x5b: {  	_ =	shalt  }
0x5c: {  	_ =	shalt  }
0x5d: {  	_ =	shalt  }
0x5e: {  	_ =	shalt  }
0x5f: {  	_ =	shalt  }
0x60: {  	_ =	shalt  }
0x61: {  	_ =	shalt  }
0x62: {  	_ =	shalt  }
0x63: {  	_ =	shalt  }
0x64: {  	_ =	shalt  }
0x65: {  	_ =	shalt  }
0x66: {  	_ =	shalt  }
0x67: {  	_ =	shalt  }
0x68: {  	_ =	shalt  }
0x69: {  	_ =	shalt  }
0x6a: {  	_ =	shalt  }
0x6b: {  	_ =	shalt  }
0x6c: {  	_ =	shalt  }
0x6d: {  	_ =	shalt  }
0x6e: {  	_ =	shalt  }
0x6f: {  	_ =	shalt  }
0x70: {  	_ =	shalt  }
0x71: {  	_ =	shalt  }
0x72: {  	_ =	shalt  }
0x73: {  	_ =	shalt  }
0x74: {  	_ =	shalt  }
0x75: {  	_ =	shalt  }
0x76: {  	_ =	shalt  }
0x77: {  	_ =	shalt  }
0x78: {  	_ =	shalt  }
0x79: {  	_ =	shalt  }
0x7a: {  	_ =	shalt  }
0x7b: {  	_ =	shalt  }
0x7c: {  	_ =	shalt  }
0x7d: {  	_ =	shalt  }
0x7e: {  	_ =	shalt  }
0x7f: {  	_ =	shalt  }
0x80: {  	_ =	shalt  }
0x81: {  	_ =	shalt  }
0x82: {  	_ =	shalt  }
0x83: {  	_ =	shalt  }
0x84: {  	_ =	shalt  }
0x85: {  	_ =	shalt  }
0x86: {  	_ =	shalt  }
0x87: {  	_ =	shalt  }
.Lfunc_end0:
.L_simem_size_0:
called_computation_lowered:
.L_overlay_start_0:
0x88: {  	s2 =	sld [smem:$0x3FD9]  }
0x89: {  	s3 =	sld [smem:$0x3FFE];
	_ =	sdelay $0x1  }
0x8a: {  	s1 =	srdreg.scid  }
0x8b: {  	s0 =	sand.u32 $0x1, s1  }
0x8c: {  	s17 =	sshll.u32 s0, $0xA;
	s2 =	sadd.s32 s3, s2  }
0x8d: {  	s2 =	sadd.s32 s2, s17  }
0x8e: {  	[smem:$0x3FC6] =	sst s2  }
0x8f: {  	_ = 	snop  }
0x90: {  	s2 =	sld [smem:$0x3FD0];
	(tm) =	ssettm $0x1  }
0x91: {  	s18 =	sld [smem:$0x3FFB];
	_ =	sdelay $0x3  }
0x92: {  	_ =	strace s18  }
0x93: {  	s3 =	sld [smem:$0x3FFC];
	_ =	sdelay $0x3  }
0x94: {  	_ =	strace s3  }
0x95: {  	s3 =	sld [smem:$0x3FFD];
	_ =	sdelay $0x3  }
0x96: {  	_ =	strace s3  }
0x97: {  	_ =	strace $0x8FFFFFFF  }
0x98: {  	s19 =	sld [smem:$0x3FDB];
	_ =	sdelay $0x1  }
0x99: {  	s4 =	simm.s32 $_scs_section_size  }
0x9a: {  	s5 =	simm.s32 $_size__tile_overlayer_lowered;
	s6 =	simm.s32 $_tile_overlayer_lowered  }
0x9b: {  	s22 =	simm.s32 $0x1BFF;
	s21 =	sshll.u32 s6, $0x1;
	s3 =	sadd.s32 s4, s19  }
0x9c: {  	s7 =	simm.s32 $0x0;
	s20 =	sshll.u32 s5, $0x1;
	s5 =	sadd.s32 s21, s3  }
0x9d: {  	[timem:s7], [sflag:s22] =	dma.local [hbm:s5], s20  }
0x9e: {  	_ =	swait.ge [sflag:s22], s20  }
0x9f: {  	s4 =	ssub.s32 $0x0, s20;
	[sflag:s22] =	ssyncset.done $0x0  }
0xa0: {  	[sflag:s22] =	ssyncadd.s32 s4;
	_ =	sdelay $0x1  }
0xa1: {  	s23 =	simm.s32 $0x1B8B  }
0xa2: {  	_ =	swait.ge [sflag:s23], $0x1  }
0xa3: {  	[sflag:s23] =	ssyncset.done $0x0  }
0xa4: {  	s25 =	simm.s32 $0x1B8E;
	s24 =	sld [smem:$0x3FFE];
	[sflag:s23] =	ssyncadd.s32 $0xFFFFFFFF  }
0xa5: {  	s26 =	simm.s32 $execute0_lowered;
	[smem:$0x3FD2] =	sst s25  }
0xa6: {  	s5 =	sshll.u32 s26, $0x1;
	_ =	strace $0x80000046;
	[dreg:$0x1] =	wrdreg $0xFFFFFFFF  }
0xa7: {  	s28 =	simm.s32 $_size_execute0_lowered;
	s3 =	sadd.s32 s3, s5;
	[dreg:$0x0] =	wrdreg $0x0  }
0xa8: {  	s5 =	sshll.u32 s28, $0x1;
	[dreg:$0x2] =	wrdreg s3  }
0xa9: {  	[dreg:$0x3] =	wrdreg s5  }
0xaa: {  	[dreg:$0x4] =	wrdreg $0xC0  }
0xab: {  	_ =	task [dreg:s7], $0x5FFFF  }
0xac: {  	[dreg:$0x1] =	wrdreg $0xFFFFFFFF  }
0xad: {  	[dreg:$0x0] =	wrdreg $0x60  }
0xae: {  	[dreg:$0x2] =	wrdreg s24  }
0xaf: {  	[dreg:$0x3] =	wrdreg s2  }
0xb0: {  	[dreg:$0x4] =	wrdreg $0x9  }
0xb1: {  	_ =	task.clear_ibuf [dreg:s7], $0x5FFFF;
	_ =	strace $0x90000046  }
0xb2: {  	s29 =	simm.s32 $0x9;
	_ =	strace $0x80000048  }
0xb3: {  	_ =	swait.ge [sflag:s29], $0x1  }
0xb4: {  	[sflag:s29] =	ssyncadd.s32 $0xFFFFFFFF  }
0xb5: {  	_ =	strace $0x90000048  }
0xb6: {  	_ =	sfence  }
0xb7: {  	s30 =	sld [smem:$0x0];
	_ =	sdelay $0x2  }
0xb8: {  	s31 =	sshll.u32 s1, $0xD;
	s1 =	sshrl.u32 s1, $0x2  }
0xb9: {  	s3 =	sand.u32 $0x4000, s31;
	s1 =	sadd.s32 s1, s30  }
0xba: {  	s0 =	sor.u32 s3, s0;
	s1 =	sshll.u32 s1, $0x11  }
0xbb: {  	s0 =	sor.u32 s1, s0  }
0xbc: {  	s0 =	sadd.s32 $0x8F2B, s0  }
0xbd: {  	[sflag:s0] =	ssyncadd.remote.s32 $0x1  }
0xbe: {  	_ =	sfence.sel $0xFFFF  }
0xbf: {  	[dreg:$0x0] =	wrdreg $0xFFFFFFFF;
	(pc) =	sbr.abs _section_cstart, $3  }
0xc0: {  	[dreg:$0x1] =	wrdreg $0xFFFFFFFF  }
0xc1: {  	_ =	task.clear_ibuf [dreg:s7], $0x2FFFF;
	_ =	strace $0x9FFFFFFF  }
0xc2: {  	(tm) =	ssettm $0x7FFFFFFF  }
0xc3: {  	_ =	shalt  }
tec
execute0_lowered:
.L_overlay_start_1:
0x0: {  	(tag) =	ssettag $0x1  }
0x1: {  	s0 =	rddreg [dreg:$0x0];
	s3 =	simm.s32 $0x0  }
0x2: {  	[smem:$0x7FF] =	sst s3  }
0x3: {  	s1 =	rddreg [dreg:$0x1];
	s2 =	srdreg.scid;
	v0 =	vimm.f32 $6.283185480e+00;
	_ =	strace $0x80000047  }
0x4: {  	s5 =	stileid.u32;
	s11 =	simm.s32 $0x1980;
	s12 =	simm.s32 $0x3980;
	(erf) = vrcp.f32 v0  }
0x5: {  	s13 =	simm.s32 $0x100;
	s14 =	simm.s32 $0x400;
	s31 =	simm.s32 $0x14180  }
0x6: {  	s10 =	simm.s32 $0x17180;
	s6 =	simm.s32 $0x1A180;
	s8 =	simm.s32 $0x1B180  }
0x7: {  	s16 =	simm.s32 $0x0;
	s2 =	sand.u32 $0x1, s2;
	s25 =	sadd.s32 $0x800, s0  }
0x8: {  	s4 =	sadd.s32 $0x600, s0;
	s29 =	sshll.u32 s5, $0x7;
	s0 =	sadd.s32 $0xA00, s0  }
0x9: {  	s5 =	simm.s32 $0x19180;
	[dreg:$0x3] =	wrdreg s25;
	s26 =	ssub.s32 $0x2, s2  }
0xa: {  	[dreg:$0x4] =	wrdreg s4;
	s2 =	sshll.u32 s2, $0x6;
	s28 =	sshrl.u32 s26, $0x1  }
0xb: {  	[dreg:$0x5] =	wrdreg s0;
	s0 =	simm.s32 $0x15180;
	s3 =	ssub.s32 s26, s28  }
0xc: {  	v1 =	vlaneseq.u32;
	s4 =	simm.s32 $0x18180;
	s7 =	sor.u32 s2, s29;
	s30 =	smax.u32 s3, $0x1  }
0xd: {  	v1 =	vmul.u32 $0x80, v1;
	s2 =	simm.s32 $0x1C180;
	s3 =	simm.s32 $0x16180;
	[dreg:$0x6] =	wrdreg s30;
	v0 =	vpop (erf)  }
.LBB2_1:
0xe: {  	[dreg:$0x7] =	wrdreg s16  }
0xf: {  	s9 =	simm.s32 $0x0;
	s15 =	rddreg [dreg:$0x3];
	s26 =	simm.s32 $0x3  }
0x10: {  	[tilespmem:s9], [sflag:$0x3] =	stream.linear.gather [hbm4b:s15+s9], $0x800, $0x38;
	[tilespmem:$0x1D180] =	vst v63  }
0x11: {  	_ =	swait.ge [sflag:s26], $0x800  }
0x12: {  	[sflag:s26] =	ssyncset.done $0x0  }
0x13: {  	s17 =	simm.s32 $0x880;
	s28 =	rddreg [dreg:$0x4];
	[sflag:s26] =	ssyncadd.s32 $0xFFFFF800  }
0x14: {  	[tilespmem:s17], [sflag:$0x3] =	stream.linear.gather [hbm4b:s28+s9], $0x800, $0x38;
	[tilespmem:$0x1D180] =	vst v63  }
0x15: {  	_ =	swait.ge [sflag:s26], $0x800  }
0x16: {  	[sflag:s26] =	ssyncset.done $0x0  }
0x17: {  	s29 =	rddreg [dreg:$0x5];
	[sflag:s26] =	ssyncadd.s32 $0xFFFFF800  }
0x18: {  	[tilespmem:s11], [sflag:$0x3] =	stream.linear.gather [hbm4b:s29+s9], $0x2000, $0x38;
	[tilespmem:$0x1D180] =	vst v63  }
0x19: {  	_ =	swait.ge [sflag:s26], $0x2000  }
0x1a: {  	[sflag:s26] =	ssyncset.done $0x0  }
0x1b: {  	[sflag:s26] =	ssyncadd.s32 $0xFFFFE000  }
0x1c: {  	v2 =	vld [tilespmem:$0x0];
	_ =	sdelay $0x3  }
0x1d: {  	s30 =	simm.s32 $0x10  }
0x1e: {  	s9 =	simm.s32 $0x80;
	v4 =	vld [tilespmem:s30+$0x0];
	v3 =	vmov v2  }
.LBB2_2:
0x1f: {  	p0 =	sne.s32 s9, $0x1FC0  }
.Ltmp0:
0x20: {  	_ = 	snop;
	(pc) =	sbr.rel @p0 .LBB2_2-.Ltmp0, $3  }
0x21: {  	_ =	sdelay $0x1  }
0x22: {  	s15 =	sshra.s32 s9, $0x2;
	s9 =	sadd.s32 $0x40, s9;
	v2 =	vmax.f32 v2, v4;
	v3 =	vmin.f32 v3, v4  }
0x23: {  	v4 =	vld [tilespmem:s15+$0x0]  }
0x24: {  	_ =	sdelay $0x3  }
0x25: {  	v2 =	vmax.f32 v2, v4  }
0x26: {  	v3 =	vmin.f32 v3, v4;
	(xrf0) =	vmax.scan.msk.f32 $0xffff, v2  }
0x27: {  	(xrf0) =	vmin.scan.msk.f32 $0xffff, v3;
	_ =	sdelay $0x4  }
0x28: {  	v2, _, _ =	vpop (xrf0)  }
0x29: {  	(v2sf) =	vpush v2, $0xF;
	v2, _, _ =	vpop (xrf0)  }
0x2a: {  	(v2sf) =	vpush v2, $0xF;
	_ =	sdelay $0xd  }
0x2b: {  	s9 =	simm.s32 $0x0;
	s15 =	spop (v2sf)  }
0x2c: {  	v2 =	vld [tilespmem:s9+$0x880];
	s16 =	spop (v2sf)  }
0x2d: {  	s15 =	ssub.f32 s15, s16;
	_ =	sdelay $0x1  }
0x2e: {  	v3 =	vmov s15  }
0x2f: {  	v3 =	vmax.f32 v3, $9.999999970e-07  }
0x30: {  	v4 =	vand.u32 $0x7FFFFFFF, v2;
	v5 =	vadd.f32 $3.141592740e+00, v2;
	v3 =	vbroadcast v3, $0x0  }
0x31: {  	v6 =	vmul.f32 v4, v0  }
0x32: {  	(erf) = vrcp.f32 v3;
	v3 =	vand.u32 $0x7FFFFFFF, v5  }
0x33: {  	v6 =	vfloor.f32 v6;
	v7 =	vmul.f32 v3, v0  }
0x34: {  	v6 =	vmul.f32 $6.283185480e+00, v6  }
0x35: {  	v7 =	vfloor.f32 v7  }
0x36: {  	v4 =	vsub.f32 v4, v6;
	v6 =	vmul.f32 $6.283185480e+00, v7;
	_ =	sdelay $0x1  }
0x37: {  	vm0 =	veq.f32 v4, $6.283185480e+00;
	v3 =	vsub.f32 v3, v6  }
0x38: {  	v4 =	vsel vm0, $0x0, v4;
	v6 =	vld [tilespmem:s9+$0x0]  }
0x39: {  	v2 =	vand.u32 $0x80000000, v2;
	v4 =	vand.u32 $0x7FFFFFFF, v4;
	vm0 =	veq.f32 v3, $6.283185480e+00  }
0x3a: {  	v4 =	vor.u32 v2, v4;
	v5 =	vand.u32 $0x80000000, v5;
	v7 =	vpop (erf);
	v3 =	vsel vm0, $0x0, v3  }
0x3b: {  	v2 =	vmul.f32 $1.600000000e+01, v7;
	v7 =	vadd.f32 $6.283185480e+00, v4;
	v3 =	vand.u32 $0x7FFFFFFF, v3  }
0x3c: {  	vm0 =	vlt.f32 v4, $0.0e+00;
	v3 =	vor.u32 v5, v3  }
0x3d: {  	v5 =	vmul.f32 v6, v2;
	v6 =	vsel vm0, v7, v4;
	v4 =	vadd.f32 $6.283185480e+00, v3  }
0x3e: {  	s17 =	simm.s32 $0x80;
	s16 =	simm.s32 $0x40;
	s15 =	simm.s32 $0x0;
	vm0 =	vlt.f32 v3, $0.0e+00;
	v6 =	vmul.f32 $5.092957970e+00, v6  }
.LBB2_4:
0x3f: {  	p0 =	sne.s32 s17, $0x1FC0;
	[tilespmem:s9+$0x0] =	vst v5;
	v3 =	vsel vm0, v4, v3  }
0x40: {  	s18 =	sshra.s32 s16, $0x2;
	s16 =	smov.u32 s17;
	v3 =	vmul.f32 $5.092957970e+00, v3;
	[tilespmem:s9+$0x880] =	vst v6  }
0x41: {  	v4 =	vld [tilespmem:s18+$0x880]  }
0x42: {  	[tilespmem:s9+$0x1100] =	vst v3;
	s9 =	smov.u32 s18;
	_ =	sdelay $0x3  }
0x43: {  	v3 =	vadd.f32 $3.141592740e+00, v4;
	v5 =	vand.u32 $0x7FFFFFFF, v4  }
0x44: {  	v6 =	vmul.f32 v5, v0  }
0x45: {  	v7 =	vand.u32 $0x7FFFFFFF, v3;
	v3 =	vand.u32 $0x80000000, v3  }
0x46: {  	v8 =	vmul.f32 v7, v0;
	v6 =	vfloor.f32 v6  }
0x47: {  	v6 =	vmul.f32 $6.283185480e+00, v6  }
0x48: {  	v8 =	vfloor.f32 v8  }
0x49: {  	v8 =	vmul.f32 $6.283185480e+00, v8;
	v5 =	vsub.f32 v5, v6;
	_ =	sdelay $0x1  }
0x4a: {  	v6 =	vsub.f32 v7, v8;
	vm0 =	veq.f32 v5, $6.283185480e+00  }
0x4b: {  	v7 =	vld [tilespmem:s9+$0x0];
	v5 =	vsel vm0, $0x0, v5  }
0x4c: {  	v4 =	vand.u32 $0x80000000, v4;
	vm0 =	veq.f32 v6, $6.283185480e+00;
	v5 =	vand.u32 $0x7FFFFFFF, v5  }
.Ltmp1:
0x4d: {  	v6 =	vsel vm0, $0x0, v6;
	v8 =	vor.u32 v4, v5;
	(pc) =	sbr.rel @p0 .LBB2_4-.Ltmp1, $4  }
0x4e: {  	v4 =	vand.u32 $0x7FFFFFFF, v6;
	v6 =	vadd.f32 $6.283185480e+00, v8  }
0x4f: {  	vm0 =	vlt.f32 v8, $0.0e+00;
	v3 =	vor.u32 v3, v4  }
0x50: {  	v5 =	vmul.f32 v7, v2;
	v4 =	vadd.f32 $6.283185480e+00, v3;
	v6 =	vsel vm0, v6, v8  }
0x51: {  	s17 =	sadd.s32 $0x40, s17;
	vm0 =	vlt.f32 v3, $0.0e+00;
	v6 =	vmul.f32 $5.092957970e+00, v6  }
0x52: {  	[tilespmem:s9+$0x0] =	vst v5  }
0x53: {  	s16 =	sshra.s32 s16, $0x2;
	[tilespmem:s9+$0x880] =	vst v6  }
0x54: {  	v5 =	vld [tilespmem:s16+$0x880];
	_ =	sdelay $0x4  }
0x55: {  	v6 =	vadd.f32 $3.141592740e+00, v5;
	v7 =	vand.u32 $0x7FFFFFFF, v5  }
0x56: {  	v8 =	vmul.f32 v7, v0  }
0x57: {  	v9 =	vand.u32 $0x7FFFFFFF, v6  }
0x58: {  	v3 =	vsel vm0, v4, v3;
	v10 =	vmul.f32 v9, v0;
	v8 =	vfloor.f32 v8  }
0x59: {  	v3 =	vmul.f32 $5.092957970e+00, v3;
	v4 =	vmul.f32 $6.283185480e+00, v8  }
0x5a: {  	v8 =	vfloor.f32 v10  }
0x5b: {  	[tilespmem:s9+$0x1100] =	vst v3;
	v8 =	vmul.f32 $6.283185480e+00, v8;
	v4 =	vsub.f32 v7, v4  }
0x5c: {  	v7 =	vld [tilespmem:s16+$0x0]  }
0x5d: {  	v3 =	vsub.f32 v9, v8;
	vm12 =	veq.f32 v4, $6.283185480e+00  }
0x5e: {  	v4 =	vsel vm12, $0x0, v4  }
0x5f: {  	v5 =	vand.u32 $0x80000000, v5;
	vm13 =	veq.f32 v3, $6.283185480e+00;
	v4 =	vand.u32 $0x7FFFFFFF, v4  }
0x60: {  	v6 =	vand.u32 $0x80000000, v6;
	v3 =	vsel vm13, $0x0, v3;
	v4 =	vor.u32 v5, v4  }
0x61: {  	v2 =	vmul.f32 v7, v2;
	v3 =	vand.u32 $0x7FFFFFFF, v3;
	v5 =	vadd.f32 $6.283185480e+00, v4  }
0x62: {  	vm14 =	vlt.f32 v4, $0.0e+00;
	v3 =	vor.u32 v6, v3;
	v6 =	vmov s15  }
0x63: {  	v7 =	vshll.u32 v6, $0x7;
	v8 =	vadd.f32 $6.283185480e+00, v3;
	v4 =	vsel vm14, v5, v4  }
0x64: {  	vm15 =	vlt.f32 v3, $0.0e+00;
	v5 =	vor.u32 v1, v7;
	v7 =	vshrl.u32 v6, $0x9  }
0x65: {  	v6 =	vshll.u32 v6, $0x2;
	v5 =	vand.u32 $0xF80, v5;
	v9 =	vand.u32 $0xE, v7  }
0x66: {  	v3 =	vsel vm15, v8, v3;
	v6 =	vand.u32 $0xF80, v6;
	v7 =	vor.u32 $0x1, v7  }
0x67: {  	[tilespmem:s16+$0x0] =	vst v2;
	v5 =	vor.u32 $0x1000, v5;
	v2 =	vmul.f32 $5.092957970e+00, v3;
	v3 =	vor.u32 v7, v6  }
0x68: {  	v4 =	vmul.f32 $5.092957970e+00, v4;
	v8 =	vor.u32 v9, v5  }
0x69: {  	v9 =	vor.u32 v9, v6  }
0x6a: {  	[tilespmem:s16+$0x880] =	vst v4;
	v4 =	vor.u32 v7, v5  }
0x6b: {  	[tilespmem:s16+$0x1100] =	vst v2  }
0x6c: {  	v3 =	vld.idx.msk [tilespmem:v3+s11+$0x0], $0xffff  }
0x6d: {  	v2 =	vld.idx.msk [tilespmem:v8+s11+$0x0], $0xffff  }
0x6e: {  	v5 =	vld.idx.msk [tilespmem:v9+s11+$0x0], $0xffff  }
0x6f: {  	v4 =	vld.idx.msk [tilespmem:v4+s11+$0x0], $0xffff;
	_ =	sdelay $0x1  }
0x70: {  	s29 =	simm.s32 $0x10  }
0x71: {  	v6 =	vmov s29  }
0x72: {  	v7 =	vshll.u32 v6, $0x7;
	v8 =	vshrl.u32 v6, $0x9;
	v6 =	vshll.u32 v6, $0x2  }
0x73: {  	v9 =	vand.u32 $0xE, v8;
	v2 =	vadd.f32 v2, v5;
	v3 =	vadd.f32 v4, v3  }
0x74: {  	v4 =	vand.u32 $0xF80, v6;
	v5 =	vor.u32 v1, v7;
	v6 =	vor.u32 $0x1, v8  }
0x75: {  	v5 =	vand.u32 $0xF80, v5;
	v7 =	vshrl.u32 v2, $0x10;
	v8 =	vshrl.u32 v3, $0x10  }
0x76: {  	v5 =	vor.u32 $0x1000, v5;
	v7 =	vand.u32 $0x1, v7;
	v8 =	vand.u32 $0x1, v8  }
0x77: {  	v10 =	vor.u32 v9, v5;
	v2 =	vadd.s32 v7, v2;
	v3 =	vadd.s32 v8, v3  }
0x78: {  	v7 =	vor.u32 v9, v4;
	v2 =	vadd.s32 $0x7FFF, v2;
	v3 =	vadd.s32 $0x7FFF, v3  }
0x79: {  	v4 =	vor.u32 v6, v4;
	v2 =	vshrl.u32 v2, $0x10;
	v3 =	vand.u32 $0xFFFF0000, v3  }
0x7a: {  	s9 =	simm.s32 $0x3980;
	v5 =	vor.u32 v6, v5;
	v2 =	vor.u32 v2, v3  }
0x7b: {  	[tilespmem:s9+$0x0] =	vst v2  }
0x7c: {  	v2 =	vld.idx.msk [tilespmem:v10+s11+$0x0], $0xffff  }
0x7d: {  	v6 =	vld.idx.msk [tilespmem:v7+s11+$0x0], $0xffff  }
0x7e: {  	v4 =	vld.idx.msk [tilespmem:v4+s11+$0x0], $0xffff  }
0x7f: {  	v7 =	vld.idx.msk [tilespmem:v5+s11+$0x0], $0xffff;
	_ =	sdelay $0x1  }
0x80: {  	s30 =	simm.s32 $0x20  }
0x81: {  	v3 =	vmov s30  }
0x82: {  	v8 =	vshll.u32 v3, $0x7;
	v9 =	vshrl.u32 v3, $0x9;
	v10 =	vshll.u32 v3, $0x2  }
0x83: {  	v3 =	vand.u32 $0xE, v9;
	v5 =	vadd.f32 v2, v6;
	v6 =	vadd.f32 v7, v4  }
0x84: {  	v4 =	vand.u32 $0xF80, v10;
	v7 =	vor.u32 v1, v8;
	v2 =	vor.u32 $0x1, v9  }
0x85: {  	s15 =	simm.s32 $0x30;
	v7 =	vand.u32 $0xF80, v7;
	v8 =	vshrl.u32 v5, $0x10;
	v9 =	vshrl.u32 v6, $0x10  }
.LBB2_6:
0x86: {  	p0 =	sne.s32 s15, $0x17F0;
	v7 =	vor.u32 $0x1000, v7;
	v8 =	vand.u32 $0x1, v8;
	v9 =	vand.u32 $0x1, v9  }
0x87: {  	v10 =	vor.u32 v3, v7;
	v5 =	vadd.s32 v8, v5;
	v6 =	vadd.s32 v9, v6  }
0x88: {  	v3 =	vor.u32 v3, v4;
	v5 =	vadd.s32 $0x7FFF, v5;
	v6 =	vadd.s32 $0x7FFF, v6  }
0x89: {  	v4 =	vor.u32 v2, v4;
	v5 =	vshrl.u32 v5, $0x10;
	v6 =	vand.u32 $0xFFFF0000, v6  }
0x8a: {  	s9 =	sadd.s32 $0x10, s9;
	v2 =	vor.u32 v2, v7;
	v5 =	vor.u32 v5, v6  }
0x8b: {  	[tilespmem:s9+$0x0] =	vst v5  }
0x8c: {  	v5 =	vld.idx.msk [tilespmem:v10+s11+$0x0], $0xffff  }
0x8d: {  	v6 =	vld.idx.msk [tilespmem:v3+s11+$0x0], $0xffff  }
0x8e: {  	v4 =	vld.idx.msk [tilespmem:v4+s11+$0x0], $0xffff  }
0x8f: {  	v2 =	vld.idx.msk [tilespmem:v2+s11+$0x0], $0xffff;
	_ =	sdelay $0x3  }
.Ltmp2:
0x90: {  	v3 =	vmov s15;
	(pc) =	sbr.rel @p0 .LBB2_6-.Ltmp2, $4  }
0x91: {  	v7 =	vshll.u32 v3, $0x7;
	v8 =	vshrl.u32 v3, $0x9;
	v9 =	vshll.u32 v3, $0x2  }
0x92: {  	v3 =	vand.u32 $0xE, v8;
	v5 =	vadd.f32 v5, v6;
	v6 =	vadd.f32 v2, v4  }
0x93: {  	v7 =	vor.u32 v1, v7;
	v4 =	vand.u32 $0xF80, v9;
	v2 =	vor.u32 $0x1, v8  }
0x94: {  	s15 =	sadd.s32 $0x10, s15;
	v7 =	vand.u32 $0xF80, v7;
	v8 =	vshrl.u32 v5, $0x10;
	v9 =	vshrl.u32 v6, $0x10  }
0x95: {  	v7 =	vor.u32 $0x1000, v7;
	v8 =	vand.u32 $0x1, v8;
	v9 =	vand.u32 $0x1, v9  }
0x96: {  	v10 =	vor.u32 v3, v7;
	v5 =	vadd.s32 v8, v5;
	v6 =	vadd.s32 v9, v6  }
0x97: {  	v3 =	vor.u32 v3, v4;
	v5 =	vadd.s32 $0x7FFF, v5;
	v6 =	vadd.s32 $0x7FFF, v6  }
0x98: {  	v61 =	vor.u32 v2, v4;
	v5 =	vshrl.u32 v5, $0x10;
	v6 =	vand.u32 $0xFFFF0000, v6  }
0x99: {  	s9 =	sadd.s32 $0x10, s9;
	v2 =	vor.u32 v2, v7;
	v5 =	vor.u32 v5, v6  }
0x9a: {  	[tilespmem:s9+$0x0] =	vst v5  }
0x9b: {  	v5 =	vld.idx.msk [tilespmem:v10+s11+$0x0], $0xffff  }
0x9c: {  	v3 =	vld.idx.msk [tilespmem:v3+s11+$0x0], $0xffff  }
0x9d: {  	v4 =	vld.idx.msk [tilespmem:v61+s11+$0x0], $0xffff  }
0x9e: {  	v2 =	vld.idx.msk [tilespmem:v2+s11+$0x0], $0xffff;
	_ =	sdelay $0x4  }
0x9f: {  	v3 =	vadd.f32 v5, v3;
	v2 =	vadd.f32 v2, v4;
	_ =	sdelay $0x1  }
0xa0: {  	v62 =	vshrl.u32 v3, $0x10;
	v63 =	vshrl.u32 v2, $0x10  }
0xa1: {  	v4 =	vand.u32 $0x1, v62;
	v5 =	vand.u32 $0x1, v63  }
0xa2: {  	v3 =	vadd.s32 v4, v3;
	v2 =	vadd.s32 v5, v2  }
0xa3: {  	v3 =	vadd.s32 $0x7FFF, v3;
	v2 =	vadd.s32 $0x7FFF, v2  }
0xa4: {  	v3 =	vshrl.u32 v3, $0x10;
	v2 =	vand.u32 $0xFFFF0000, v2  }
0xa5: {  	s9 =	sadd.s32 $0x10, s9;
	v2 =	vor.u32 v3, v2  }
0xa6: {  	s15 =	simm.s32 $0x0;
	[tilespmem:s9+$0x0] =	vst v2;
	s9 =	simm.s32 $0x0  }
.LBB2_8:
0xa7: {  	p0 =	seq.s32 s15, $0x0  }
0xa8: {  	s17 =	simm.s32 @!p0 $0x1  }
0xa9: {  	_ =	swait.ge @!p0 [sflag:s17], $0xC000  }
0xaa: {  	s16 =	sshll.u32 s15, $0x2;
	[sflag:s17] =	ssyncset.done @!p0 $0x0  }
0xab: {  	s16 =	sadd.s32 s7, s16;
	[sflag:s17] =	ssyncadd.s32 @!p0 $0xFFFF4000  }
0xac: {  	s22 =	simm.s32 $0x880;
	v2 =	vld.msk [tilespmem:s16+$0x1100 ss:$0x0], $0xffff  }
0xad: {  	v5 =	vld [tilespmem:s22+$0x0];
	_ =	sdelay $0x2  }
0xae: {  	v3 =	vld.msk [tilespmem:s16+$0x0 ss:$0x0], $0xffff  }
0xaf: {  	v7 =	vld [tilespmem:s9+$0x0]  }
0xb0: {  	v4 =	vsub.f32 v2, v5;
	_ =	sdelay $0x1  }
0xb1: {  	v6 =	vadd.f32 $3.200000000e+01, v4  }
0xb2: {  	vm0 =	vlt.f32 v4, $0.0e+00  }
0xb3: {  	v8 =	vsub.f32 v3, v7;
	v4 =	vsel vm0, v6, v4  }
0xb4: {  	v4 =	vadd.f32 $-1.600000000e+01, v4  }
0xb5: {  	v6 =	vtrunc.f32 v8  }
0xb6: {  	v6 =	vcvt.f32.s32 v6;
	v4 =	vtrunc.f32 v4  }
0xb7: {  	s23 =	simm.s32 $0x890;
	v4 =	vcvt.f32.s32 v4  }
0xb8: {  	v8 =	vld [tilespmem:s23+$0x0];
	vm0 =	vlt.s32 v6, $0xF  }
0xb9: {  	v6 =	vnsel vm0, $0xF, v6;
	vm0 =	vlt.s32 v4, $0xF  }
0xba: {  	s24 =	simm.s32 $0x10;
	v6 =	vshll.u32 v6, $0x5;
	v9 =	vnsel vm0, $0xF, v4  }
0xbb: {  	v10 =	vld [tilespmem:s24+$0x0];
	v6 =	vadd.s32 v6, v9  }
0xbc: {  	v4 =	vld.msk [tilespmem:s16+$0x1101 ss:$0x0], $0xffff;
	v9 =	vadd.s32 $0x210, v6  }
0xbd: {  	v11 =	vsub.f32 v2, v8;
	_ =	sdelay $0x1  }
0xbe: {  	v12 =	vadd.f32 $3.200000000e+01, v11  }
0xbf: {  	vm0 =	vlt.f32 v11, $0.0e+00  }
0xc0: {  	v11 =	vsel vm0, v12, v11;
	v13 =	vsub.f32 v4, v5;
	v5 =	vsub.f32 v3, v10;
	v9 =	vld.idx.msk [tilespmem:v9+s12+$0x0], $0xffff  }
0xc1: {  	v11 =	vadd.f32 $-1.600000000e+01, v11  }
0xc2: {  	v14 =	vadd.s32 $0x610, v6;
	v5 =	vtrunc.f32 v5  }
0xc3: {  	s18 =	simm.s32 $0x0;
	v11 =	vtrunc.f32 v11;
	v12 =	vadd.f32 $3.200000000e+01, v13;
	v15 =	vcvt.f32.s32 v5  }
0xc4: {  	s28 =	sand.u32 $0xF00, s9;
	s26 =	sand.u32 $0x70, s18;
	s25 =	sor.u32 $0x1, s16;
	v11 =	vcvt.f32.s32 v11;
	vm0 =	vlt.f32 v13, $0.0e+00  }
0xc5: {  	s29 =	simm.s32 $0x8A0;
	s20 =	sor.u32 s26, s28;
	v5 =	vld.msk [tilespmem:s25+$0x0 ss:$0x0], $0xffff;
	v12 =	vsel vm0, v12, v13;
	vm0 =	vlt.s32 v15, $0xF;
	v13 =	vshll.u32 v9, $0x10  }
0xc6: {  	v9 =	vand.u32 $0xFFFF0000, v9;
	[tilespmem:s20+$0x5180] =	vst v13;
	v13 =	vnsel vm0, $0xF, v15;
	vm0 =	vlt.s32 v11, $0xF;
	v15 =	vld [tilespmem:s29+$0x0]  }
0xc7: {  	[tilespmem:s20+$0x6180] =	vst v9;
	v9 =	vnsel vm0, $0xF, v11;
	v11 =	vshll.u32 v13, $0x5  }
0xc8: {  	v12 =	vadd.f32 $-1.600000000e+01, v12;
	v13 =	vsub.f32 v4, v8;
	v14 =	vld.idx.msk [tilespmem:v14+s12+$0x0], $0xffff;
	v8 =	vadd.s32 v11, v9  }
0xc9: {  	s30 =	simm.s32 $0x20;
	v20 =	vadd.s32 $0xE10, v6;
	v23 =	vadd.s32 $0x1210, v6;
	v11 =	vadd.s32 $0x210, v8  }
0xca: {  	v17 =	vld [tilespmem:s30+$0x0];
	v7 =	vsub.f32 v5, v7;
	v9 =	vtrunc.f32 v12;
	v16 =	vadd.f32 $3.200000000e+01, v13  }
0xcb: {  	v12 =	vadd.s32 $0xA10, v6;
	vm0 =	vlt.f32 v13, $0.0e+00;
	v18 =	vsub.f32 v2, v15  }
0xcc: {  	v10 =	vsub.f32 v5, v10;
	v7 =	vtrunc.f32 v7;
	v13 =	vsel vm0, v16, v13  }
0xcd: {  	v13 =	vadd.f32 $-1.600000000e+01, v13;
	v16 =	vshll.u32 v14, $0x10;
	v19 =	vadd.f32 $3.200000000e+01, v18  }
0xce: {  	v9 =	vcvt.f32.s32 v9;
	v14 =	vand.u32 $0xFFFF0000, v14;
	[tilespmem:s20+$0x7180] =	vst v16;
	vm0 =	vlt.f32 v18, $0.0e+00;
	v11 =	vld.idx.msk [tilespmem:v11+s12+$0x0], $0xffff  }
0xcf: {  	v16 =	vsub.f32 v3, v17;
	[tilespmem:s20+$0x8180] =	vst v14;
	v13 =	vtrunc.f32 v13;
	v18 =	vsel vm0, v19, v18  }
0xd0: {  	v10 =	vtrunc.f32 v10;
	v12 =	vld.idx.msk [tilespmem:v12+s12+$0x0], $0xffff;
	v14 =	vcvt.f32.s32 v13;
	v13 =	vadd.f32 $-1.600000000e+01, v18  }
0xd1: {  	s19 =	simm.s32 $0x20;
	s18 =	simm.s32 $0x10;
	v7 =	vcvt.f32.s32 v7;
	vm1 =	vlt.s32 v9, $0xF;
	v16 =	vtrunc.f32 v16  }
0xd2: {  	s17 =	sand.u32 $0x70, s18;
	s18 =	sand.u32 $0xF00, s19;
	v15 =	vsub.f32 v4, v15;
	v16 =	vcvt.f32.s32 v16;
	v13 =	vtrunc.f32 v13  }
0xd3: {  	s18 =	sor.u32 s17, s18;
	v9 =	vnsel vm1, $0xF, v9;
	v19 =	vshll.u32 v11, $0x10;
	v13 =	vcvt.f32.s32 v13  }
0xd4: {  	s21 =	simm.s32 $0x8B0;
	v18 =	vadd.s32 $0x610, v8;
	vm1 =	vlt.s32 v16, $0xF;
	v11 =	vand.u32 $0xFFFF0000, v11;
	[tilespmem:s18+$0x5180] =	vst v19  }
0xd5: {  	[tilespmem:s18+$0x6180] =	vst v11;
	v11 =	vnsel vm1, $0xF, v16;
	v16 =	vand.u32 $0xFFFF0000, v12;
	v19 =	vld [tilespmem:s21+$0x0];
	vm1 =	vlt.s32 v13, $0xF  }
0xd6: {  	v12 =	vshll.u32 v12, $0x10;
	v11 =	vshll.u32 v11, $0x5;
	[tilespmem:s20+$0xA180] =	vst v16;
	v13 =	vnsel vm1, $0xF, v13  }
0xd7: {  	v21 =	vadd.s32 $0xA10, v8;
	v10 =	vcvt.f32.s32 v10;
	[tilespmem:s20+$0x9180] =	vst v12;
	v13 =	vadd.s32 v11, v13  }
0xd8: {  	s22 =	simm.s32 $0x30;
	v12 =	vadd.f32 $3.200000000e+01, v15;
	vm1 =	vlt.s32 v14, $0xF;
	v20 =	vld.idx.msk [tilespmem:v20+s12+$0x0], $0xffff;
	v16 =	vadd.s32 $0x210, v13  }
0xd9: {  	v17 =	vsub.f32 v5, v17;
	v11 =	vnsel vm1, $0xF, v14;
	vm1 =	vlt.f32 v15, $0.0e+00;
	v14 =	vld [tilespmem:s22+$0x0]  }
0xda: {  	vm0 =	vlt.s32 v7, $0xF;
	v18 =	vld.idx.msk [tilespmem:v18+s12+$0x0], $0xffff;
	v12 =	vsel vm1, v12, v15;
	v15 =	vsub.f32 v2, v19  }
0xdb: {  	v17 =	vtrunc.f32 v17;
	vm2 =	vmmov vm0;
	vm0 =	vlt.s32 v10, $0xF  }
0xdc: {  	vm0 =	vmmov vm0;
	v12 =	vadd.f32 $-1.600000000e+01, v12;
	v24 =	vadd.f32 $3.200000000e+01, v15  }
0xdd: {  	v19 =	vsub.f32 v4, v19;
	vm1 =	vlt.f32 v15, $0.0e+00;
	v25 =	vld.idx.msk [tilespmem:v16+s12+$0x0], $0xffff;
	v16 =	vshll.u32 v20, $0x10  }
0xde: {  	v26 =	vsub.f32 v3, v14;
	v15 =	vsel vm1, v24, v15;
	[tilespmem:s20+$0xB180] =	vst v16;
	v16 =	vand.u32 $0xFFFF0000, v20  }
0xdf: {  	v22 =	vshll.u32 v18, $0x10;
	v12 =	vtrunc.f32 v12;
	v15 =	vadd.f32 $-1.600000000e+01, v15;
	[tilespmem:s20+$0xC180] =	vst v16  }
0xe0: {  	s19 =	simm.s32 $0x40;
	s23 =	simm.s32 $0x20;
	v18 =	vand.u32 $0xFFFF0000, v18;
	v16 =	vcvt.f32.s32 v17;
	v17 =	vtrunc.f32 v26;
	v23 =	vld.idx.msk [tilespmem:v23+s12+$0x0], $0xffff  }
0xe1: {  	s19 =	sand.u32 $0xF00, s19;
	s17 =	sand.u32 $0x70, s23;
	[tilespmem:s18+$0x7180] =	vst v22;
	v22 =	vadd.s32 $0x610, v13;
	v17 =	vcvt.f32.s32 v17;
	v15 =	vtrunc.f32 v15  }
0xe2: {  	s17 =	sor.u32 s17, s19;
	v12 =	vcvt.f32.s32 v12;
	v15 =	vcvt.f32.s32 v15;
	v24 =	vshll.u32 v25, $0x10  }
0xe3: {  	vm1 =	vmmov vm2;
	vm3 =	vlt.s32 v17, $0xF;
	[tilespmem:s17+$0x5180] =	vst v24;
	v24 =	vadd.s32 $0x1610, v6  }
0xe4: {  	[tilespmem:s18+$0x8180] =	vst v18;
	v6 =	vand.u32 $0xFFFF0000, v25;
	v17 =	vnsel vm3, $0xF, v17;
	vm3 =	vlt.s32 v15, $0xF  }
0xe5: {  	[tilespmem:s17+$0x6180] =	vst v6;
	v6 =	vnsel vm3, $0xF, v15;
	v15 =	vshll.u32 v17, $0x5;
	v17 =	vshll.u32 v23, $0x10  }
0xe6: {  	v18 =	vld.idx.msk [tilespmem:v21+s12+$0x0], $0xffff;
	vm2 =	vlt.s32 v12, $0xF;
	v6 =	vadd.s32 v15, v6;
	[tilespmem:s20+$0xD180] =	vst v17;
	v17 =	vand.u32 $0xFFFF0000, v23  }
0xe7: {  	v7 =	vnsel vm1, $0xF, v7;
	v15 =	vnsel vm2, $0xF, v12;
	v12 =	vld.idx.msk [tilespmem:v22+s12+$0x0], $0xffff;
	v21 =	vadd.s32 $0x210, v6;
	[tilespmem:s20+$0xE180] =	vst v17  }
0xe8: {  	v20 =	vadd.s32 $0xA10, v13;
	v7 =	vshll.u32 v7, $0x5;
	v17 =	vadd.f32 $3.200000000e+01, v19;
	v22 =	vld.idx.msk [tilespmem:v24+s12+$0x0], $0xffff  }
0xe9: {  	v26 =	vadd.s32 $0x1210, v8;
	vm2 =	vlt.f32 v19, $0.0e+00;
	v23 =	vadd.s32 $0xE10, v8  }
0xea: {  	s24 =	simm.s32 $0x8C0;
	vm1 =	vlt.s32 v16, $0xF;
	v19 =	vsel vm2, v17, v19;
	v17 =	vadd.s32 v7, v9  }
0xeb: {  	v24 =	vld [tilespmem:s24+$0x0];
	v7 =	vand.u32 $0xFFFF0000, v18;
	v9 =	vadd.f32 $-1.600000000e+01, v19;
	v19 =	vadd.s32 $0x210, v17  }
0xec: {  	v27 =	vadd.s32 $0x610, v6;
	v18 =	vshll.u32 v18, $0x10;
	[tilespmem:s18+$0xA180] =	vst v7;
	v7 =	vsub.f32 v5, v14;
	v14 =	vld.idx.msk [tilespmem:v21+s12+$0x0], $0xffff  }
0xed: {  	v8 =	vadd.s32 $0x1610, v8;
	vm2 =	vmmov vm0;
	[tilespmem:s18+$0x9180] =	vst v18;
	v21 =	vshll.u32 v22, $0x10  }
0xee: {  	s25 =	simm.s32 $0x40;
	vm0 =	vmmov vm1;
	v25 =	vshll.u32 v12, $0x10;
	v23 =	vld.idx.msk [tilespmem:v23+s12+$0x0], $0xffff;
	v22 =	vand.u32 $0xFFFF0000, v22;
	[tilespmem:s20+$0xF180] =	vst v21  }
0xef: {  	s26 =	simm.s32 $0x30;
	s21 =	simm.s32 $0x60;
	v12 =	vand.u32 $0xFFFF0000, v12;
	v18 =	vadd.s32 $0xA10, v6;
	v30 =	vadd.s32 $0x610, v17;
	v21 =	vld [tilespmem:s25+$0x0];
	[tilespmem:s20+$0x10180] =	vst v22  }
0xf0: {  	s19 =	sand.u32 $0x70, s26;
	s21 =	sand.u32 $0xF00, s21;
	v10 =	vnsel vm2, $0xF, v10;
	v9 =	vtrunc.f32 v9;
	v22 =	vsub.f32 v2, v24;
	v19 =	vld.idx.msk [tilespmem:v19+s12+$0x0], $0xffff  }
0xf1: {  	s19 =	sor.u32 s19, s21;
	v7 =	vtrunc.f32 v7;
	v9 =	vcvt.f32.s32 v9;
	v28 =	vshll.u32 v14, $0x10  }
0xf2: {  	v7 =	vcvt.f32.s32 v7;
	v29 =	vadd.f32 $3.200000000e+01, v22;
	v14 =	vand.u32 $0xFFFF0000, v14;
	[tilespmem:s19+$0x5180] =	vst v28  }
0xf3: {  	vm3 =	vlt.s32 v9, $0xF;
	vm1 =	vlt.f32 v22, $0.0e+00;
	[tilespmem:s19+$0x6180] =	vst v14;
	v14 =	vshll.u32 v23, $0x10  }
0xf4: {  	v22 =	vsel vm1, v29, v22;
	[tilespmem:s18+$0xB180] =	vst v14;
	v14 =	vand.u32 $0xFFFF0000, v23;
	v28 =	vsub.f32 v3, v21  }
0xf5: {  	v9 =	vnsel vm3, $0xF, v9;
	v22 =	vadd.f32 $-1.600000000e+01, v22;
	[tilespmem:s18+$0xC180] =	vst v14;
	v14 =	vshll.u32 v19, $0x10  }
0xf6: {  	vm3 =	vmmov vm0;
	v26 =	vld.idx.msk [tilespmem:v26+s12+$0x0], $0xffff;
	v23 =	vtrunc.f32 v28;
	[tilespmem:s20+$0x5200] =	vst v14;
	v14 =	vand.u32 $0xFFFF0000, v19  }
0xf7: {  	v16 =	vnsel vm3, $0xF, v16;
	v19 =	vtrunc.f32 v22;
	v23 =	vcvt.f32.s32 v23;
	[tilespmem:s20+$0x6200] =	vst v14  }
0xf8: {  	vm1 =	vlt.s32 v7, $0xF;
	v22 =	vsub.f32 v4, v24;
	v14 =	vcvt.f32.s32 v19;
	v28 =	vld.idx.msk [tilespmem:v30+s12+$0x0], $0xffff  }
0xf9: {  	v24 =	vld.idx.msk [tilespmem:v27+s12+$0x0], $0xffff;
	v27 =	vadd.s32 $0xA10, v17;
	v19 =	vshll.u32 v10, $0x5;
	vm2 =	vlt.s32 v23, $0xF  }
0xfa: {  	[tilespmem:s17+$0x7180] =	vst v25;
	v29 =	vadd.f32 $3.200000000e+01, v22;
	v10 =	vnsel vm2, $0xF, v23;
	vm2 =	vlt.s32 v14, $0xF  }
0xfb: {  	[tilespmem:s17+$0x8180] =	vst v12;
	v12 =	vshll.u32 v26, $0x10;
	v14 =	vnsel vm2, $0xF, v14;
	v10 =	vshll.u32 v10, $0x5  }
0xfc: {  	v20 =	vld.idx.msk [tilespmem:v20+s12+$0x0], $0xffff;
	vm2 =	vlt.f32 v22, $0.0e+00;
	[tilespmem:s18+$0xD180] =	vst v12;
	v12 =	vand.u32 $0xFFFF0000, v26;
	v10 =	vadd.s32 v10, v14  }
0xfd: {  	v14 =	vsel vm2, v29, v22;
	[tilespmem:s18+$0xE180] =	vst v12;
	v22 =	vadd.s32 $0x210, v10;
	v12 =	vshll.u32 v28, $0x10  }
0xfe: {  	v34 =	vshll.u32 v16, $0x5;
	v21 =	vsub.f32 v5, v21;
	v25 =	vand.u32 $0xFFFF0000, v28;
	v28 =	vld.idx.msk [tilespmem:v8+s12+$0x0], $0xffff;
	[tilespmem:s20+$0x7200] =	vst v12  }
0xff: {  	vm1 =	vmmov vm1;
	v23 =	vshll.u32 v24, $0x10;
	[tilespmem:s20+$0x8200] =	vst v25;
	v25 =	vadd.s32 $0xE10, v13  }
0x100: {  	v24 =	vand.u32 $0xFFFF0000, v24;
	v14 =	vadd.f32 $-1.600000000e+01, v14;
	v8 =	vadd.s32 v19, v11;
	v19 =	vld.idx.msk [tilespmem:v27+s12+$0x0], $0xffff  }
0x101: {  	[tilespmem:s19+$0x7180] =	vst v23;
	v11 =	vtrunc.f32 v21;
	v21 =	vadd.s32 $0x210, v8;
	v27 =	vand.u32 $0xFFFF0000, v20  }
0x102: {  	s28 =	simm.s32 $0x8D0;
	v26 =	vadd.s32 $0xE10, v17;
	v29 =	vadd.s32 $0x1210, v13;
	v20 =	vshll.u32 v20, $0x10;
	[tilespmem:s17+$0xA180] =	vst v27;
	v22 =	vld.idx.msk [tilespmem:v22+s12+$0x0], $0xffff  }
0x103: {  	v30 =	vadd.s32 $0x610, v10;
	v12 =	vtrunc.f32 v14;
	v27 =	vld [tilespmem:s28+$0x0];
	[tilespmem:s17+$0x9180] =	vst v20;
	v20 =	vshll.u32 v28, $0x10  }
0x104: {  	s29 =	simm.s32 $0x50;
	v11 =	vcvt.f32.s32 v11;
	v12 =	vcvt.f32.s32 v12;
	v28 =	vand.u32 $0xFFFF0000, v28;
	v25 =	vld.idx.msk [tilespmem:v25+s12+$0x0], $0xffff;
	[tilespmem:s18+$0xF180] =	vst v20  }
0x105: {  	s30 =	simm.s32 $0x40;
	s22 =	simm.s32 $0x80;
	v23 =	vadd.s32 $0xA10, v8;
	v14 =	vadd.s32 $0xA10, v10;
	v20 =	vld [tilespmem:s29+$0x0];
	[tilespmem:s18+$0x10180] =	vst v28;
	v31 =	vshll.u32 v19, $0x10  }
0x106: {  	s21 =	sand.u32 $0x70, s30;
	s23 =	sand.u32 $0xF00, s22;
	vm0 =	vlt.s32 v11, $0xF;
	vm2 =	vlt.s32 v12, $0xF;
	v19 =	vand.u32 $0xFFFF0000, v19;
	v21 =	vld.idx.msk [tilespmem:v21+s12+$0x0], $0xffff;
	[tilespmem:s20+$0x9200] =	vst v31  }
0x107: {  	s21 =	sor.u32 s21, s23;
	v12 =	vnsel vm2, $0xF, v12;
	v28 =	vadd.s32 $0x610, v8;
	[tilespmem:s20+$0xA200] =	vst v19;
	v32 =	vshll.u32 v22, $0x10  }
0x108: {  	v31 =	vadd.s32 $0x1610, v17;
	v33 =	vsub.f32 v2, v27;
	v22 =	vand.u32 $0xFFFF0000, v22;
	[tilespmem:s21+$0x5180] =	vst v32  }
0x109: {  	v16 =	vsub.f32 v4, v27;
	v19 =	vld.idx.msk [tilespmem:v26+s12+$0x0], $0xffff;
	v26 =	vadd.s32 $0x1210, v17;
	v62 =	vshll.u32 v25, $0x10;
	[tilespmem:s21+$0x6180] =	vst v22  }
0x10a: {  	v17 =	vadd.f32 $3.200000000e+01, v33;
	v27 =	vsub.f32 v3, v20;
	v25 =	vand.u32 $0xFFFF0000, v25;
	[tilespmem:s17+$0xB180] =	vst v62  }
0x10b: {  	vm2 =	vlt.f32 v33, $0.0e+00;
	v22 =	vadd.f32 $3.200000000e+01, v16;
	v63 =	vshll.u32 v21, $0x10;
	[tilespmem:s17+$0xC180] =	vst v25  }
0x10c: {  	v17 =	vsel vm2, v17, v33;
	v30 =	vld.idx.msk [tilespmem:v30+s12+$0x0], $0xffff;
	v21 =	vand.u32 $0xFFFF0000, v21;
	v27 =	vtrunc.f32 v27;
	[tilespmem:s18+$0x5200] =	vst v63  }
0x10d: {  	vm2 =	vlt.f32 v16, $0.0e+00;
	v17 =	vadd.f32 $-1.600000000e+01, v17;
	[tilespmem:s18+$0x6200] =	vst v21;
	v25 =	vcvt.f32.s32 v27;
	v27 =	vld.idx.msk [tilespmem:v29+s12+$0x0], $0xffff  }
0x10e: {  	v16 =	vsel vm2, v22, v16;
	v22 =	vadd.s32 $0x1610, v13;
	v29 =	vshll.u32 v19, $0x10;
	v13 =	vld.idx.msk [tilespmem:v28+s12+$0x0], $0xffff  }
0x10f: {  	vm0 =	vmmov vm0;
	v19 =	vand.u32 $0xFFFF0000, v19;
	v17 =	vtrunc.f32 v17;
	[tilespmem:s20+$0xB200] =	vst v29  }
0x110: {  	v20 =	vsub.f32 v5, v20;
	v28 =	vadd.f32 $-1.600000000e+01, v16;
	[tilespmem:s20+$0xC200] =	vst v19;
	v21 =	vcvt.f32.s32 v17  }
0x111: {  	[tilespmem:s19+$0x8180] =	vst v24;
	v19 =	vadd.s32 $0xE10, v8;
	vm3 =	vlt.s32 v25, $0xF;
	v29 =	vld.idx.msk [tilespmem:v26+s12+$0x0], $0xffff;
	v16 =	vshll.u32 v30, $0x10  }
0x112: {  	v25 =	vnsel vm3, $0xF, v25;
	vm2 =	vlt.s32 v21, $0xF;
	[tilespmem:s21+$0x7180] =	vst v16;
	v24 =	vshll.u32 v27, $0x10  }
0x113: {  	v16 =	vnsel vm2, $0xF, v21;
	v21 =	vshll.u32 v25, $0x5;
	v26 =	vand.u32 $0xFFFF0000, v13;
	[tilespmem:s17+$0xD180] =	vst v24  }
0x114: {  	v16 =	vadd.s32 v21, v16;
	v21 =	vtrunc.f32 v28;
	v28 =	vld.idx.msk [tilespmem:v18+s12+$0x0], $0xffff;
	v18 =	vand.u32 $0xFFFF0000, v27;
	[tilespmem:s18+$0x8200] =	vst v26  }
0x115: {  	v17 =	vand.u32 $0xFFFF0000, v30;
	v24 =	vshll.u32 v13, $0x10;
	v27 =	vadd.s32 $0x210, v16;
	[tilespmem:s17+$0xE180] =	vst v18  }
0x116: {  	v13 =	vadd.s32 v34, v15;
	v15 =	vtrunc.f32 v20;
	[tilespmem:s18+$0x7200] =	vst v24;
	v30 =	vshll.u32 v29, $0x10;
	v25 =	vld.idx.msk [tilespmem:v22+s12+$0x0], $0xffff  }
0x117: {  	v26 =	vadd.s32 $0xE10, v6;
	v21 =	vcvt.f32.s32 v21;
	v24 =	vld.idx.msk [tilespmem:v23+s12+$0x0], $0xffff;
	v23 =	vand.u32 $0xFFFF0000, v29;
	[tilespmem:s20+$0xD200] =	vst v30  }
0x118: {  	vm2 =	vmmov vm1;
	v18 =	vadd.s32 $0xA10, v16;
	v20 =	vcvt.f32.s32 v15;
	[tilespmem:s20+$0xE200] =	vst v23  }
0x119: {  	s23 =	simm.s32 $0x50;
	v22 =	vadd.s32 $0x210, v13;
	vm1 =	vlt.s32 v21, $0xF;
	v23 =	vld.idx.msk [tilespmem:v31+s12+$0x0], $0xffff;
	v29 =	vand.u32 $0xFFFF0000, v28  }
0x11a: {  	s26 =	simm.s32 $0x60;
	s24 =	sand.u32 $0x70, s23;
	s25 =	simm.s32 $0x8E0;
	v15 =	vnsel vm1, $0xF, v21;
	vm1 =	vlt.s32 v20, $0xF;
	v28 =	vshll.u32 v28, $0x10;
	v27 =	vld.idx.msk [tilespmem:v27+s12+$0x0], $0xffff;
	[tilespmem:s19+$0xA180] =	vst v29  }
.LBB2_9:
0x11b: {  	s23 =	sadd.s32 $0x10, s23;
	v29 =	vld [tilespmem:s25+$0x0];
	[tilespmem:s19+$0x9180] =	vst v28;
	v21 =	vshll.u32 v25, $0x10;
	v25 =	vand.u32 $0xFFFF0000, v25  }
0x11c: {  	v28 =	vadd.s32 $0x1210, v6;
	s28 =	sand.u32 $0x70, s23;
	p1 =	slt.u32 s23, $0x7F0;
	v26 =	vld.idx.msk [tilespmem:v26+s12+$0x0], $0xffff;
	[tilespmem:s17+$0xF180] =	vst v21  }
0x11d: {  	v31 =	vadd.s32 $0x610, v16;
	s22 =	sadd.s32 $0x20, s22;
	v21 =	vshll.u32 v24, $0x10;
	v24 =	vand.u32 $0xFFFF0000, v24;
	v30 =	vld [tilespmem:s26+$0x0];
	[tilespmem:s17+$0x10180] =	vst v25  }
0x11e: {  	v32 =	vadd.s32 $0x610, v13;
	s29 =	sand.u32 $0xF00, s22;
	v25 =	vnsel vm2, $0xF, v7;
	v7 =	vmovc v11;
	v11 =	vmovc v20;
	v22 =	vld.idx.msk [tilespmem:v22+s12+$0x0], $0xffff;
	[tilespmem:s18+$0x9200] =	vst v21;
	v21 =	vadd.s32 $0x1610, v8  }
0x11f: {  	s29 =	sor.u32 s24, s29;
	s24 =	smov.u32 s28;
	v20 =	vshll.u32 v27, $0x10;
	v27 =	vand.u32 $0xFFFF0000, v27;
	v33 =	vshll.u32 v25, $0x5;
	[tilespmem:s18+$0xA200] =	vst v24  }
0x120: {  	v24 =	vsub.f32 v2, v29;
	[tilespmem:s29+$0x5180] =	vst v20;
	v19 =	vld.idx.msk [tilespmem:v19+s12+$0x0], $0xffff;
	v20 =	vshll.u32 v23, $0x10;
	v23 =	vand.u32 $0xFFFF0000, v23  }
0x121: {  	v34 =	vadd.s32 $0x1210, v8;
	v8 =	vmovc v13;
	v25 =	vsub.f32 v4, v29;
	v29 =	vadd.s32 $0xA10, v13;
	[tilespmem:s20+$0xF200] =	vst v20  }
0x122: {  	v13 =	vsub.f32 v3, v30;
	v20 =	vadd.f32 $3.200000000e+01, v24;
	[tilespmem:s29+$0x6180] =	vst v27;
	v27 =	vshll.u32 v26, $0x10  }
0x123: {  	vm2 =	vlt.f32 v24, $0.0e+00;
	v35 =	vadd.f32 $3.200000000e+01, v25;
	v26 =	vand.u32 $0xFFFF0000, v26;
	v31 =	vld.idx.msk [tilespmem:v31+s12+$0x0], $0xffff;
	[tilespmem:s19+$0xB180] =	vst v27  }
0x124: {  	v13 =	vtrunc.f32 v13;
	v20 =	vsel vm2, v20, v24;
	[tilespmem:s19+$0xC180] =	vst v26;
	v24 =	vshll.u32 v22, $0x10  }
0x125: {  	v22 =	vand.u32 $0xFFFF0000, v22;
	v13 =	vcvt.f32.s32 v13;
	v20 =	vadd.f32 $-1.600000000e+01, v20;
	v26 =	vld.idx.msk [tilespmem:v28+s12+$0x0], $0xffff;
	[tilespmem:s17+$0x5200] =	vst v24  }
0x126: {  	vm2 =	vlt.f32 v25, $0.0e+00;
	[tilespmem:s17+$0x6200] =	vst v22;
	v22 =	vshll.u32 v19, $0x10;
	v19 =	vand.u32 $0xFFFF0000, v19  }
0x127: {  	v24 =	vadd.s32 $0x1610, v6;
	v6 =	vmovc v10;
	v10 =	vmovc v16;
	vm3 =	vlt.s32 v13, $0xF;
	v20 =	vtrunc.f32 v20;
	v27 =	vld.idx.msk [tilespmem:v32+s12+$0x0], $0xffff;
	[tilespmem:s20+$0x10200] =	vst v23;
	s20 =	smov.u32 s18;
	s18 =	smov.u32 s17;
	s17 =	smov.u32 s19  }
0x128: {  	s19 =	smov.u32 s21;
	s21 =	smov.u32 s29;
	v13 =	vnsel vm3, $0xF, v13;
	v16 =	vcvt.f32.s32 v20;
	v20 =	vsel vm2, v35, v25;
	[tilespmem:s20+$0xB200] =	vst v22  }
0x129: {  	v22 =	vshll.u32 v31, $0x10;
	v23 =	vand.u32 $0xFFFF0000, v31;
	v20 =	vadd.f32 $-1.600000000e+01, v20;
	[tilespmem:s20+$0xC200] =	vst v19  }
0x12a: {  	v28 =	vsub.f32 v5, v30;
	v19 =	vadd.s32 $0xE10, v8;
	vm2 =	vlt.s32 v16, $0xF;
	[tilespmem:s21+$0x7180] =	vst v22;
	v30 =	vld.idx.msk [tilespmem:v34+s12+$0x0], $0xffff  }
0x12b: {  	v13 =	vshll.u32 v13, $0x5;
	v22 =	vshll.u32 v26, $0x10;
	v16 =	vnsel vm2, $0xF, v16;
	[tilespmem:s19+$0x8180] =	vst v17;
	v17 =	vmovc v23  }
0x12c: {  	v16 =	vadd.s32 v13, v16;
	v13 =	vtrunc.f32 v20;
	v23 =	vld.idx.msk [tilespmem:v14+s12+$0x0], $0xffff;
	[tilespmem:s17+$0xD180] =	vst v22;
	v20 =	vand.u32 $0xFFFF0000, v26;
	v14 =	vmovc v18  }
0x12d: {  	v26 =	vand.u32 $0xFFFF0000, v27;
	v31 =	vadd.s32 $0x210, v16;
	[tilespmem:s17+$0xE180] =	vst v20;
	v20 =	vshll.u32 v27, $0x10  }
0x12e: {  	v18 =	vadd.s32 $0xA10, v16;
	v32 =	vcvt.f32.s32 v13;
	v13 =	vadd.s32 v33, v9;
	v9 =	vmovc v12;
	v25 =	vld.idx.msk [tilespmem:v24+s12+$0x0], $0xffff;
	[tilespmem:s18+$0x7200] =	vst v20  }
.Ltmp3:
0x12f: {  	vm2 =	vmmov vm0;
	v12 =	vmovc v15;
	v20 =	vtrunc.f32 v28;
	v22 =	vadd.s32 $0x210, v13;
	[tilespmem:s18+$0x8200] =	vst v26;
	(pc) =	sbr.rel @p1 .LBB2_9-.Ltmp3, $4  }
0x130: {  	v26 =	vadd.s32 $0xE10, v6;
	v15 =	vshll.u32 v30, $0x10;
	v28 =	vand.u32 $0xFFFF0000, v30;
	v24 =	vld.idx.msk [tilespmem:v29+s12+$0x0], $0xffff  }
0x131: {  	vm0 =	vmmov vm1;
	v20 =	vcvt.f32.s32 v20;
	vm3 =	vlt.s32 v32, $0xF;
	[tilespmem:s20+$0xD200] =	vst v15  }
0x132: {  	v15 =	vnsel vm3, $0xF, v32;
	v29 =	vand.u32 $0xFFFF0000, v23;
	v27 =	vld.idx.msk [tilespmem:v31+s12+$0x0], $0xffff;
	[tilespmem:s20+$0xE200] =	vst v28  }
0x133: {  	s25 =	sadd.s32 $0x10, s25;
	s26 =	sadd.s32 $0x10, s26;
	vm1 =	vlt.s32 v20, $0xF;
	v28 =	vshll.u32 v23, $0x10;
	[tilespmem:s19+$0xA180] =	vst v29;
	v23 =	vld.idx.msk [tilespmem:v21+s12+$0x0], $0xffff  }
0x134: {  	_ = 	snop  }
0x135: {  	v2 =	vadd.s32 $0x610, v16;
	s22 =	sadd.s32 $0x20, s22  }
0x136: {  	s22 =	sand.u32 $0xF00, s22  }
0x137: {  	s22 =	sor.u32 s24, s22;
	v3 =	vshll.u32 v27, $0x10  }
0x138: {  	v4 =	vand.u32 $0xFFFF0000, v27;
	[tilespmem:s22+$0x5180] =	vst v3  }
0x139: {  	[tilespmem:s22+$0x6180] =	vst v4  }
0x13a: {  	v2 =	vld.idx.msk [tilespmem:v2+s12+$0x0], $0xffff;
	_ =	sdelay $0x1  }
0x13b: {  	[tilespmem:s19+$0x9180] =	vst v28  }
0x13c: {  	[tilespmem:s21+$0x8180] =	vst v17;
	v3 =	vshll.u32 v25, $0x10  }
0x13d: {  	v4 =	vand.u32 $0xFFFF0000, v25;
	[tilespmem:s17+$0xF180] =	vst v3  }
0x13e: {  	[tilespmem:s17+$0x10180] =	vst v4;
	v3 =	vld.idx.msk [tilespmem:v26+s12+$0x0], $0xffff;
	v4 =	vshll.u32 v2, $0x10  }
0x13f: {  	v2 =	vand.u32 $0xFFFF0000, v2;
	[tilespmem:s22+$0x7180] =	vst v4;
	v4 =	vld.idx.msk [tilespmem:v14+s12+$0x0], $0xffff  }
0x140: {  	v5 =	vshll.u32 v24, $0x10;
	[tilespmem:s22+$0x8180] =	vst v2  }
0x141: {  	[tilespmem:s18+$0x9200] =	vst v5;
	v2 =	vand.u32 $0xFFFF0000, v24;
	v5 =	vld.idx.msk [tilespmem:v18+s12+$0x0], $0xffff  }
0x142: {  	v14 =	vadd.s32 $0xE10, v10;
	[tilespmem:s18+$0xA200] =	vst v2;
	v2 =	vshll.u32 v23, $0x10  }
0x143: {  	[tilespmem:s20+$0xF200] =	vst v2;
	v2 =	vshll.u32 v3, $0x10  }
0x144: {  	v17 =	vld.idx.msk [tilespmem:v22+s12+$0x0], $0xffff;
	v18 =	vadd.s32 $0xE10, v16;
	[tilespmem:s19+$0xB180] =	vst v2;
	v2 =	vand.u32 $0xFFFF0000, v4  }
0x145: {  	v4 =	vshll.u32 v4, $0x10;
	[tilespmem:s21+$0xA180] =	vst v2  }
0x146: {  	[tilespmem:s21+$0x9180] =	vst v4;
	v2 =	vand.u32 $0xFFFF0000, v5  }
0x147: {  	v5 =	vshll.u32 v5, $0x10;
	v4 =	vld.idx.msk [tilespmem:v14+s12+$0x0], $0xffff;
	[tilespmem:s22+$0xA180] =	vst v2  }
0x148: {  	v3 =	vand.u32 $0xFFFF0000, v3;
	v2 =	vadd.s32 $0x1210, v6;
	[tilespmem:s22+$0x9180] =	vst v5  }
0x149: {  	[tilespmem:s19+$0xC180] =	vst v3;
	v3 =	vshll.u32 v17, $0x10;
	v5 =	vld.idx.msk [tilespmem:v18+s12+$0x0], $0xffff  }
0x14a: {  	[tilespmem:s17+$0x5200] =	vst v3;
	v3 =	vand.u32 $0xFFFF0000, v17;
	v14 =	vadd.s32 $0x1210, v10  }
0x14b: {  	[tilespmem:s17+$0x6200] =	vst v3;
	v18 =	vld.idx.msk [tilespmem:v19+s12+$0x0], $0xffff;
	v19 =	vand.u32 $0xFFFF0000, v23  }
0x14c: {  	[tilespmem:s20+$0x10200] =	vst v19;
	v19 =	vadd.s32 $0x1210, v16;
	v3 =	vshll.u32 v4, $0x10  }
0x14d: {  	v17 =	vadd.s32 $0x610, v13;
	v2 =	vld.idx.msk [tilespmem:v2+s12+$0x0], $0xffff;
	[tilespmem:s21+$0xB180] =	vst v3;
	v3 =	vand.u32 $0xFFFF0000, v4  }
0x14e: {  	[tilespmem:s21+$0xC180] =	vst v3;
	v3 =	vshll.u32 v5, $0x10  }
0x14f: {  	v4 =	vld.idx.msk [tilespmem:v14+s12+$0x0], $0xffff;
	[tilespmem:s22+$0xB180] =	vst v3;
	v3 =	vand.u32 $0xFFFF0000, v5  }
0x150: {  	v6 =	vadd.s32 $0x1610, v6;
	v5 =	vshll.u32 v18, $0x10;
	[tilespmem:s22+$0xC180] =	vst v3  }
0x151: {  	v3 =	vand.u32 $0xFFFF0000, v18;
	[tilespmem:s18+$0xB200] =	vst v5;
	v5 =	vld.idx.msk [tilespmem:v19+s12+$0x0], $0xffff  }
0x152: {  	v10 =	vadd.s32 $0x1610, v10;
	v14 =	vld.idx.msk [tilespmem:v17+s12+$0x0], $0xffff;
	[tilespmem:s18+$0xC200] =	vst v3;
	v3 =	vshll.u32 v2, $0x10  }
0x153: {  	v7 =	vnsel vm2, $0xF, v7;
	v2 =	vand.u32 $0xFFFF0000, v2;
	[tilespmem:s19+$0xD180] =	vst v3  }
0x154: {  	v3 =	vshll.u32 v7, $0x5;
	[tilespmem:s19+$0xE180] =	vst v2;
	v7 =	vadd.s32 $0x1610, v16;
	v2 =	vshll.u32 v4, $0x10  }
0x155: {  	vm0 =	vmmov vm0;
	vm1 =	vmmov vm1;
	v6 =	vld.idx.msk [tilespmem:v6+s12+$0x0], $0xffff;
	v4 =	vand.u32 $0xFFFF0000, v4;
	[tilespmem:s21+$0xD180] =	vst v2  }
0x156: {  	v16 =	vadd.s32 $0x1210, v8;
	v2 =	vadd.s32 v3, v9;
	[tilespmem:s21+$0xE180] =	vst v4;
	v3 =	vshll.u32 v5, $0x10  }
0x157: {  	v17 =	vshll.u32 v14, $0x10;
	v4 =	vnsel vm0, $0xF, v11;
	v9 =	vld.idx.msk [tilespmem:v10+s12+$0x0], $0xffff;
	[tilespmem:s22+$0xD180] =	vst v3;
	v3 =	vand.u32 $0xFFFF0000, v5  }
0x158: {  	vm0 =	vmmov vm1;
	v4 =	vshll.u32 v4, $0x5;
	v5 =	vadd.s32 $0x210, v2;
	[tilespmem:s22+$0xE180] =	vst v3  }
0x159: {  	[tilespmem:s17+$0x7200] =	vst v17;
	v10 =	vnsel vm0, $0xF, v20;
	v4 =	vadd.s32 v4, v12;
	v3 =	vand.u32 $0xFFFF0000, v14;
	v7 =	vld.idx.msk [tilespmem:v7+s12+$0x0], $0xffff  }
0x15a: {  	v10 =	vshll.u32 v10, $0x5;
	v11 =	vadd.s32 $0x210, v4;
	[tilespmem:s17+$0x8200] =	vst v3;
	v3 =	vshll.u32 v6, $0x10  }
0x15b: {  	v12 =	vld.idx.msk [tilespmem:v16+s12+$0x0], $0xffff;
	v6 =	vand.u32 $0xFFFF0000, v6;
	[tilespmem:s19+$0xF180] =	vst v3;
	v3 =	vadd.s32 v10, v15  }
0x15c: {  	[tilespmem:s19+$0x10180] =	vst v6;
	v6 =	vshll.u32 v9, $0x10;
	v10 =	vadd.s32 $0x210, v3  }
0x15d: {  	v9 =	vand.u32 $0xFFFF0000, v9;
	v5 =	vld.idx.msk [tilespmem:v5+s12+$0x0], $0xffff;
	[tilespmem:s21+$0xF180] =	vst v6  }
0x15e: {  	v6 =	vadd.s32 $0xA10, v13;
	[tilespmem:s21+$0x10180] =	vst v9;
	v9 =	vshll.u32 v7, $0x10  }
0x15f: {  	v11 =	vld.idx.msk [tilespmem:v11+s12+$0x0], $0xffff;
	v7 =	vand.u32 $0xFFFF0000, v7;
	[tilespmem:s22+$0xF180] =	vst v9  }
0x160: {  	v14 =	vadd.s32 $0x610, v2;
	v9 =	vshll.u32 v12, $0x10;
	[tilespmem:s22+$0x10180] =	vst v7  }
0x161: {  	v7 =	vand.u32 $0xFFFF0000, v12;
	[tilespmem:s18+$0xD200] =	vst v9;
	v9 =	vld.idx.msk [tilespmem:v10+s12+$0x0], $0xffff  }
0x162: {  	[tilespmem:s18+$0xE200] =	vst v7;
	v10 =	vadd.s32 $0x610, v4;
	v7 =	vshll.u32 v5, $0x10  }
0x163: {  	v6 =	vld.idx.msk [tilespmem:v6+s12+$0x0], $0xffff;
	v5 =	vand.u32 $0xFFFF0000, v5;
	[tilespmem:s19+$0x5200] =	vst v7  }
0x164: {  	[tilespmem:s19+$0x6200] =	vst v5;
	v5 =	vshll.u32 v11, $0x10;
	v7 =	vadd.s32 $0x610, v3  }
0x165: {  	v12 =	vld.idx.msk [tilespmem:v14+s12+$0x0], $0xffff;
	[tilespmem:s21+$0x5200] =	vst v5;
	v5 =	vand.u32 $0xFFFF0000, v11  }
0x166: {  	v8 =	vadd.s32 $0x1610, v8;
	[tilespmem:s21+$0x6200] =	vst v5;
	v5 =	vshll.u32 v9, $0x10  }
0x167: {  	v10 =	vld.idx.msk [tilespmem:v10+s12+$0x0], $0xffff;
	[tilespmem:s22+$0x5200] =	vst v5;
	v5 =	vand.u32 $0xFFFF0000, v9  }
0x168: {  	v11 =	vadd.s32 $0xA10, v2;
	v9 =	vshll.u32 v6, $0x10;
	[tilespmem:s22+$0x6200] =	vst v5  }
0x169: {  	v5 =	vand.u32 $0xFFFF0000, v6;
	[tilespmem:s17+$0x9200] =	vst v9;
	v6 =	vld.idx.msk [tilespmem:v7+s12+$0x0], $0xffff  }
0x16a: {  	[tilespmem:s17+$0xA200] =	vst v5;
	v5 =	vshll.u32 v12, $0x10;
	v7 =	vadd.s32 $0xA10, v4  }
0x16b: {  	v8 =	vld.idx.msk [tilespmem:v8+s12+$0x0], $0xffff;
	v9 =	vand.u32 $0xFFFF0000, v12;
	[tilespmem:s19+$0x7200] =	vst v5  }
0x16c: {  	[tilespmem:s19+$0x8200] =	vst v9;
	v9 =	vadd.s32 $0xA10, v3;
	v5 =	vshll.u32 v10, $0x10  }
0x16d: {  	v11 =	vld.idx.msk [tilespmem:v11+s12+$0x0], $0xffff;
	v10 =	vand.u32 $0xFFFF0000, v10;
	[tilespmem:s21+$0x7200] =	vst v5  }
0x16e: {  	v5 =	vadd.s32 $0xE10, v13;
	[tilespmem:s21+$0x8200] =	vst v10;
	v10 =	vshll.u32 v6, $0x10  }
0x16f: {  	v7 =	vld.idx.msk [tilespmem:v7+s12+$0x0], $0xffff;
	v6 =	vand.u32 $0xFFFF0000, v6;
	[tilespmem:s22+$0x7200] =	vst v10  }
0x170: {  	v12 =	vadd.s32 $0xE10, v2;
	v10 =	vshll.u32 v8, $0x10;
	[tilespmem:s22+$0x8200] =	vst v6  }
0x171: {  	v6 =	vand.u32 $0xFFFF0000, v8;
	[tilespmem:s18+$0xF200] =	vst v10;
	v8 =	vld.idx.msk [tilespmem:v9+s12+$0x0], $0xffff  }
0x172: {  	[tilespmem:s18+$0x10200] =	vst v6;
	v6 =	vshll.u32 v11, $0x10;
	v9 =	vadd.s32 $0xE10, v4  }
0x173: {  	v10 =	vand.u32 $0xFFFF0000, v11;
	v5 =	vld.idx.msk [tilespmem:v5+s12+$0x0], $0xffff;
	[tilespmem:s19+$0x9200] =	vst v6  }
0x174: {  	[tilespmem:s19+$0xA200] =	vst v10;
	v10 =	vadd.s32 $0xE10, v3;
	v6 =	vshll.u32 v7, $0x10  }
0x175: {  	v11 =	vld.idx.msk [tilespmem:v12+s12+$0x0], $0xffff;
	v7 =	vand.u32 $0xFFFF0000, v7;
	[tilespmem:s21+$0x9200] =	vst v6  }
0x176: {  	v6 =	vadd.s32 $0x1210, v13;
	[tilespmem:s21+$0xA200] =	vst v7;
	v7 =	vshll.u32 v8, $0x10  }
0x177: {  	v9 =	vld.idx.msk [tilespmem:v9+s12+$0x0], $0xffff;
	v8 =	vand.u32 $0xFFFF0000, v8;
	[tilespmem:s22+$0x9200] =	vst v7  }
0x178: {  	v12 =	vadd.s32 $0x1210, v2;
	v7 =	vshll.u32 v5, $0x10;
	[tilespmem:s22+$0xA200] =	vst v8  }
0x179: {  	v5 =	vand.u32 $0xFFFF0000, v5;
	[tilespmem:s17+$0xB200] =	vst v7;
	v7 =	vld.idx.msk [tilespmem:v10+s12+$0x0], $0xffff  }
0x17a: {  	v8 =	vadd.s32 $0x1210, v4;
	[tilespmem:s17+$0xC200] =	vst v5;
	v5 =	vshll.u32 v11, $0x10  }
0x17b: {  	v10 =	vand.u32 $0xFFFF0000, v11;
	[tilespmem:s19+$0xB200] =	vst v5;
	v6 =	vld.idx.msk [tilespmem:v6+s12+$0x0], $0xffff  }
0x17c: {  	[tilespmem:s19+$0xC200] =	vst v10;
	v10 =	vadd.s32 $0x1210, v3;
	v5 =	vshll.u32 v9, $0x10  }
0x17d: {  	v11 =	vld.idx.msk [tilespmem:v12+s12+$0x0], $0xffff;
	v9 =	vand.u32 $0xFFFF0000, v9;
	[tilespmem:s21+$0xB200] =	vst v5  }
0x17e: {  	v5 =	vadd.s32 $0x1610, v13;
	[tilespmem:s21+$0xC200] =	vst v9;
	v9 =	vshll.u32 v7, $0x10  }
0x17f: {  	v8 =	vld.idx.msk [tilespmem:v8+s12+$0x0], $0xffff;
	v7 =	vand.u32 $0xFFFF0000, v7;
	[tilespmem:s22+$0xB200] =	vst v9  }
0x180: {  	v2 =	vadd.s32 $0x1610, v2;
	[tilespmem:s22+$0xC200] =	vst v7;
	v9 =	vshll.u32 v6, $0x10  }
0x181: {  	v6 =	vand.u32 $0xFFFF0000, v6;
	v7 =	vld.idx.msk [tilespmem:v10+s12+$0x0], $0xffff;
	[tilespmem:s17+$0xD200] =	vst v9  }
0x182: {  	v4 =	vadd.s32 $0x1610, v4;
	[tilespmem:s17+$0xE200] =	vst v6;
	v6 =	vshll.u32 v11, $0x10  }
0x183: {  	v9 =	vand.u32 $0xFFFF0000, v11;
	v5 =	vld.idx.msk [tilespmem:v5+s12+$0x0], $0xffff;
	[tilespmem:s19+$0xD200] =	vst v6  }
0x184: {  	v3 =	vadd.s32 $0x1610, v3;
	[tilespmem:s19+$0xE200] =	vst v9;
	v6 =	vshll.u32 v8, $0x10  }
0x185: {  	v2 =	vld.idx.msk [tilespmem:v2+s12+$0x0], $0xffff;
	v8 =	vand.u32 $0xFFFF0000, v8;
	[tilespmem:s21+$0xD200] =	vst v6  }
0x186: {  	[tilespmem:s21+$0xE200] =	vst v8;
	v6 =	vshll.u32 v7, $0x10  }
0x187: {  	v4 =	vld.idx.msk [tilespmem:v4+s12+$0x0], $0xffff;
	v7 =	vand.u32 $0xFFFF0000, v7;
	[tilespmem:s22+$0xD200] =	vst v6  }
0x188: {  	[tilespmem:s22+$0xE200] =	vst v7;
	v6 =	vshll.u32 v5, $0x10  }
0x189: {  	v5 =	vand.u32 $0xFFFF0000, v5;
	v3 =	vld.idx.msk [tilespmem:v3+s12+$0x0], $0xffff;
	[tilespmem:s17+$0xF200] =	vst v6  }
0x18a: {  	[tilespmem:s17+$0x10200] =	vst v5;
	v5 =	vshll.u32 v2, $0x10  }
0x18b: {  	v2 =	vand.u32 $0xFFFF0000, v2;
	[tilespmem:s19+$0xF200] =	vst v5  }
0x18c: {  	[tilespmem:s19+$0x10200] =	vst v2;
	v2 =	vshll.u32 v4, $0x10  }
0x18d: {  	s19 =	sshll.u32 s15, $0x6;
	v4 =	vand.u32 $0xFFFF0000, v4;
	[tilespmem:s21+$0xF200] =	vst v2  }
0x18e: {  	s20 =	sshll.u32 s16, $0x8;
	[tilespmem:s21+$0x10200] =	vst v4;
	s21 =	sand.u32 $0x40, s19;
	v2 =	vshll.u32 v3, $0x10  }
0x18f: {  	s17 =	sand.u32 $0x7F800, s20;
	v3 =	vand.u32 $0xFFFF0000, v3;
	s23 =	sadd.s32 s1, s21;
	[tilespmem:s22+$0xF200] =	vst v2  }
0x190: {  	s24 =	simm.s32 $0x5180;
	[tilespmem:s22+$0x10200] =	vst v3;
	s18 =	sadd.s32 s17, s23  }
0x191: {  	[hbm4b:s18+s13] =	stream.strided.scatter [tilespmem:s24], [sflag:$0x1], $0x1000, s14, s13, $0x38;
	[tilespmem:$0x1D180] =	vst v63  }
0x192: {  	s26 =	simm.s32 $0x6180;
	s25 =	sadd.s32 $0x80000, s18  }
0x193: {  	[hbm4b:s25+s13] =	stream.strided.scatter [tilespmem:s26], [sflag:$0x1], $0x1000, s14, s13, $0x38;
	[tilespmem:$0x1D180] =	vst v63  }
0x194: {  	s30 =	simm.s32 $0x7180;
	s29 =	sadd.s32 $0x100000, s18  }
0x195: {  	[hbm4b:s29+s13] =	stream.strided.scatter [tilespmem:s30], [sflag:$0x1], $0x1000, s14, s13, $0x38;
	[tilespmem:$0x1D180] =	vst v63  }
0x196: {  	s22 =	simm.s32 $0x8180;
	s21 =	sadd.s32 $0x180000, s18  }
0x197: {  	[hbm4b:s21+s13] =	stream.strided.scatter [tilespmem:s22], [sflag:$0x1], $0x1000, s14, s13, $0x38;
	[tilespmem:$0x1D180] =	vst v63  }
0x198: {  	s23 =	sadd.s32 $0x200000, s18;
	s24 =	simm.s32 $0x9180  }
0x199: {  	[hbm4b:s23+s13] =	stream.strided.scatter [tilespmem:s24], [sflag:$0x1], $0x1000, s14, s13, $0x38;
	[tilespmem:$0x1D180] =	vst v63  }
0x19a: {  	s25 =	sadd.s32 $0x280000, s18;
	s26 =	simm.s32 $0xA180  }
0x19b: {  	[hbm4b:s25+s13] =	stream.strided.scatter [tilespmem:s26], [sflag:$0x1], $0x1000, s14, s13, $0x38;
	[tilespmem:$0x1D180] =	vst v63  }
0x19c: {  	s29 =	sadd.s32 $0x300000, s18;
	s30 =	simm.s32 $0xB180  }
0x19d: {  	[hbm4b:s29+s13] =	stream.strided.scatter [tilespmem:s30], [sflag:$0x1], $0x1000, s14, s13, $0x38;
	[tilespmem:$0x1D180] =	vst v63  }
0x19e: {  	s21 =	sadd.s32 $0x380000, s18;
	s22 =	simm.s32 $0xC180  }
0x19f: {  	[hbm4b:s21+s13] =	stream.strided.scatter [tilespmem:s22], [sflag:$0x1], $0x1000, s14, s13, $0x38;
	[tilespmem:$0x1D180] =	vst v63  }
0x1a0: {  	s23 =	sadd.s32 $0x400000, s18;
	s24 =	simm.s32 $0xD180  }
0x1a1: {  	[hbm4b:s23+s13] =	stream.strided.scatter [tilespmem:s24], [sflag:$0x1], $0x1000, s14, s13, $0x38;
	[tilespmem:$0x1D180] =	vst v63  }
0x1a2: {  	s25 =	sadd.s32 $0x480000, s18;
	s26 =	simm.s32 $0xE180  }
0x1a3: {  	[hbm4b:s25+s13] =	stream.strided.scatter [tilespmem:s26], [sflag:$0x1], $0x1000, s14, s13, $0x38;
	[tilespmem:$0x1D180] =	vst v63  }
0x1a4: {  	s29 =	sadd.s32 $0x500000, s18;
	s30 =	simm.s32 $0xF180  }
0x1a5: {  	[hbm4b:s29+s13] =	stream.strided.scatter [tilespmem:s30], [sflag:$0x1], $0x1000, s14, s13, $0x38;
	[tilespmem:$0x1D180] =	vst v63  }
0x1a6: {  	s18 =	sadd.s32 $0x580000, s18;
	s21 =	simm.s32 $0x10180  }
0x1a7: {  	[hbm4b:s18+s13] =	stream.strided.scatter [tilespmem:s21], [sflag:$0x1], $0x1000, s14, s13, $0x38;
	[tilespmem:$0x1D180] =	vst v63  }
0x1a8: {  	s18 =	simm.s32 @!p0 $0x2  }
0x1a9: {  	_ =	swait.ge @!p0 [sflag:s18], $0xC000  }
0x1aa: {  	[sflag:s18] =	ssyncset.done @!p0 $0x0  }
0x1ab: {  	[sflag:s18] =	ssyncadd.s32 @!p0 $0xFFFF4000  }
0x1ac: {  	s22 =	simm.s32 $0x880;
	v2 =	vld.msk [tilespmem:s16+$0x1102 ss:$0x0], $0xffff  }
0x1ad: {  	v5 =	vld [tilespmem:s22+$0x0];
	_ =	sdelay $0x1  }
0x1ae: {  	s18 =	sor.u32 $0x2, s16  }
0x1af: {  	s23 =	simm.s32 $0x0;
	v3 =	vld.msk [tilespmem:s18+$0x0 ss:$0x0], $0xffff  }
0x1b0: {  	v7 =	vld [tilespmem:s23+$0x0]  }
0x1b1: {  	v4 =	vsub.f32 v2, v5;
	_ =	sdelay $0x1  }
0x1b2: {  	v6 =	vadd.f32 $3.200000000e+01, v4  }
0x1b3: {  	vm0 =	vlt.f32 v4, $0.0e+00  }
0x1b4: {  	v8 =	vsub.f32 v3, v7;
	v4 =	vsel vm0, v6, v4  }
0x1b5: {  	v4 =	vadd.f32 $-1.600000000e+01, v4  }
0x1b6: {  	v6 =	vtrunc.f32 v8  }
0x1b7: {  	v6 =	vcvt.f32.s32 v6;
	v4 =	vtrunc.f32 v4  }
0x1b8: {  	s24 =	simm.s32 $0x890;
	v4 =	vcvt.f32.s32 v4  }
0x1b9: {  	v8 =	vld [tilespmem:s24+$0x0];
	vm0 =	vlt.s32 v6, $0xF  }
0x1ba: {  	v6 =	vnsel vm0, $0xF, v6;
	vm0 =	vlt.s32 v4, $0xF  }
0x1bb: {  	s25 =	simm.s32 $0x10;
	v6 =	vshll.u32 v6, $0x5;
	v9 =	vnsel vm0, $0xF, v4  }
0x1bc: {  	v10 =	vld [tilespmem:s25+$0x0];
	v6 =	vadd.s32 v6, v9  }
0x1bd: {  	v4 =	vld.msk [tilespmem:s16+$0x1103 ss:$0x0], $0xffff;
	v9 =	vadd.s32 $0x210, v6  }
0x1be: {  	v11 =	vsub.f32 v2, v8;
	_ =	sdelay $0x1  }
0x1bf: {  	v12 =	vadd.f32 $3.200000000e+01, v11  }
0x1c0: {  	vm0 =	vlt.f32 v11, $0.0e+00  }
0x1c1: {  	v11 =	vsel vm0, v12, v11;
	v13 =	vsub.f32 v4, v5;
	v5 =	vsub.f32 v3, v10;
	v9 =	vld.idx.msk [tilespmem:v9+s12+$0x0], $0xffff  }
0x1c2: {  	v11 =	vadd.f32 $-1.600000000e+01, v11  }
0x1c3: {  	v14 =	vadd.s32 $0x610, v6;
	v5 =	vtrunc.f32 v5  }
0x1c4: {  	s29 =	simm.s32 $0x0;
	v11 =	vtrunc.f32 v11;
	v12 =	vadd.f32 $3.200000000e+01, v13;
	v15 =	vcvt.f32.s32 v5  }
0x1c5: {  	s19 =	sand.u32 $0xF00, s23;
	s26 =	sor.u32 $0x3, s16;
	s30 =	sand.u32 $0x70, s29;
	v11 =	vcvt.f32.s32 v11;
	vm0 =	vlt.f32 v13, $0.0e+00  }
0x1c6: {  	s21 =	sor.u32 s30, s19;
	s19 =	simm.s32 $0x8A0;
	v5 =	vld.msk [tilespmem:s26+$0x0 ss:$0x0], $0xffff;
	v12 =	vsel vm0, v12, v13;
	vm0 =	vlt.s32 v15, $0xF;
	v13 =	vshll.u32 v9, $0x10  }
0x1c7: {  	v9 =	vand.u32 $0xFFFF0000, v9;
	[tilespmem:s21+$0x11180] =	vst v13;
	v13 =	vnsel vm0, $0xF, v15;
	vm0 =	vlt.s32 v11, $0xF;
	v15 =	vld [tilespmem:s19+$0x0]  }
0x1c8: {  	[tilespmem:s21+$0x12180] =	vst v9;
	v9 =	vnsel vm0, $0xF, v11;
	v11 =	vshll.u32 v13, $0x5  }
0x1c9: {  	v12 =	vadd.f32 $-1.600000000e+01, v12;
	v13 =	vsub.f32 v4, v8;
	v14 =	vld.idx.msk [tilespmem:v14+s12+$0x0], $0xffff;
	v8 =	vadd.s32 v11, v9  }
0x1ca: {  	s20 =	simm.s32 $0x20;
	v20 =	vadd.s32 $0xE10, v6;
	v23 =	vadd.s32 $0x1210, v6;
	v11 =	vadd.s32 $0x210, v8  }
0x1cb: {  	v17 =	vld [tilespmem:s20+$0x0];
	v7 =	vsub.f32 v5, v7;
	v9 =	vtrunc.f32 v12;
	v16 =	vadd.f32 $3.200000000e+01, v13  }
0x1cc: {  	v12 =	vadd.s32 $0xA10, v6;
	vm0 =	vlt.f32 v13, $0.0e+00;
	v18 =	vsub.f32 v2, v15  }
0x1cd: {  	v10 =	vsub.f32 v5, v10;
	v7 =	vtrunc.f32 v7;
	v13 =	vsel vm0, v16, v13  }
0x1ce: {  	v13 =	vadd.f32 $-1.600000000e+01, v13;
	v16 =	vshll.u32 v14, $0x10;
	v19 =	vadd.f32 $3.200000000e+01, v18  }
0x1cf: {  	v9 =	vcvt.f32.s32 v9;
	v14 =	vand.u32 $0xFFFF0000, v14;
	[tilespmem:s21+$0x13180] =	vst v16;
	vm0 =	vlt.f32 v18, $0.0e+00;
	v11 =	vld.idx.msk [tilespmem:v11+s12+$0x0], $0xffff  }
0x1d0: {  	v16 =	vsub.f32 v3, v17;
	[tilespmem:s21+$0x14180] =	vst v14;
	v13 =	vtrunc.f32 v13;
	v18 =	vsel vm0, v19, v18  }
0x1d1: {  	v10 =	vtrunc.f32 v10;
	v12 =	vld.idx.msk [tilespmem:v12+s12+$0x0], $0xffff;
	v14 =	vcvt.f32.s32 v13;
	v13 =	vadd.f32 $-1.600000000e+01, v18  }
0x1d2: {  	s22 =	simm.s32 $0x10;
	s23 =	simm.s32 $0x20;
	v7 =	vcvt.f32.s32 v7;
	vm1 =	vlt.s32 v9, $0xF;
	v16 =	vtrunc.f32 v16  }
0x1d3: {  	s16 =	sand.u32 $0x70, s22;
	s19 =	sand.u32 $0xF00, s23;
	v15 =	vsub.f32 v4, v15;
	v16 =	vcvt.f32.s32 v16;
	v13 =	vtrunc.f32 v13  }
0x1d4: {  	s19 =	sor.u32 s16, s19;
	v9 =	vnsel vm1, $0xF, v9;
	v19 =	vshll.u32 v11, $0x10;
	v13 =	vcvt.f32.s32 v13  }
0x1d5: {  	s24 =	simm.s32 $0x8B0;
	v18 =	vadd.s32 $0x610, v8;
	vm1 =	vlt.s32 v16, $0xF;
	v11 =	vand.u32 $0xFFFF0000, v11;
	[tilespmem:s19+$0x11180] =	vst v19  }
0x1d6: {  	[tilespmem:s19+$0x12180] =	vst v11;
	v11 =	vnsel vm1, $0xF, v16;
	v16 =	vand.u32 $0xFFFF0000, v12;
	v19 =	vld [tilespmem:s24+$0x0];
	vm1 =	vlt.s32 v13, $0xF  }
0x1d7: {  	v12 =	vshll.u32 v12, $0x10;
	v11 =	vshll.u32 v11, $0x5;
	[tilespmem:s21+$0x16180] =	vst v16;
	v13 =	vnsel vm1, $0xF, v13  }
0x1d8: {  	v21 =	vadd.s32 $0xA10, v8;
	v10 =	vcvt.f32.s32 v10;
	[tilespmem:s21+$0x15180] =	vst v12;
	v13 =	vadd.s32 v11, v13  }
0x1d9: {  	s25 =	simm.s32 $0x30;
	v12 =	vadd.f32 $3.200000000e+01, v15;
	vm1 =	vlt.s32 v14, $0xF;
	v20 =	vld.idx.msk [tilespmem:v20+s12+$0x0], $0xffff;
	v16 =	vadd.s32 $0x210, v13  }
0x1da: {  	v17 =	vsub.f32 v5, v17;
	v11 =	vnsel vm1, $0xF, v14;
	vm1 =	vlt.f32 v15, $0.0e+00;
	v14 =	vld [tilespmem:s25+$0x0]  }
0x1db: {  	vm0 =	vlt.s32 v7, $0xF;
	v18 =	vld.idx.msk [tilespmem:v18+s12+$0x0], $0xffff;
	v12 =	vsel vm1, v12, v15;
	v15 =	vsub.f32 v2, v19  }
0x1dc: {  	v17 =	vtrunc.f32 v17;
	vm2 =	vmmov vm0;
	vm0 =	vlt.s32 v10, $0xF  }
0x1dd: {  	vm0 =	vmmov vm0;
	v12 =	vadd.f32 $-1.600000000e+01, v12;
	v24 =	vadd.f32 $3.200000000e+01, v15  }
0x1de: {  	v19 =	vsub.f32 v4, v19;
	vm1 =	vlt.f32 v15, $0.0e+00;
	v25 =	vld.idx.msk [tilespmem:v16+s12+$0x0], $0xffff;
	v16 =	vshll.u32 v20, $0x10  }
0x1df: {  	v26 =	vsub.f32 v3, v14;
	v15 =	vsel vm1, v24, v15;
	[tilespmem:s21+$0x17180] =	vst v16;
	v16 =	vand.u32 $0xFFFF0000, v20  }
0x1e0: {  	v22 =	vshll.u32 v18, $0x10;
	v12 =	vtrunc.f32 v12;
	v15 =	vadd.f32 $-1.600000000e+01, v15;
	[tilespmem:s21+$0x18180] =	vst v16  }
0x1e1: {  	s29 =	simm.s32 $0x40;
	s26 =	simm.s32 $0x20;
	v18 =	vand.u32 $0xFFFF0000, v18;
	v16 =	vcvt.f32.s32 v17;
	v17 =	vtrunc.f32 v26;
	v23 =	vld.idx.msk [tilespmem:v23+s12+$0x0], $0xffff  }
0x1e2: {  	s20 =	sand.u32 $0xF00, s29;
	s16 =	sand.u32 $0x70, s26;
	[tilespmem:s19+$0x13180] =	vst v22;
	v22 =	vadd.s32 $0x610, v13;
	v17 =	vcvt.f32.s32 v17;
	v15 =	vtrunc.f32 v15  }
0x1e3: {  	s16 =	sor.u32 s16, s20;
	v12 =	vcvt.f32.s32 v12;
	v15 =	vcvt.f32.s32 v15;
	v24 =	vshll.u32 v25, $0x10  }
0x1e4: {  	vm1 =	vmmov vm2;
	vm3 =	vlt.s32 v17, $0xF;
	[tilespmem:s16+$0x11180] =	vst v24;
	v24 =	vadd.s32 $0x1610, v6  }
0x1e5: {  	[tilespmem:s19+$0x14180] =	vst v18;
	v6 =	vand.u32 $0xFFFF0000, v25;
	v17 =	vnsel vm3, $0xF, v17;
	vm3 =	vlt.s32 v15, $0xF  }
0x1e6: {  	[tilespmem:s16+$0x12180] =	vst v6;
	v6 =	vnsel vm3, $0xF, v15;
	v15 =	vshll.u32 v17, $0x5;
	v17 =	vshll.u32 v23, $0x10  }
0x1e7: {  	v18 =	vld.idx.msk [tilespmem:v21+s12+$0x0], $0xffff;
	vm2 =	vlt.s32 v12, $0xF;
	v6 =	vadd.s32 v15, v6;
	[tilespmem:s21+$0x19180] =	vst v17;
	v17 =	vand.u32 $0xFFFF0000, v23  }
0x1e8: {  	v7 =	vnsel vm1, $0xF, v7;
	v15 =	vnsel vm2, $0xF, v12;
	v12 =	vld.idx.msk [tilespmem:v22+s12+$0x0], $0xffff;
	v21 =	vadd.s32 $0x210, v6;
	[tilespmem:s21+$0x1A180] =	vst v17  }
0x1e9: {  	v20 =	vadd.s32 $0xA10, v13;
	v7 =	vshll.u32 v7, $0x5;
	v17 =	vadd.f32 $3.200000000e+01, v19;
	v22 =	vld.idx.msk [tilespmem:v24+s12+$0x0], $0xffff  }
0x1ea: {  	v26 =	vadd.s32 $0x1210, v8;
	vm2 =	vlt.f32 v19, $0.0e+00;
	v23 =	vadd.s32 $0xE10, v8  }
0x1eb: {  	s30 =	simm.s32 $0x8C0;
	vm1 =	vlt.s32 v16, $0xF;
	v19 =	vsel vm2, v17, v19;
	v17 =	vadd.s32 v7, v9  }
0x1ec: {  	v24 =	vld [tilespmem:s30+$0x0];
	v7 =	vand.u32 $0xFFFF0000, v18;
	v9 =	vadd.f32 $-1.600000000e+01, v19;
	v19 =	vadd.s32 $0x210, v17  }
0x1ed: {  	v27 =	vadd.s32 $0x610, v6;
	v18 =	vshll.u32 v18, $0x10;
	[tilespmem:s19+$0x16180] =	vst v7;
	v7 =	vsub.f32 v5, v14;
	v14 =	vld.idx.msk [tilespmem:v21+s12+$0x0], $0xffff  }
0x1ee: {  	v8 =	vadd.s32 $0x1610, v8;
	vm2 =	vmmov vm0;
	[tilespmem:s19+$0x15180] =	vst v18;
	v21 =	vshll.u32 v22, $0x10  }
0x1ef: {  	s22 =	simm.s32 $0x40;
	vm0 =	vmmov vm1;
	v25 =	vshll.u32 v12, $0x10;
	v23 =	vld.idx.msk [tilespmem:v23+s12+$0x0], $0xffff;
	v22 =	vand.u32 $0xFFFF0000, v22;
	[tilespmem:s21+$0x1B180] =	vst v21  }
0x1f0: {  	s23 =	simm.s32 $0x30;
	s24 =	simm.s32 $0x60;
	v12 =	vand.u32 $0xFFFF0000, v12;
	v18 =	vadd.s32 $0xA10, v6;
	v30 =	vadd.s32 $0x610, v17;
	v21 =	vld [tilespmem:s22+$0x0];
	[tilespmem:s21+$0x1C180] =	vst v22  }
0x1f1: {  	s20 =	sand.u32 $0x70, s23;
	v10 =	vnsel vm2, $0xF, v10;
	v9 =	vtrunc.f32 v9;
	v22 =	vsub.f32 v2, v24;
	s22 =	sand.u32 $0xF00, s24;
	v19 =	vld.idx.msk [tilespmem:v19+s12+$0x0], $0xffff  }
0x1f2: {  	v7 =	vtrunc.f32 v7;
	v9 =	vcvt.f32.s32 v9;
	s20 =	sor.u32 s20, s22;
	v28 =	vshll.u32 v14, $0x10  }
0x1f3: {  	v7 =	vcvt.f32.s32 v7;
	v29 =	vadd.f32 $3.200000000e+01, v22;
	v14 =	vand.u32 $0xFFFF0000, v14;
	[tilespmem:s20+$0x11180] =	vst v28  }
0x1f4: {  	vm3 =	vlt.s32 v9, $0xF;
	vm1 =	vlt.f32 v22, $0.0e+00;
	[tilespmem:s20+$0x12180] =	vst v14;
	v14 =	vshll.u32 v23, $0x10  }
0x1f5: {  	v22 =	vsel vm1, v29, v22;
	[tilespmem:s19+$0x17180] =	vst v14;
	v14 =	vand.u32 $0xFFFF0000, v23;
	v28 =	vsub.f32 v3, v21  }
0x1f6: {  	v9 =	vnsel vm3, $0xF, v9;
	v22 =	vadd.f32 $-1.600000000e+01, v22;
	[tilespmem:s19+$0x18180] =	vst v14;
	v14 =	vshll.u32 v19, $0x10  }
0x1f7: {  	vm3 =	vmmov vm0;
	v26 =	vld.idx.msk [tilespmem:v26+s12+$0x0], $0xffff;
	v23 =	vtrunc.f32 v28;
	[tilespmem:s21+$0x11200] =	vst v14;
	v14 =	vand.u32 $0xFFFF0000, v19  }
0x1f8: {  	v16 =	vnsel vm3, $0xF, v16;
	v19 =	vtrunc.f32 v22;
	v23 =	vcvt.f32.s32 v23;
	[tilespmem:s21+$0x12200] =	vst v14  }
0x1f9: {  	vm1 =	vlt.s32 v7, $0xF;
	v22 =	vsub.f32 v4, v24;
	v14 =	vcvt.f32.s32 v19;
	v28 =	vld.idx.msk [tilespmem:v30+s12+$0x0], $0xffff  }
0x1fa: {  	v24 =	vld.idx.msk [tilespmem:v27+s12+$0x0], $0xffff;
	v27 =	vadd.s32 $0xA10, v17;
	v19 =	vshll.u32 v10, $0x5;
	vm2 =	vlt.s32 v23, $0xF  }
0x1fb: {  	[tilespmem:s16+$0x13180] =	vst v25;
	v29 =	vadd.f32 $3.200000000e+01, v22;
	v10 =	vnsel vm2, $0xF, v23;
	vm2 =	vlt.s32 v14, $0xF  }
0x1fc: {  	[tilespmem:s16+$0x14180] =	vst v12;
	v12 =	vshll.u32 v26, $0x10;
	v14 =	vnsel vm2, $0xF, v14;
	v10 =	vshll.u32 v10, $0x5  }
0x1fd: {  	v20 =	vld.idx.msk [tilespmem:v20+s12+$0x0], $0xffff;
	vm2 =	vlt.f32 v22, $0.0e+00;
	[tilespmem:s19+$0x19180] =	vst v12;
	v12 =	vand.u32 $0xFFFF0000, v26;
	v10 =	vadd.s32 v10, v14  }
0x1fe: {  	v14 =	vsel vm2, v29, v22;
	[tilespmem:s19+$0x1A180] =	vst v12;
	v22 =	vadd.s32 $0x210, v10;
	v12 =	vshll.u32 v28, $0x10  }
0x1ff: {  	v34 =	vshll.u32 v16, $0x5;
	v21 =	vsub.f32 v5, v21;
	v25 =	vand.u32 $0xFFFF0000, v28;
	v28 =	vld.idx.msk [tilespmem:v8+s12+$0x0], $0xffff;
	[tilespmem:s21+$0x13200] =	vst v12  }
0x200: {  	vm1 =	vmmov vm1;
	v23 =	vshll.u32 v24, $0x10;
	[tilespmem:s21+$0x14200] =	vst v25;
	v25 =	vadd.s32 $0xE10, v13  }
0x201: {  	v24 =	vand.u32 $0xFFFF0000, v24;
	v14 =	vadd.f32 $-1.600000000e+01, v14;
	v8 =	vadd.s32 v19, v11;
	v19 =	vld.idx.msk [tilespmem:v27+s12+$0x0], $0xffff  }
0x202: {  	[tilespmem:s20+$0x13180] =	vst v23;
	v11 =	vtrunc.f32 v21;
	v21 =	vadd.s32 $0x210, v8;
	v27 =	vand.u32 $0xFFFF0000, v20  }
0x203: {  	s25 =	simm.s32 $0x8D0;
	v26 =	vadd.s32 $0xE10, v17;
	v29 =	vadd.s32 $0x1210, v13;
	v20 =	vshll.u32 v20, $0x10;
	[tilespmem:s16+$0x16180] =	vst v27;
	v22 =	vld.idx.msk [tilespmem:v22+s12+$0x0], $0xffff  }
0x204: {  	v30 =	vadd.s32 $0x610, v10;
	v12 =	vtrunc.f32 v14;
	v27 =	vld [tilespmem:s25+$0x0];
	[tilespmem:s16+$0x15180] =	vst v20;
	v20 =	vshll.u32 v28, $0x10  }
0x205: {  	s26 =	simm.s32 $0x50;
	v11 =	vcvt.f32.s32 v11;
	v12 =	vcvt.f32.s32 v12;
	v28 =	vand.u32 $0xFFFF0000, v28;
	v25 =	vld.idx.msk [tilespmem:v25+s12+$0x0], $0xffff;
	[tilespmem:s19+$0x1B180] =	vst v20  }
0x206: {  	s29 =	simm.s32 $0x40;
	s23 =	simm.s32 $0x80;
	v23 =	vadd.s32 $0xA10, v8;
	v14 =	vadd.s32 $0xA10, v10;
	v20 =	vld [tilespmem:s26+$0x0];
	[tilespmem:s19+$0x1C180] =	vst v28;
	v31 =	vshll.u32 v19, $0x10  }
0x207: {  	s30 =	sand.u32 $0xF00, s23;
	s22 =	sand.u32 $0x70, s29;
	vm0 =	vlt.s32 v11, $0xF;
	vm2 =	vlt.s32 v12, $0xF;
	v19 =	vand.u32 $0xFFFF0000, v19;
	v21 =	vld.idx.msk [tilespmem:v21+s12+$0x0], $0xffff;
	[tilespmem:s21+$0x15200] =	vst v31  }
0x208: {  	s22 =	sor.u32 s22, s30;
	v12 =	vnsel vm2, $0xF, v12;
	v28 =	vadd.s32 $0x610, v8;
	[tilespmem:s21+$0x16200] =	vst v19;
	v32 =	vshll.u32 v22, $0x10  }
0x209: {  	v31 =	vadd.s32 $0x1610, v17;
	v33 =	vsub.f32 v2, v27;
	v22 =	vand.u32 $0xFFFF0000, v22;
	[tilespmem:s22+$0x11180] =	vst v32  }
0x20a: {  	v16 =	vsub.f32 v4, v27;
	v19 =	vld.idx.msk [tilespmem:v26+s12+$0x0], $0xffff;
	v26 =	vadd.s32 $0x1210, v17;
	v62 =	vshll.u32 v25, $0x10;
	[tilespmem:s22+$0x12180] =	vst v22  }
0x20b: {  	v17 =	vadd.f32 $3.200000000e+01, v33;
	v27 =	vsub.f32 v3, v20;
	v25 =	vand.u32 $0xFFFF0000, v25;
	[tilespmem:s16+$0x17180] =	vst v62  }
0x20c: {  	vm2 =	vlt.f32 v33, $0.0e+00;
	v22 =	vadd.f32 $3.200000000e+01, v16;
	v63 =	vshll.u32 v21, $0x10;
	[tilespmem:s16+$0x18180] =	vst v25  }
0x20d: {  	v17 =	vsel vm2, v17, v33;
	v30 =	vld.idx.msk [tilespmem:v30+s12+$0x0], $0xffff;
	v21 =	vand.u32 $0xFFFF0000, v21;
	v27 =	vtrunc.f32 v27;
	[tilespmem:s19+$0x11200] =	vst v63  }
0x20e: {  	vm2 =	vlt.f32 v16, $0.0e+00;
	v17 =	vadd.f32 $-1.600000000e+01, v17;
	[tilespmem:s19+$0x12200] =	vst v21;
	v25 =	vcvt.f32.s32 v27;
	v27 =	vld.idx.msk [tilespmem:v29+s12+$0x0], $0xffff  }
0x20f: {  	v16 =	vsel vm2, v22, v16;
	v22 =	vadd.s32 $0x1610, v13;
	v29 =	vshll.u32 v19, $0x10;
	v13 =	vld.idx.msk [tilespmem:v28+s12+$0x0], $0xffff  }
0x210: {  	vm0 =	vmmov vm0;
	v19 =	vand.u32 $0xFFFF0000, v19;
	v17 =	vtrunc.f32 v17;
	[tilespmem:s21+$0x17200] =	vst v29  }
0x211: {  	v20 =	vsub.f32 v5, v20;
	v28 =	vadd.f32 $-1.600000000e+01, v16;
	[tilespmem:s21+$0x18200] =	vst v19;
	v21 =	vcvt.f32.s32 v17  }
0x212: {  	[tilespmem:s20+$0x14180] =	vst v24;
	v19 =	vadd.s32 $0xE10, v8;
	vm3 =	vlt.s32 v25, $0xF;
	v29 =	vld.idx.msk [tilespmem:v26+s12+$0x0], $0xffff;
	v16 =	vshll.u32 v30, $0x10  }
0x213: {  	v25 =	vnsel vm3, $0xF, v25;
	vm2 =	vlt.s32 v21, $0xF;
	[tilespmem:s22+$0x13180] =	vst v16;
	v24 =	vshll.u32 v27, $0x10  }
0x214: {  	v16 =	vnsel vm2, $0xF, v21;
	v21 =	vshll.u32 v25, $0x5;
	v26 =	vand.u32 $0xFFFF0000, v13;
	[tilespmem:s16+$0x19180] =	vst v24  }
0x215: {  	v16 =	vadd.s32 v21, v16;
	v21 =	vtrunc.f32 v28;
	v28 =	vld.idx.msk [tilespmem:v18+s12+$0x0], $0xffff;
	v18 =	vand.u32 $0xFFFF0000, v27;
	[tilespmem:s19+$0x14200] =	vst v26  }
0x216: {  	v17 =	vand.u32 $0xFFFF0000, v30;
	v24 =	vshll.u32 v13, $0x10;
	v27 =	vadd.s32 $0x210, v16;
	[tilespmem:s16+$0x1A180] =	vst v18  }
0x217: {  	v13 =	vadd.s32 v34, v15;
	v15 =	vtrunc.f32 v20;
	[tilespmem:s19+$0x13200] =	vst v24;
	v30 =	vshll.u32 v29, $0x10;
	v25 =	vld.idx.msk [tilespmem:v22+s12+$0x0], $0xffff  }
0x218: {  	v26 =	vadd.s32 $0xE10, v6;
	v21 =	vcvt.f32.s32 v21;
	v24 =	vld.idx.msk [tilespmem:v23+s12+$0x0], $0xffff;
	v23 =	vand.u32 $0xFFFF0000, v29;
	[tilespmem:s21+$0x19200] =	vst v30  }
0x219: {  	vm2 =	vmmov vm1;
	v18 =	vadd.s32 $0xA10, v16;
	v20 =	vcvt.f32.s32 v15;
	[tilespmem:s21+$0x1A200] =	vst v23  }
0x21a: {  	s24 =	simm.s32 $0x50;
	v22 =	vadd.s32 $0x210, v13;
	vm1 =	vlt.s32 v21, $0xF;
	v23 =	vld.idx.msk [tilespmem:v31+s12+$0x0], $0xffff;
	v29 =	vand.u32 $0xFFFF0000, v28  }
0x21b: {  	s28 =	simm.s32 $0x60;
	s25 =	sand.u32 $0x70, s24;
	s26 =	simm.s32 $0x8E0;
	v15 =	vnsel vm1, $0xF, v21;
	vm1 =	vlt.s32 v20, $0xF;
	v28 =	vshll.u32 v28, $0x10;
	v27 =	vld.idx.msk [tilespmem:v27+s12+$0x0], $0xffff;
	[tilespmem:s20+$0x16180] =	vst v29  }
.LBB2_11:
0x21c: {  	s24 =	sadd.s32 $0x10, s24;
	v29 =	vld [tilespmem:s26+$0x0];
	[tilespmem:s20+$0x15180] =	vst v28;
	v21 =	vshll.u32 v25, $0x10;
	v25 =	vand.u32 $0xFFFF0000, v25  }
0x21d: {  	v28 =	vadd.s32 $0x1210, v6;
	s29 =	sand.u32 $0x70, s24;
	p0 =	slt.u32 s24, $0x7F0;
	v26 =	vld.idx.msk [tilespmem:v26+s12+$0x0], $0xffff;
	[tilespmem:s16+$0x1B180] =	vst v21  }
0x21e: {  	v31 =	vadd.s32 $0x610, v16;
	s23 =	sadd.s32 $0x20, s23;
	v21 =	vshll.u32 v24, $0x10;
	v24 =	vand.u32 $0xFFFF0000, v24;
	v30 =	vld [tilespmem:s28+$0x0];
	[tilespmem:s16+$0x1C180] =	vst v25  }
0x21f: {  	v32 =	vadd.s32 $0x610, v13;
	s30 =	sand.u32 $0xF00, s23;
	v25 =	vnsel vm2, $0xF, v7;
	v7 =	vmovc v11;
	v11 =	vmovc v20;
	v22 =	vld.idx.msk [tilespmem:v22+s12+$0x0], $0xffff;
	[tilespmem:s19+$0x15200] =	vst v21;
	v21 =	vadd.s32 $0x1610, v8  }
0x220: {  	s30 =	sor.u32 s25, s30;
	s25 =	smov.u32 s29;
	v20 =	vshll.u32 v27, $0x10;
	v27 =	vand.u32 $0xFFFF0000, v27;
	v33 =	vshll.u32 v25, $0x5;
	[tilespmem:s19+$0x16200] =	vst v24  }
0x221: {  	v24 =	vsub.f32 v2, v29;
	[tilespmem:s30+$0x11180] =	vst v20;
	v19 =	vld.idx.msk [tilespmem:v19+s12+$0x0], $0xffff;
	v20 =	vshll.u32 v23, $0x10;
	v23 =	vand.u32 $0xFFFF0000, v23  }
0x222: {  	v34 =	vadd.s32 $0x1210, v8;
	v8 =	vmovc v13;
	v25 =	vsub.f32 v4, v29;
	v29 =	vadd.s32 $0xA10, v13;
	[tilespmem:s21+$0x1B200] =	vst v20  }
0x223: {  	v13 =	vsub.f32 v3, v30;
	v20 =	vadd.f32 $3.200000000e+01, v24;
	[tilespmem:s30+$0x12180] =	vst v27;
	v27 =	vshll.u32 v26, $0x10  }
0x224: {  	vm2 =	vlt.f32 v24, $0.0e+00;
	v35 =	vadd.f32 $3.200000000e+01, v25;
	v26 =	vand.u32 $0xFFFF0000, v26;
	v31 =	vld.idx.msk [tilespmem:v31+s12+$0x0], $0xffff;
	[tilespmem:s20+$0x17180] =	vst v27  }
0x225: {  	v13 =	vtrunc.f32 v13;
	v20 =	vsel vm2, v20, v24;
	[tilespmem:s20+$0x18180] =	vst v26;
	v24 =	vshll.u32 v22, $0x10  }
0x226: {  	v22 =	vand.u32 $0xFFFF0000, v22;
	v13 =	vcvt.f32.s32 v13;
	v20 =	vadd.f32 $-1.600000000e+01, v20;
	v26 =	vld.idx.msk [tilespmem:v28+s12+$0x0], $0xffff;
	[tilespmem:s16+$0x11200] =	vst v24  }
0x227: {  	vm2 =	vlt.f32 v25, $0.0e+00;
	[tilespmem:s16+$0x12200] =	vst v22;
	v22 =	vshll.u32 v19, $0x10;
	v19 =	vand.u32 $0xFFFF0000, v19  }
0x228: {  	v24 =	vadd.s32 $0x1610, v6;
	v6 =	vmovc v10;
	v10 =	vmovc v16;
	vm3 =	vlt.s32 v13, $0xF;
	v20 =	vtrunc.f32 v20;
	v27 =	vld.idx.msk [tilespmem:v32+s12+$0x0], $0xffff;
	[tilespmem:s21+$0x1C200] =	vst v23;
	s21 =	smov.u32 s19;
	s19 =	smov.u32 s16;
	s16 =	smov.u32 s20  }
0x229: {  	s20 =	smov.u32 s22;
	s22 =	smov.u32 s30;
	v13 =	vnsel vm3, $0xF, v13;
	v16 =	vcvt.f32.s32 v20;
	v20 =	vsel vm2, v35, v25;
	[tilespmem:s21+$0x17200] =	vst v22  }
0x22a: {  	v22 =	vshll.u32 v31, $0x10;
	v23 =	vand.u32 $0xFFFF0000, v31;
	v20 =	vadd.f32 $-1.600000000e+01, v20;
	[tilespmem:s21+$0x18200] =	vst v19  }
0x22b: {  	v28 =	vsub.f32 v5, v30;
	v19 =	vadd.s32 $0xE10, v8;
	vm2 =	vlt.s32 v16, $0xF;
	[tilespmem:s22+$0x13180] =	vst v22;
	v30 =	vld.idx.msk [tilespmem:v34+s12+$0x0], $0xffff  }
0x22c: {  	v13 =	vshll.u32 v13, $0x5;
	v22 =	vshll.u32 v26, $0x10;
	v16 =	vnsel vm2, $0xF, v16;
	[tilespmem:s20+$0x14180] =	vst v17;
	v17 =	vmovc v23  }
0x22d: {  	v16 =	vadd.s32 v13, v16;
	v13 =	vtrunc.f32 v20;
	v23 =	vld.idx.msk [tilespmem:v14+s12+$0x0], $0xffff;
	[tilespmem:s16+$0x19180] =	vst v22;
	v20 =	vand.u32 $0xFFFF0000, v26;
	v14 =	vmovc v18  }
0x22e: {  	v26 =	vand.u32 $0xFFFF0000, v27;
	v31 =	vadd.s32 $0x210, v16;
	[tilespmem:s16+$0x1A180] =	vst v20;
	v20 =	vshll.u32 v27, $0x10  }
0x22f: {  	v18 =	vadd.s32 $0xA10, v16;
	v32 =	vcvt.f32.s32 v13;
	v13 =	vadd.s32 v33, v9;
	v9 =	vmovc v12;
	v25 =	vld.idx.msk [tilespmem:v24+s12+$0x0], $0xffff;
	[tilespmem:s19+$0x13200] =	vst v20  }
.Ltmp4:
0x230: {  	vm2 =	vmmov vm0;
	v12 =	vmovc v15;
	v20 =	vtrunc.f32 v28;
	v22 =	vadd.s32 $0x210, v13;
	[tilespmem:s19+$0x14200] =	vst v26;
	(pc) =	sbr.rel @p0 .LBB2_11-.Ltmp4, $4  }
0x231: {  	v26 =	vadd.s32 $0xE10, v6;
	v15 =	vshll.u32 v30, $0x10;
	v28 =	vand.u32 $0xFFFF0000, v30;
	v24 =	vld.idx.msk [tilespmem:v29+s12+$0x0], $0xffff  }
0x232: {  	vm0 =	vmmov vm1;
	v20 =	vcvt.f32.s32 v20;
	vm3 =	vlt.s32 v32, $0xF;
	[tilespmem:s21+$0x19200] =	vst v15  }
0x233: {  	v15 =	vnsel vm3, $0xF, v32;
	v29 =	vand.u32 $0xFFFF0000, v23;
	v27 =	vld.idx.msk [tilespmem:v31+s12+$0x0], $0xffff;
	[tilespmem:s21+$0x1A200] =	vst v28  }
0x234: {  	s26 =	sadd.s32 $0x10, s26;
	s28 =	sadd.s32 $0x10, s28;
	vm1 =	vlt.s32 v20, $0xF;
	v28 =	vshll.u32 v23, $0x10;
	[tilespmem:s20+$0x16180] =	vst v29;
	v23 =	vld.idx.msk [tilespmem:v21+s12+$0x0], $0xffff  }
0x235: {  	_ = 	snop  }
0x236: {  	v2 =	vadd.s32 $0x610, v16;
	s23 =	sadd.s32 $0x20, s23  }
0x237: {  	s23 =	sand.u32 $0xF00, s23  }
0x238: {  	s23 =	sor.u32 s25, s23;
	v3 =	vshll.u32 v27, $0x10  }
0x239: {  	v4 =	vand.u32 $0xFFFF0000, v27;
	[tilespmem:s23+$0x11180] =	vst v3  }
0x23a: {  	[tilespmem:s23+$0x12180] =	vst v4  }
0x23b: {  	v2 =	vld.idx.msk [tilespmem:v2+s12+$0x0], $0xffff;
	_ =	sdelay $0x1  }
0x23c: {  	[tilespmem:s22+$0x14180] =	vst v17  }
0x23d: {  	[tilespmem:s20+$0x15180] =	vst v28;
	v29 =	vand.u32 $0xFFFF0000, v25;
	v31 =	vld.idx.msk [tilespmem:v14+s12+$0x0], $0xffff  }
0x23e: {  	[tilespmem:s16+$0x1C180] =	vst v29;
	v3 =	vshll.u32 v25, $0x10  }
0x23f: {  	[tilespmem:s16+$0x1B180] =	vst v3;
	v30 =	vshll.u32 v2, $0x10  }
0x240: {  	v3 =	vld.idx.msk [tilespmem:v26+s12+$0x0], $0xffff;
	v2 =	vand.u32 $0xFFFF0000, v2;
	[tilespmem:s23+$0x13180] =	vst v30  }
0x241: {  	v5 =	vshll.u32 v24, $0x10;
	[tilespmem:s23+$0x14180] =	vst v2  }
0x242: {  	[tilespmem:s19+$0x15200] =	vst v5;
	v4 =	vshll.u32 v31, $0x10;
	v32 =	vld.idx.msk [tilespmem:v18+s12+$0x0], $0xffff  }
0x243: {  	v33 =	vadd.s32 $0xE10, v10;
	[tilespmem:s22+$0x15180] =	vst v4;
	v2 =	vand.u32 $0xFFFF0000, v24  }
0x244: {  	[tilespmem:s19+$0x16200] =	vst v2;
	v2 =	vshll.u32 v23, $0x10  }
0x245: {  	v35 =	vadd.s32 $0xE10, v16;
	[tilespmem:s21+$0x1B200] =	vst v2;
	v2 =	vshll.u32 v3, $0x10  }
0x246: {  	v34 =	vld.idx.msk [tilespmem:v22+s12+$0x0], $0xffff;
	[tilespmem:s20+$0x17180] =	vst v2;
	v2 =	vand.u32 $0xFFFF0000, v31  }
0x247: {  	[tilespmem:s22+$0x16180] =	vst v2;
	v2 =	vand.u32 $0xFFFF0000, v32  }
0x248: {  	v4 =	vld.idx.msk [tilespmem:v33+s12+$0x0], $0xffff;
	v5 =	vshll.u32 v32, $0x10;
	[tilespmem:s23+$0x16180] =	vst v2  }
0x249: {  	v39 =	vand.u32 $0xFFFF0000, v23;
	v2 =	vadd.s32 $0x1210, v6;
	[tilespmem:s23+$0x15180] =	vst v5  }
0x24a: {  	[tilespmem:s21+$0x1C200] =	vst v39;
	v3 =	vand.u32 $0xFFFF0000, v3;
	v5 =	vld.idx.msk [tilespmem:v35+s12+$0x0], $0xffff  }
0x24b: {  	v36 =	vadd.s32 $0x1210, v10;
	[tilespmem:s20+$0x18180] =	vst v3;
	v3 =	vshll.u32 v34, $0x10  }
0x24c: {  	v38 =	vld.idx.msk [tilespmem:v19+s12+$0x0], $0xffff;
	[tilespmem:s16+$0x11200] =	vst v3;
	v3 =	vand.u32 $0xFFFF0000, v34  }
0x24d: {  	v40 =	vadd.s32 $0x1210, v16;
	[tilespmem:s16+$0x12200] =	vst v3;
	v3 =	vshll.u32 v4, $0x10  }
0x24e: {  	[tilespmem:s22+$0x17180] =	vst v3;
	v3 =	vand.u32 $0xFFFF0000, v4;
	v2 =	vld.idx.msk [tilespmem:v2+s12+$0x0], $0xffff  }
0x24f: {  	v37 =	vadd.s32 $0x610, v13;
	[tilespmem:s22+$0x18180] =	vst v3;
	v3 =	vshll.u32 v5, $0x10  }
0x250: {  	v41 =	vld.idx.msk [tilespmem:v36+s12+$0x0], $0xffff;
	[tilespmem:s23+$0x17180] =	vst v3;
	v3 =	vand.u32 $0xFFFF0000, v5  }
0x251: {  	v43 =	vadd.s32 $0x1610, v6;
	v42 =	vshll.u32 v38, $0x10;
	[tilespmem:s23+$0x18180] =	vst v3  }
0x252: {  	[tilespmem:s19+$0x17200] =	vst v42;
	v3 =	vand.u32 $0xFFFF0000, v38;
	v45 =	vld.idx.msk [tilespmem:v40+s12+$0x0], $0xffff  }
0x253: {  	v46 =	vadd.s32 $0x1610, v10;
	[tilespmem:s19+$0x18200] =	vst v3;
	v3 =	vshll.u32 v2, $0x10  }
0x254: {  	v7 =	vnsel vm2, $0xF, v7;
	v44 =	vld.idx.msk [tilespmem:v37+s12+$0x0], $0xffff;
	v2 =	vand.u32 $0xFFFF0000, v2;
	[tilespmem:s20+$0x19180] =	vst v3  }
0x255: {  	v47 =	vadd.s32 $0x1610, v16;
	v48 =	vadd.s32 $0x1210, v8;
	[tilespmem:s20+$0x1A180] =	vst v2;
	v2 =	vshll.u32 v41, $0x10  }
0x256: {  	vm0 =	vmmov vm0;
	v3 =	vshll.u32 v7, $0x5;
	v4 =	vand.u32 $0xFFFF0000, v41;
	v6 =	vld.idx.msk [tilespmem:v43+s12+$0x0], $0xffff;
	[tilespmem:s22+$0x19180] =	vst v2  }
0x257: {  	vm1 =	vmmov vm1;
	v2 =	vadd.s32 v3, v9;
	[tilespmem:s22+$0x1A180] =	vst v4;
	v3 =	vshll.u32 v45, $0x10  }
0x258: {  	v49 =	vnsel vm0, $0xF, v11;
	vm15 =	vmmov vm1;
	v50 =	vld.idx.msk [tilespmem:v46+s12+$0x0], $0xffff;
	[tilespmem:s23+$0x19180] =	vst v3;
	v3 =	vand.u32 $0xFFFF0000, v45  }
0x259: {  	v17 =	vshll.u32 v44, $0x10;
	v4 =	vshll.u32 v49, $0x5;
	v51 =	vadd.s32 $0x210, v2;
	[tilespmem:s23+$0x1A180] =	vst v3  }
0x25a: {  	v52 =	vnsel vm15, $0xF, v20;
	[tilespmem:s16+$0x13200] =	vst v17;
	v4 =	vadd.s32 v4, v12;
	v3 =	vand.u32 $0xFFFF0000, v44;
	v7 =	vld.idx.msk [tilespmem:v47+s12+$0x0], $0xffff  }
0x25b: {  	v10 =	vshll.u32 v52, $0x5;
	v53 =	vadd.s32 $0x210, v4;
	[tilespmem:s16+$0x14200] =	vst v3;
	v3 =	vshll.u32 v6, $0x10  }
0x25c: {  	v54 =	vld.idx.msk [tilespmem:v48+s12+$0x0], $0xffff;
	v6 =	vand.u32 $0xFFFF0000, v6;
	[tilespmem:s20+$0x1B180] =	vst v3;
	v3 =	vadd.s32 v10, v15  }
0x25d: {  	[tilespmem:s20+$0x1C180] =	vst v6;
	v55 =	vshll.u32 v50, $0x10;
	v10 =	vadd.s32 $0x210, v3  }
0x25e: {  	v9 =	vand.u32 $0xFFFF0000, v50;
	v5 =	vld.idx.msk [tilespmem:v51+s12+$0x0], $0xffff;
	[tilespmem:s22+$0x1B180] =	vst v55  }
0x25f: {  	v20 =	vadd.s32 $0x1610, v8;
	[tilespmem:s22+$0x1C180] =	vst v9;
	v57 =	vshll.u32 v7, $0x10  }
0x260: {  	v11 =	vld.idx.msk [tilespmem:v53+s12+$0x0], $0xffff;
	v7 =	vand.u32 $0xFFFF0000, v7;
	[tilespmem:s23+$0x1B180] =	vst v57  }
0x261: {  	v59 =	vadd.s32 $0x610, v2;
	v58 =	vshll.u32 v54, $0x10;
	[tilespmem:s23+$0x1C180] =	vst v7  }
0x262: {  	v60 =	vand.u32 $0xFFFF0000, v54;
	[tilespmem:s19+$0x19200] =	vst v58;
	v61 =	vld.idx.msk [tilespmem:v10+s12+$0x0], $0xffff  }
0x263: {  	v63 =	vadd.s32 $0x610, v4;
	[tilespmem:s19+$0x1A200] =	vst v60;
	v62 =	vshll.u32 v5, $0x10  }
0x264: {  	v8 =	vld.idx.msk [tilespmem:v20+s12+$0x0], $0xffff;
	v5 =	vand.u32 $0xFFFF0000, v5;
	[tilespmem:s20+$0x11200] =	vst v62  }
0x265: {  	v17 =	vadd.s32 $0x610, v3;
	[tilespmem:s20+$0x12200] =	vst v5;
	v16 =	vshll.u32 v11, $0x10  }
0x266: {  	v56 =	vadd.s32 $0xA10, v13;
	v19 =	vand.u32 $0xFFFF0000, v11;
	v18 =	vld.idx.msk [tilespmem:v59+s12+$0x0], $0xffff;
	[tilespmem:s22+$0x11200] =	vst v16  }
0x267: {  	[tilespmem:s22+$0x12200] =	vst v19;
	v21 =	vshll.u32 v61, $0x10  }
0x268: {  	v10 =	vld.idx.msk [tilespmem:v63+s12+$0x0], $0xffff;
	v22 =	vand.u32 $0xFFFF0000, v61;
	[tilespmem:s23+$0x11200] =	vst v21  }
0x269: {  	v24 =	vadd.s32 $0xA10, v2;
	v34 =	vshll.u32 v8, $0x10;
	[tilespmem:s23+$0x12200] =	vst v22  }
0x26a: {  	v36 =	vand.u32 $0xFFFF0000, v8;
	[tilespmem:s19+$0x1B200] =	vst v34;
	v26 =	vld.idx.msk [tilespmem:v17+s12+$0x0], $0xffff  }
0x26b: {  	v28 =	vadd.s32 $0xA10, v4;
	v6 =	vld.idx.msk [tilespmem:v56+s12+$0x0], $0xffff;
	[tilespmem:s19+$0x1C200] =	vst v36;
	v27 =	vshll.u32 v18, $0x10  }
0x26c: {  	v29 =	vand.u32 $0xFFFF0000, v18;
	[tilespmem:s20+$0x13200] =	vst v27  }
0x26d: {  	v31 =	vadd.s32 $0xA10, v3;
	[tilespmem:s20+$0x14200] =	vst v29;
	v30 =	vshll.u32 v10, $0x10  }
0x26e: {  	v10 =	vand.u32 $0xFFFF0000, v10;
	v11 =	vld.idx.msk [tilespmem:v24+s12+$0x0], $0xffff;
	[tilespmem:s22+$0x13200] =	vst v30  }
0x26f: {  	v32 =	vadd.s32 $0xE10, v13;
	[tilespmem:s22+$0x14200] =	vst v10;
	v33 =	vshll.u32 v26, $0x10  }
0x270: {  	v23 =	vshll.u32 v6, $0x10;
	v25 =	vand.u32 $0xFFFF0000, v6;
	v7 =	vld.idx.msk [tilespmem:v28+s12+$0x0], $0xffff;
	v6 =	vand.u32 $0xFFFF0000, v26;
	[tilespmem:s23+$0x13200] =	vst v33  }
0x271: {  	v35 =	vadd.s32 $0xE10, v2;
	[tilespmem:s23+$0x14200] =	vst v6  }
0x272: {  	[tilespmem:s16+$0x15200] =	vst v23;
	v37 =	vld.idx.msk [tilespmem:v31+s12+$0x0], $0xffff  }
0x273: {  	v39 =	vadd.s32 $0xE10, v4;
	[tilespmem:s16+$0x16200] =	vst v25;
	v38 =	vshll.u32 v11, $0x10  }
0x274: {  	v5 =	vld.idx.msk [tilespmem:v32+s12+$0x0], $0xffff;
	v40 =	vand.u32 $0xFFFF0000, v11;
	[tilespmem:s20+$0x15200] =	vst v38  }
0x275: {  	v42 =	vadd.s32 $0xE10, v3;
	[tilespmem:s20+$0x16200] =	vst v40;
	v41 =	vshll.u32 v7, $0x10  }
0x276: {  	v7 =	vand.u32 $0xFFFF0000, v7;
	v43 =	vld.idx.msk [tilespmem:v35+s12+$0x0], $0xffff;
	[tilespmem:s22+$0x15200] =	vst v41  }
0x277: {  	v44 =	vadd.s32 $0x1210, v13;
	[tilespmem:s22+$0x16200] =	vst v7;
	v45 =	vshll.u32 v37, $0x10  }
0x278: {  	v9 =	vld.idx.msk [tilespmem:v39+s12+$0x0], $0xffff;
	v8 =	vand.u32 $0xFFFF0000, v37;
	[tilespmem:s23+$0x15200] =	vst v45  }
0x279: {  	v47 =	vadd.s32 $0x1210, v2;
	v46 =	vshll.u32 v5, $0x10;
	[tilespmem:s23+$0x16200] =	vst v8  }
0x27a: {  	v5 =	vand.u32 $0xFFFF0000, v5;
	[tilespmem:s16+$0x17200] =	vst v46;
	v48 =	vld.idx.msk [tilespmem:v42+s12+$0x0], $0xffff  }
0x27b: {  	v50 =	vadd.s32 $0x1210, v4;
	[tilespmem:s16+$0x18200] =	vst v5;
	v49 =	vshll.u32 v43, $0x10  }
0x27c: {  	v6 =	vld.idx.msk [tilespmem:v44+s12+$0x0], $0xffff;
	v51 =	vand.u32 $0xFFFF0000, v43;
	[tilespmem:s20+$0x17200] =	vst v49  }
0x27d: {  	v53 =	vadd.s32 $0x1210, v3;
	[tilespmem:s20+$0x18200] =	vst v51;
	v52 =	vshll.u32 v9, $0x10  }
0x27e: {  	v9 =	vand.u32 $0xFFFF0000, v9;
	v54 =	vld.idx.msk [tilespmem:v47+s12+$0x0], $0xffff;
	[tilespmem:s22+$0x17200] =	vst v52  }
0x27f: {  	v55 =	vadd.s32 $0x1610, v13;
	[tilespmem:s22+$0x18200] =	vst v9;
	v56 =	vshll.u32 v48, $0x10  }
0x280: {  	v8 =	vld.idx.msk [tilespmem:v50+s12+$0x0], $0xffff;
	v7 =	vand.u32 $0xFFFF0000, v48;
	[tilespmem:s23+$0x17200] =	vst v56  }
0x281: {  	v2 =	vadd.s32 $0x1610, v2;
	v57 =	vshll.u32 v6, $0x10;
	[tilespmem:s23+$0x18200] =	vst v7  }
0x282: {  	v6 =	vand.u32 $0xFFFF0000, v6;
	[tilespmem:s16+$0x19200] =	vst v57;
	v7 =	vld.idx.msk [tilespmem:v53+s12+$0x0], $0xffff  }
0x283: {  	v4 =	vadd.s32 $0x1610, v4;
	[tilespmem:s16+$0x1A200] =	vst v6;
	v58 =	vshll.u32 v54, $0x10  }
0x284: {  	v5 =	vld.idx.msk [tilespmem:v55+s12+$0x0], $0xffff;
	v59 =	vand.u32 $0xFFFF0000, v54;
	[tilespmem:s20+$0x19200] =	vst v58  }
0x285: {  	v3 =	vadd.s32 $0x1610, v3;
	[tilespmem:s20+$0x1A200] =	vst v59;
	v60 =	vshll.u32 v8, $0x10  }
0x286: {  	v8 =	vand.u32 $0xFFFF0000, v8;
	v2 =	vld.idx.msk [tilespmem:v2+s12+$0x0], $0xffff;
	[tilespmem:s22+$0x19200] =	vst v60  }
0x287: {  	[tilespmem:s22+$0x1A200] =	vst v8;
	v61 =	vshll.u32 v7, $0x10  }
0x288: {  	v4 =	vld.idx.msk [tilespmem:v4+s12+$0x0], $0xffff;
	v7 =	vand.u32 $0xFFFF0000, v7;
	[tilespmem:s23+$0x19200] =	vst v61  }
0x289: {  	v62 =	vshll.u32 v5, $0x10;
	[tilespmem:s23+$0x1A200] =	vst v7  }
0x28a: {  	v5 =	vand.u32 $0xFFFF0000, v5;
	[tilespmem:s16+$0x1B200] =	vst v62;
	v3 =	vld.idx.msk [tilespmem:v3+s12+$0x0], $0xffff  }
0x28b: {  	[tilespmem:s16+$0x1C200] =	vst v5;
	v63 =	vshll.u32 v2, $0x10  }
0x28c: {  	v2 =	vand.u32 $0xFFFF0000, v2;
	[tilespmem:s20+$0x1B200] =	vst v63  }
0x28d: {  	[tilespmem:s20+$0x1C200] =	vst v2;
	v2 =	vshll.u32 v4, $0x10  }
0x28e: {  	v4 =	vand.u32 $0xFFFF0000, v4;
	[tilespmem:s22+$0x1B200] =	vst v2  }
0x28f: {  	s29 =	sshll.u32 s18, $0x4;
	[tilespmem:s22+$0x1C200] =	vst v4;
	v2 =	vshll.u32 v3, $0x10  }
0x290: {  	s17 =	sadd.s32 s1, s17;
	s16 =	sand.u32 $0x60, s29;
	v3 =	vand.u32 $0xFFFF0000, v3;
	[tilespmem:s23+$0x1B200] =	vst v2  }
0x291: {  	s30 =	simm.s32 $0x11180;
	s16 =	sadd.s32 s16, s17;
	[tilespmem:s23+$0x1C200] =	vst v3  }
0x292: {  	[hbm4b:s16+s13] =	stream.strided.scatter [tilespmem:s30], [sflag:$0x2], $0x1000, s14, s13, $0x38;
	[tilespmem:$0x1D180] =	vst v63  }
0x293: {  	s19 =	simm.s32 $0x12180;
	s18 =	sadd.s32 $0x80000, s16  }
0x294: {  	[hbm4b:s18+s13] =	stream.strided.scatter [tilespmem:s19], [sflag:$0x2], $0x1000, s14, s13, $0x38;
	[tilespmem:$0x1D180] =	vst v63  }
0x295: {  	s21 =	simm.s32 $0x13180;
	s20 =	sadd.s32 $0x100000, s16  }
0x296: {  	[hbm4b:s20+s13] =	stream.strided.scatter [tilespmem:s21], [sflag:$0x2], $0x1000, s14, s13, $0x38;
	[tilespmem:$0x1D180] =	vst v63  }
0x297: {  	s22 =	sadd.s32 $0x180000, s16  }
0x298: {  	[hbm4b:s22+s13] =	stream.strided.scatter [tilespmem:s31], [sflag:$0x2], $0x1000, s14, s13, $0x38;
	[tilespmem:$0x1D180] =	vst v63  }
0x299: {  	s23 =	sadd.s32 $0x200000, s16  }
0x29a: {  	[hbm4b:s23+s13] =	stream.strided.scatter [tilespmem:s0], [sflag:$0x2], $0x1000, s14, s13, $0x38;
	[tilespmem:$0x1D180] =	vst v63  }
0x29b: {  	s24 =	sadd.s32 $0x280000, s16  }
0x29c: {  	[hbm4b:s24+s13] =	stream.strided.scatter [tilespmem:s3], [sflag:$0x2], $0x1000, s14, s13, $0x38;
	[tilespmem:$0x1D180] =	vst v63  }
0x29d: {  	s25 =	sadd.s32 $0x300000, s16  }
0x29e: {  	[hbm4b:s25+s13] =	stream.strided.scatter [tilespmem:s10], [sflag:$0x2], $0x1000, s14, s13, $0x38;
	[tilespmem:$0x1D180] =	vst v63  }
0x29f: {  	s26 =	sadd.s32 $0x380000, s16  }
0x2a0: {  	[hbm4b:s26+s13] =	stream.strided.scatter [tilespmem:s4], [sflag:$0x2], $0x1000, s14, s13, $0x38;
	[tilespmem:$0x1D180] =	vst v63  }
0x2a1: {  	s15 =	sadd.s32 $0x1, s15;
	s28 =	sadd.s32 $0x400000, s16  }
0x2a2: {  	[hbm4b:s28+s13] =	stream.strided.scatter [tilespmem:s5], [sflag:$0x2], $0x1000, s14, s13, $0x38;
	[tilespmem:$0x1D180] =	vst v63  }
0x2a3: {  	p0 =	sne.s32 s15, $0x10;
	s29 =	sadd.s32 $0x480000, s16  }
0x2a4: {  	[hbm4b:s29+s13] =	stream.strided.scatter [tilespmem:s6], [sflag:$0x2], $0x1000, s14, s13, $0x38;
	[tilespmem:$0x1D180] =	vst v63  }
.Ltmp5:
0x2a5: {  	_ = 	snop;
	(pc) =	sbr.rel @p0 .LBB2_8-.Ltmp5, $4  }
0x2a6: {  	s30 =	sadd.s32 $0x500000, s16  }
0x2a7: {  	[hbm4b:s30+s13] =	stream.strided.scatter [tilespmem:s8], [sflag:$0x2], $0x1000, s14, s13, $0x38;
	[tilespmem:$0x1D180] =	vst v63  }
0x2a8: {  	s16 =	sadd.s32 $0x580000, s16  }
0x2a9: {  	[hbm4b:s16+s13] =	stream.strided.scatter [tilespmem:s2], [sflag:$0x2], $0x1000, s14, s13, $0x38;
	[tilespmem:$0x1D180] =	vst v63  }
0x2aa: {  	s9 =	simm.s32 $0x1  }
0x2ab: {  	_ =	swait.ge [sflag:s9], $0xC000  }
0x2ac: {  	[sflag:s9] =	ssyncset.done $0x0  }
0x2ad: {  	s15 =	simm.s32 $0x2;
	[sflag:s9] =	ssyncadd.s32 $0xFFFF4000  }
0x2ae: {  	_ =	swait.ge [sflag:s15], $0xC000  }
0x2af: {  	s16 =	rddreg [dreg:$0x7]  }
0x2b0: {  	s30 =	rddreg [dreg:$0x6];
	s16 =	sadd.s32 $0x1, s16  }
0x2b1: {  	p0 =	sne.s32 s16, s30  }
.Ltmp6:
0x2b2: {  	_ = 	snop;
	(pc) =	sbr.rel @p0 .LBB2_1-.Ltmp6, $3  }
0x2b3: {  	_ =	sdelay $0x1  }
0x2b4: {  	[sflag:s15] =	ssyncset.done $0x0  }
0x2b5: {  	[sflag:s15] =	ssyncadd.s32 $0xFFFF4000  }
0x2b6: {  	_ =	sfence.sel $0x180000  }
0x2b7: {  	[bflag:$0x0] =	sbarrier.arrive $0xFFFF  }
0x2b8: {  	_ =	strace $0x90000047  }
0x2b9: {  	s0 =	stileid.u32;
	[bflag:$0x2] =	sbarrier.arrive $0xFFFF  }
0x2ba: {  	p0 =	sne.s32 s0, $0x0;
	s0 =	rddreg [dreg:$0x2]  }
0x2bb: {  	s0 =	sadd.s32 @!p0 $0x100000, s0  }
0x2bc: {  	[sflag:s0] =	ssyncadd.tile.s32 @!p0 $0x1;
	_ =	shalt  }
.Lfunc_end2:
_tile_overlayer_lowered:
.L_overlay_start_2:
0x2bd: {  	(tag) =	ssettag $0x2  }
0x2be: {  	s0 =	rddreg [dreg:$0x0];
	s2 =	stileid.u32  }
0x2bf: {  	s1 =	rddreg [dreg:$0x1];
	p0 =	sne.s32 s2, $0x0  }
0x2c0: {  	s3 =	rddreg [dreg:$0x2];
	[bflag:$0x3] =	sbarrier.arrive $0xFFFF;
	s2 =	simm.s32 @!p0 $0x1C03  }
0x2c1: {  	[timem:s3], [sflag:s2] =	dma.local @!p0 [hbm:s0], s1  }
0x2c2: {  	s0 =	simm.s32 @!p0 $0x3  }
0x2c3: {  	_ =	swait.ge @!p0 [sflag:s0], s1  }
0x2c4: {  	s1 =	ssub.s32 @!p0 $0x0, s1;
	[sflag:s0] =	ssyncset.done @!p0 $0x0  }
0x2c5: {  	[sflag:s0] =	ssyncadd.s32 @!p0 s1  }
0x2c6: {  	[bflag:$0x3] =	sbarrier.arrive $0xFFFF  }
0x2c7: {  	_ =	shalt  }

</sc_bundles>
